<compile_context>
chip_gen: v7x
topology: tpu7x:2x2x1
jax: 0.10.2.dev20260603
libtpu: 0.0.44.dev20260713+nightly
codegen_flags: <defaults>
</compile_context>

<pallas_src>
import functools

import jax
import jax.numpy as jnp
import numpy as np
from jax import lax
from jax.experimental import pallas as pl
from jax.experimental.pallas import tpu as pltpu
from jax.experimental.pallas import tpu_sc as plsc

SCORE_THR = 0.05
MAX_NUM = 100
N = 5000
C = 20
L = 16
NP = 5008
NV = NP // L
KCAP = 128
OPAD = 128
NCORES = 2
NSUB = 16
BIG = np.int32(1 << 30)

_mesh = plsc.VectorSubcoreMesh(
    core_axis_name="c", subcore_axis_name="s",
    num_cores=NCORES, num_subcores=NSUB)

_f32 = np.float32
_i32 = np.int32


def _wid():
    return lax.axis_index("s") * NCORES + lax.axis_index("c")


def _sload(ref, idx):
    return ref[pl.ds(idx, L)][0]


def _sstore(ref, idx, val, lane0):
    plsc.store_scatter(
        ref, [jnp.full((L,), idx, _i32)], jnp.full((L,), val), mask=lane0)


NB = 256
CH = 112
NTASK = 2 * C


@functools.partial(
    pl.kernel,
    out_type=[jax.ShapeDtypeStruct((C, KCAP), _f32)] * 5
    + [jax.ShapeDtypeStruct((C, KCAP), _i32)],
    mesh=_mesh,
    compiler_params=pltpu.CompilerParams(needs_layout_passes=False, use_tc_tiling_on_sc=False),
    scratch_types=[
        pltpu.VMEM((NP,), _f32),
        pltpu.VMEM((NP + L,), _f32),
        pltpu.VMEM((NP + L,), _f32),
        pltpu.VMEM((NP + L,), _f32),
        pltpu.VMEM((NP + L,), _f32),
        pltpu.VMEM((NP,), _i32),
        pltpu.VMEM((NB * L,), _i32),
        pltpu.VMEM((NSUB * L,), _f32),
        pltpu.VMEM((NP,), _f32),
        pltpu.VMEM((L,), _f32),
        pltpu.VMEM_SHARED((NSUB * L,), _f32),
        pltpu.VMEM((NP + L,), _f32),
        pltpu.VMEM((NP + L,), _i32),
        pltpu.VMEM((NP + L,), _f32),
        pltpu.VMEM((NP + L,), _f32),
        pltpu.VMEM((NP + L,), _f32),
        pltpu.VMEM((NP + L,), _f32),
        pltpu.VMEM((NP + L,), _f32),
        pltpu.VMEM((KCAP,), _f32),
        pltpu.VMEM((KCAP,), _f32),
        pltpu.VMEM((KCAP,), _f32),
        pltpu.VMEM((KCAP,), _f32),
        pltpu.VMEM((KCAP,), _f32),
        pltpu.VMEM((KCAP,), _i32),
        pltpu.VMEM((KCAP,), _f32),
        pltpu.VMEM((KCAP,), _f32),
        pltpu.VMEM((KCAP,), _f32),
        pltpu.VMEM((KCAP,), _f32),
        pltpu.VMEM((KCAP,), _f32),
        pltpu.VMEM((KCAP,), _i32),
    ],
)
def _nms_kernel(s_hbm, bb_hbm,
                osc_hbm, ox1_hbm, oy1_hbm, ox2_hbm, oy2_hbm, on_hbm,
                sv, gx1, gy1, gx2, gy2,
                bkt, hist, mbuf, slab, accb, shm, cs, cidx,
                cx1, cy1, cx2, cy2, car,
                ks, kx1, ky1, kx2, ky2, kn, kbx1, kby1, kbx2, kby2, kbar,
                sel):
    wid = _wid()
    iota = lax.iota(_i32, L)
    lane0 = iota == 0
    ones = jnp.ones((L,), _i32)

    sid = lax.axis_index("s")

    def mslab(j, acc):
        return jnp.maximum(acc, slab[pl.ds(j * L, L)])

    def mtask(t, acc):
        tt = jnp.minimum(sid + t * NSUB, NTASK - 1)
        r = 4 * lax.div(tt, 2) + 2 + lax.rem(tt, 2)
        pltpu.sync_copy(bb_hbm.at[pl.ds(r * NP, NP)], slab)
        return lax.fori_loop(0, NV, mslab, acc)

    acc = lax.fori_loop(0, (NTASK + NSUB - 1) // NSUB, mtask,
                        jnp.full((L,), -1e30, _f32))
    accb[...] = acc
    pltpu.sync_copy(accb, shm.at[pl.ds(sid * L, L)])
    plsc.subcore_barrier()
    pltpu.sync_copy(shm, mbuf)

    def mbody(j, acc):
        return jnp.maximum(acc, mbuf[pl.ds(j * L, L)])

    mxv = lax.fori_loop(0, NSUB, mbody, jnp.full((L,), -1e30, _f32))
    gmax = jnp.max(mxv)

    @pl.when(wid < C)
    def _():
        pltpu.sync_copy(s_hbm.at[pl.ds(wid * NP, NP)], sv)
        base = 4 * wid * NP
        pltpu.sync_copy(bb_hbm.at[pl.ds(base, NP)], gx1.at[pl.ds(0, NP)])
        pltpu.sync_copy(bb_hbm.at[pl.ds(base + NP, NP)],
                        gy1.at[pl.ds(0, NP)])
        pltpu.sync_copy(bb_hbm.at[pl.ds(base + 2 * NP, NP)],
                        gx2.at[pl.ds(0, NP)])
        pltpu.sync_copy(bb_hbm.at[pl.ds(base + 3 * NP, NP)],
                        gy2.at[pl.ds(0, NP)])
        off = wid.astype(_f32) * (gmax + _f32(1.0))

        def hz(j, _):
            hist[pl.ds(j * L, L)] = jnp.zeros((L,), _i32)
            return 0

        lax.fori_loop(0, NB, hz, 0)

        def p1(j, vcnt):
            sl = pl.ds(j * L, L)
            s = sv[sl]
            s = jnp.where(s > _f32(SCORE_THR), s, _f32(-1.0))
            sv[sl] = s
            valid = s > _f32(0.0)
            b = jnp.clip((s * _f32(NB)).astype(_i32), 0, NB - 1)
            bkt[sl] = jnp.where(valid, b, -1)
            plsc.addupdate_scatter(hist, [b * L + iota], ones, mask=valid)
            return vcnt + plsc.all_reduce_population_count(valid)[0]

        vcnt = lax.fori_loop(0, NV, p1, _i32(0))

        def ki(j, _):
            sl = pl.ds(j * L, L)
            ks[sl] = jnp.full((L,), -1.0, _f32)
            kx1[sl] = jnp.zeros((L,), _f32)
            ky1[sl] = jnp.zeros((L,), _f32)
            kx2[sl] = jnp.zeros((L,), _f32)
            ky2[sl] = jnp.zeros((L,), _f32)
            kn[sl] = jnp.zeros((L,), _i32)
            return 0

        lax.fori_loop(0, KCAP // L, ki, 0)

        def outer_cond(st):
            cnt, bp, rem = st
            return (cnt < MAX_NUM) & (rem > 0) & (bp >= 0)

        def outer_body(st):
            cnt, bp, rem = st

            def wcond(ws):
                acc, bptr = ws
                return (acc < CH) & (bptr >= 0)

            def wbody(ws):
                acc, bptr = ws
                cb = jnp.sum(hist[pl.ds(bptr * L, L)])
                return acc + cb, bptr - 1

            acc, bptr = lax.while_loop(wcond, wbody, (_i32(0), bp))
            b_lo = bptr + 1
            rem = rem - acc

            def coll(j, wp):
                sl = pl.ds(j * L, L)
                b = bkt[sl]
                msk = (b >= b_lo) & (b <= bp)
                plsc.store_compressed(cs.at[pl.ds(wp, L)], sv[sl], mask=msk)
                plsc.store_compressed(cidx.at[pl.ds(wp, L)],
                                      j * L + iota, mask=msk)
                return wp + plsc.all_reduce_population_count(msk)[0]

            m_sz = lax.fori_loop(0, NV, coll, _i32(0))
            cs[pl.ds(m_sz, L)] = jnp.full((L,), -1.0, _f32)
            cidx[pl.ds(m_sz, L)] = jnp.zeros((L,), _i32)
            mv = lax.div(m_sz + (L - 1), _i32(L))

            def cg(j, _):
                sl = pl.ds(j * L, L)
                iv = cidx[sl]
                x1 = plsc.load_gather(gx1, [iv]) + off
                y1 = plsc.load_gather(gy1, [iv]) + off
                x2 = plsc.load_gather(gx2, [iv]) + off
                y2 = plsc.load_gather(gy2, [iv]) + off
                cx1[sl] = x1
                cy1[sl] = y1
                cx2[sl] = x2
                cy2[sl] = y2
                car[sl] = (x2 - x1) * (y2 - y1)
                return 0

            lax.fori_loop(0, mv, cg, 0)

            def kchk(k, _):
                bx1 = _sload(kbx1, k)
                by1 = _sload(kby1, k)
                bx2 = _sload(kbx2, k)
                by2 = _sload(kby2, k)
                bar = _sload(kbar, k)

                def kchk_j(j, _2):
                    sl = pl.ds(j * L, L)
                    inter = (jnp.maximum(
                        jnp.minimum(bx2, cx2[sl]) - jnp.maximum(bx1, cx1[sl]),
                        _f32(0.0))
                        * jnp.maximum(
                        jnp.minimum(by2, cy2[sl]) - jnp.maximum(by1, cy1[sl]),
                        _f32(0.0)))
                    den = (bar + car[sl]) - inter + _f32(1e-9)
                    cs[sl] = jnp.where(inter / den > _f32(0.5), _f32(-1.0),
                                       cs[sl])
                    return 0

                lax.fori_loop(0, mv, kchk_j, 0)
                return 0

            lax.fori_loop(0, cnt, kchk, 0)

            def am(j, carry):
                bv, bi = carry
                s = cs[pl.ds(j * L, L)]
                li = j * L + iota
                upd = s > bv
                return jnp.where(upd, s, bv), jnp.where(upd, li, bi)

            bv0, bi0 = lax.fori_loop(
                0, mv, am,
                (jnp.full((L,), -2.0, _f32), jnp.zeros((L,), _i32)))

            def cond(carry):
                cnt2, m, _, _ = carry
                return (cnt2 < MAX_NUM) & (m > _f32(0.0))

            def body(carry):
                cnt2, m, bv, bi = carry
                cand = jnp.where(bv == m, bi, BIG)
                lsel = jnp.full((L,), jnp.min(cand), _i32)
                cntv = jnp.full((L,), cnt2, _i32)
                plsc.store_scatter(sel, [cntv], lsel, mask=lane0)
                bx1 = plsc.load_gather(cx1, [lsel])
                by1 = plsc.load_gather(cy1, [lsel])
                bx2 = plsc.load_gather(cx2, [lsel])
                by2 = plsc.load_gather(cy2, [lsel])
                bar = plsc.load_gather(car, [lsel])

                def sup(j, carry2):
                    bv2, bi2 = carry2
                    sl = pl.ds(j * L, L)
                    s = cs[sl]
                    inter = (jnp.maximum(
                        jnp.minimum(bx2, cx2[sl]) - jnp.maximum(bx1, cx1[sl]),
                        _f32(0.0))
                        * jnp.maximum(
                        jnp.minimum(by2, cy2[sl]) - jnp.maximum(by1, cy1[sl]),
                        _f32(0.0)))
                    den = (bar + car[sl]) - inter + _f32(1e-9)
                    s = jnp.where(inter / den > _f32(0.5), _f32(-1.0), s)
                    cs[sl] = s
                    li = j * L + iota
                    upd = s > bv2
                    return (jnp.where(upd, s, bv2), jnp.where(upd, li, bi2))

                bv2, bi2 = lax.fori_loop(
                    0, mv, sup,
                    (jnp.full((L,), -2.0, _f32), jnp.zeros((L,), _i32)))
                return cnt2 + 1, jnp.max(bv2), bv2, bi2

            cnt1, _, _, _ = lax.while_loop(
                cond, body, (cnt, jnp.max(bv0), bv0, bi0))

            def ep(j, _):
                kv = j * L + iota
                ok = (kv >= cnt) & (kv < cnt1)
                ls = jnp.where(ok, sel[pl.ds(j * L, L)], 0)
                nsl = plsc.load_gather(cidx, [ls])
                plsc.store_scatter(ks, [kv], plsc.load_gather(sv, [nsl]),
                                   mask=ok)
                plsc.store_scatter(kx1, [kv], plsc.load_gather(gx1, [nsl]),
                                   mask=ok)
                plsc.store_scatter(ky1, [kv], plsc.load_gather(gy1, [nsl]),
                                   mask=ok)
                plsc.store_scatter(kx2, [kv], plsc.load_gather(gx2, [nsl]),
                                   mask=ok)
                plsc.store_scatter(ky2, [kv], plsc.load_gather(gy2, [nsl]),
                                   mask=ok)
                plsc.store_scatter(kn, [kv], nsl, mask=ok)
                plsc.store_scatter(kbx1, [kv], plsc.load_gather(cx1, [ls]),
                                   mask=ok)
                plsc.store_scatter(kby1, [kv], plsc.load_gather(cy1, [ls]),
                                   mask=ok)
                plsc.store_scatter(kbx2, [kv], plsc.load_gather(cx2, [ls]),
                                   mask=ok)
                plsc.store_scatter(kby2, [kv], plsc.load_gather(cy2, [ls]),
                                   mask=ok)
                plsc.store_scatter(kbar, [kv], plsc.load_gather(car, [ls]),
                                   mask=ok)
                return 0

            lax.fori_loop(lax.div(cnt, _i32(L)),
                          lax.div(cnt1 + (L - 1), _i32(L)), ep, 0)
            return cnt1, bptr, rem

        lax.while_loop(outer_cond, outer_body, (_i32(0), _i32(NB - 1), vcnt))

        pltpu.sync_copy(ks, osc_hbm.at[wid])
        pltpu.sync_copy(kx1, ox1_hbm.at[wid])
        pltpu.sync_copy(ky1, oy1_hbm.at[wid])
        pltpu.sync_copy(kx2, ox2_hbm.at[wid])
        pltpu.sync_copy(ky2, oy2_hbm.at[wid])
        pltpu.sync_copy(kn, on_hbm.at[wid])


@functools.partial(
    pl.kernel,
    out_type=[jax.ShapeDtypeStruct((OPAD * 5,), _f32),
              jax.ShapeDtypeStruct((OPAD,), _i32)],
    mesh=_mesh,
    compiler_params=pltpu.CompilerParams(needs_layout_passes=False, use_tc_tiling_on_sc=False),
    scratch_types=[
        pltpu.VMEM((C * KCAP + L,), _f32),
        pltpu.VMEM((C * KCAP + L,), _f32),
        pltpu.VMEM((C * KCAP + L,), _f32),
        pltpu.VMEM((C * KCAP + L,), _f32),
        pltpu.VMEM((C * KCAP + L,), _f32),
        pltpu.VMEM((C * KCAP + L,), _i32),
        pltpu.VMEM((2 * L,), _f32),
        pltpu.VMEM((2 * L,), _i32),
        pltpu.SMEM((2 * L,), _i32),
        pltpu.VMEM((OPAD * 5,), _f32),
        pltpu.VMEM((OPAD,), _i32),
        pltpu.VMEM((OPAD,), _i32),
    ],
)
def _merge_kernel(sc_hbm, x1_hbm, y1_hbm, x2_hbm, y2_hbm, n_hbm,
                  dets_hbm, labels_hbm,
                  vsc, vx1, vy1, vx2, vy2, vn, hs, hn, hp, dv, lv, sb):
    wid = _wid()
    iota = lax.iota(_i32, L)
    lane0 = iota == 0

    @pl.when(wid == 0)
    def _():
        pltpu.sync_copy(sc_hbm, vsc.at[pl.ds(0, C * KCAP)])
        pltpu.sync_copy(x1_hbm, vx1.at[pl.ds(0, C * KCAP)])
        pltpu.sync_copy(y1_hbm, vy1.at[pl.ds(0, C * KCAP)])
        pltpu.sync_copy(x2_hbm, vx2.at[pl.ds(0, C * KCAP)])
        pltpu.sync_copy(y2_hbm, vy2.at[pl.ds(0, C * KCAP)])
        pltpu.sync_copy(n_hbm, vn.at[pl.ds(0, C * KCAP)])

        for half in range(2):
            cv = iota + half * L
            cidx = jnp.minimum(cv, C - 1) * KCAP
            h = plsc.load_gather(vsc, [cidx])
            hs[pl.ds(half * L, L)] = jnp.where(cv < C, h, _f32(-1.0))
            nh = plsc.load_gather(vn, [cidx])
            hn[pl.ds(half * L, L)] = jnp.where(cv < C, nh, _i32(0))

        def pinit(c, _):
            hp[c] = _i32(0)
            return 0

        lax.fori_loop(0, 2 * L, pinit, 0)

        def sinit(k, _):
            sb[pl.ds(k * L, L)] = jnp.full((L,), -1, _i32)
            return 0

        lax.fori_loop(0, OPAD // L, sinit, 0)

        def mbody(k, _):
            h1 = hs[pl.ds(0, L)]
            h2 = hs[pl.ds(L, L)]
            m = jnp.maximum(jnp.max(h1), jnp.max(h2))

            @pl.when(m > _f32(0.0))
            def _():
                n1 = hn[pl.ds(0, L)]
                n2 = hn[pl.ds(L, L)]
                fi1 = jnp.where(h1 == m, n1 * C + iota, BIG)
                fi2 = jnp.where(h2 == m, n2 * C + (iota + L), BIG)
                fi = jnp.minimum(jnp.min(fi1), jnp.min(fi2))
                csel = lax.rem(fi, _i32(C))
                p = hp[csel]
                base = csel * KCAP + p
                _sstore(sb, k, base, lane0)
                pn = p + 1
                hp[csel] = pn
                pc = jnp.minimum(pn, KCAP - 1)
                nxt = _sload(vsc, csel * KCAP + pc)
                _sstore(hs, csel, jnp.where(pn > KCAP - 1, _f32(-1.0), nxt),
                        lane0)
                _sstore(hn, csel, _sload(vn, csel * KCAP + pc), lane0)

            return 0

        lax.fori_loop(0, MAX_NUM, mbody, 0)

        allm = iota >= 0

        def epi(j, _):
            kv = j * L + iota
            b = sb[pl.ds(j * L, L)]
            ok = b >= 0
            bc = jnp.where(ok, b, 0)
            zero = jnp.zeros((L,), _f32)
            plsc.store_scatter(
                dv, [kv * 5],
                jnp.where(ok, plsc.load_gather(vx1, [bc]), zero), mask=allm)
            plsc.store_scatter(
                dv, [kv * 5 + 1],
                jnp.where(ok, plsc.load_gather(vy1, [bc]), zero), mask=allm)
            plsc.store_scatter(
                dv, [kv * 5 + 2],
                jnp.where(ok, plsc.load_gather(vx2, [bc]), zero), mask=allm)
            plsc.store_scatter(
                dv, [kv * 5 + 3],
                jnp.where(ok, plsc.load_gather(vy2, [bc]), zero), mask=allm)
            plsc.store_scatter(
                dv, [kv * 5 + 4],
                jnp.where(ok, plsc.load_gather(vsc, [bc]), zero), mask=allm)
            lv[pl.ds(j * L, L)] = jnp.where(
                ok, lax.shift_right_logical(bc, 7), -1)
            return 0

        lax.fori_loop(0, OPAD // L, epi, 0)

        pltpu.sync_copy(dv, dets_hbm)
        pltpu.sync_copy(lv, labels_hbm)


def kernel(multi_bboxes, multi_scores):
    pad = ((0, 0), (0, NP - N))
    bbt = jnp.pad(multi_bboxes.T, pad)
    st = jnp.pad(multi_scores.T[:C], pad)
    k_sc, k_x1, k_y1, k_x2, k_y2, k_n = _nms_kernel(
        st.reshape(-1), bbt.reshape(-1))
    dets_pad, labels_pad = _merge_kernel(
        k_sc.reshape(-1), k_x1.reshape(-1), k_y1.reshape(-1),
        k_x2.reshape(-1), k_y2.reshape(-1), k_n.reshape(-1))
    dets = dets_pad.reshape(OPAD, 5)[:MAX_NUM]
    labels = labels_pad[:MAX_NUM]
    return dets, labels

# --- scband reference (transcript-rebuilt; emitter-appended) ---
"""Pipeline reference for scband-standard-ro-ihead-v2-50173807952007 (READ-ONLY COPY).

The authoritative reference and input builder live on the scoring server;
editing this copy changes nothing except your own understanding.
"""

import jax, jax.numpy as jnp
import numpy as np

SCORE_THR = 0.05
IOU_THR = 0.5
MAX_NUM = 100
N_PROPOSALS = 5000
NUM_CLASSES = 20


def setup_inputs(seed: int = 0) -> dict:
    key = jax.random.key(seed)
    k1, k2, k3, k4, k5 = jax.random.split(key, 5)
    N, C = N_PROPOSALS, NUM_CLASSES
    x1 = jax.random.uniform(k1, (N, C)) * 400.0
    y1 = jax.random.uniform(k2, (N, C)) * 400.0
    w = jax.random.uniform(k3, (N, C)) * 112.0 + 1.0
    h = jax.random.uniform(k4, (N, C)) * 112.0 + 1.0
    multi_bboxes = jnp.stack([x1, y1, x1 + w, y1 + h], axis=-1).reshape(N, C * 4).astype(jnp.float32)
    multi_scores = jax.random.uniform(k5, (N, C + 1)).astype(jnp.float32)
    return {"multi_bboxes": multi_bboxes, "multi_scores": multi_scores}


def _iou_one_vs_all(box, boxes):
    # box: [4], boxes: [M, 4]
    ix1 = jnp.maximum(box[0], boxes[:, 0])
    iy1 = jnp.maximum(box[1], boxes[:, 1])
    ix2 = jnp.minimum(box[2], boxes[:, 2])
    iy2 = jnp.minimum(box[3], boxes[:, 3])
    inter = jnp.clip(ix2 - ix1, 0.0) * jnp.clip(iy2 - iy1, 0.0)
    area1 = (box[2] - box[0]) * (box[3] - box[1])
    area2 = (boxes[:, 2] - boxes[:, 0]) * (boxes[:, 3] - boxes[:, 1])
    return inter / (area1 + area2 - inter + 1e-9)


def _multiclass_nms(multi_bboxes, multi_scores):
    # Faithful fixed-shape translation of mmdet multiclass_nms + class-aware batched_nms.
    # Instead of masked_select (dynamic shapes), invalid entries get score -1 and are
    # never selected by the greedy NMS loop; output is padded to MAX_NUM (max_per_img).
    N = multi_scores.shape[0]
    C = multi_scores.shape[1] - 1
    if multi_bboxes.shape[1] > 4:
        bboxes = multi_bboxes.reshape(N, C, 4)
    else:
        bboxes = jnp.broadcast_to(multi_bboxes[:, None, :], (N, C, 4))
    scores = multi_scores[:, :-1]
    valid_mask = scores > SCORE_THR
    boxes_flat = bboxes.reshape(N * C, 4)
    scores_flat = jnp.where(valid_mask, scores, -1.0).reshape(N * C)
    labels_flat = jnp.tile(jnp.arange(C, dtype=jnp.int32), N)
    # batched_nms: offset boxes of different classes so they never overlap
    max_coord = jax.lax.stop_gradient(boxes_flat.max())
    offsets = labels_flat.astype(boxes_flat.dtype) * (max_coord + 1.0)
    boxes_off = boxes_flat + offsets[:, None]
    s = scores_flat
    dets = []
    det_labels = []
    for _ in range(MAX_NUM):
        i = jnp.argmax(s)
        sc = s[i]
        valid_det = sc > 0.0
        box = boxes_off[i]
        iou = _iou_one_vs_all(box, boxes_off)
        det = jnp.where(valid_det,
                        jnp.concatenate([boxes_flat[i], sc[None]]),
                        jnp.zeros(5, boxes_flat.dtype))
        dets.append(det)
        det_labels.append(jnp.where(valid_det, labels_flat[i], jnp.int32(-1)))
        s = jnp.where(iou > IOU_THR, -1.0, s)
    return jnp.stack(dets, 0), jnp.stack(det_labels, 0)


def reference(multi_bboxes, multi_scores):
    dets, labels = _multiclass_nms(multi_bboxes, multi_scores)
    return dets, labels

if __name__ == "__main__":
    import jax
    _d = setup_inputs()
    print(jax.jit(kernel)(*tuple(_d.values())))

</pallas_src>

<mosaic_0001>
#map = affine_map<(d0, d1) -> (0)>
#map1 = affine_map<(d0, d1) -> (0, 0)>
module attributes {stable_mosaic.version = 14 : i64} {
  func.func @_nms_kernel(%arg0: i32, %arg1: i32, %arg2: memref<100160xf32, #tpu.memory_space<hbm>>, %arg3: memref<400640xf32, #tpu.memory_space<hbm>>, %arg4: memref<20x128xf32, #tpu.memory_space<hbm>>, %arg5: memref<20x128xf32, #tpu.memory_space<hbm>>, %arg6: memref<20x128xf32, #tpu.memory_space<hbm>>, %arg7: memref<20x128xf32, #tpu.memory_space<hbm>>, %arg8: memref<20x128xf32, #tpu.memory_space<hbm>>, %arg9: memref<20x128xi32, #tpu.memory_space<hbm>>, %arg10: memref<5008xf32, #tpu.memory_space<vmem>>, %arg11: memref<5024xf32, #tpu.memory_space<vmem>>, %arg12: memref<5024xf32, #tpu.memory_space<vmem>>, %arg13: memref<5024xf32, #tpu.memory_space<vmem>>, %arg14: memref<5024xf32, #tpu.memory_space<vmem>>, %arg15: memref<5008xi32, #tpu.memory_space<vmem>>, %arg16: memref<4096xi32, #tpu.memory_space<vmem>>, %arg17: memref<256xf32, #tpu.memory_space<vmem>>, %arg18: memref<5008xf32, #tpu.memory_space<vmem>>, %arg19: memref<16xf32, #tpu.memory_space<vmem>>, %arg20: memref<256xf32, #tpu.memory_space<vmem_shared>>, %arg21: memref<5024xf32, #tpu.memory_space<vmem>>, %arg22: memref<5024xi32, #tpu.memory_space<vmem>>, %arg23: memref<5024xf32, #tpu.memory_space<vmem>>, %arg24: memref<5024xf32, #tpu.memory_space<vmem>>, %arg25: memref<5024xf32, #tpu.memory_space<vmem>>, %arg26: memref<5024xf32, #tpu.memory_space<vmem>>, %arg27: memref<5024xf32, #tpu.memory_space<vmem>>, %arg28: memref<128xf32, #tpu.memory_space<vmem>>, %arg29: memref<128xf32, #tpu.memory_space<vmem>>, %arg30: memref<128xf32, #tpu.memory_space<vmem>>, %arg31: memref<128xf32, #tpu.memory_space<vmem>>, %arg32: memref<128xf32, #tpu.memory_space<vmem>>, %arg33: memref<128xi32, #tpu.memory_space<vmem>>, %arg34: memref<128xf32, #tpu.memory_space<vmem>>, %arg35: memref<128xf32, #tpu.memory_space<vmem>>, %arg36: memref<128xf32, #tpu.memory_space<vmem>>, %arg37: memref<128xf32, #tpu.memory_space<vmem>>, %arg38: memref<128xf32, #tpu.memory_space<vmem>>, %arg39: memref<128xi32, #tpu.memory_space<vmem>>) attributes {dimension_semantics = [#tpu.dimension_semantics<core_parallel>, #tpu.dimension_semantics<subcore_parallel>], iteration_bounds = array<i64: 2, 16>, scalar_prefetch = 0 : i64, scratch_operands = 30 : i64, tpu.core_type = #tpu.core_type<sc_vector_subcore>, window_params = [{transform_indices = #map}, {transform_indices = #map}, {transform_indices = #map1}, {transform_indices = #map1}, {transform_indices = #map1}, {transform_indices = #map1}, {transform_indices = #map1}, {transform_indices = #map1}]} {
    %mul3A = arith.constant 2 : i32
    %mul3A_0 = arith.muli %arg1, %mul3A : i32
    %add3A = arith.addi %mul3A_0, %arg0 : i32
    %iota3A = tpu.iota {dimensions = array<i32: 0>} : vector<16xi32>
    %eq3A = arith.constant 0 : i32
    %eq3A_1 = vector.broadcast %eq3A : i32 to vector<16xi32>
    %eq3A_2 = arith.cmpi eq, %iota3A, %eq3A_1 : vector<16xi32>
    %broadcast_in_dim3A = arith.constant 1 : i32
    %broadcast_in_dim3A_3 = vector.broadcast %broadcast_in_dim3A : i32 to vector<16xi32>
    %broadcast_in_dim3A_4 = arith.constant -1.000000e+30 : f32
    %broadcast_in_dim3A_5 = vector.broadcast %broadcast_in_dim3A_4 : f32 to vector<16xf32>
    %scan3A = arith.constant 0 : i32
    %scan3A_6 = arith.constant 3 : i32
    %scan3A_7 = arith.addi %scan3A, %scan3A_6 : i32
    %scan3A_8 = arith.constant 1 : i32
    %scan3A_9 = scf.for %scan3A_27 = %scan3A to %scan3A_7 step %scan3A_8 iter_args(%scan3A_28 = %broadcast_in_dim3A_5) -> (vector<16xf32>)  : i32 {
      %mul3A_29 = arith.constant 16 : i32
      %mul3A_30 = arith.muli %scan3A_27, %mul3A_29 : i32
      %add3A_31 = arith.addi %arg1, %mul3A_30 : i32
      %min3A = arith.constant 39 : i32
      %min3A_32 = arith.minsi %add3A_31, %min3A : i32
      %div3A = arith.constant 2 : i32
      %div3A_33 = arith.divsi %min3A_32, %div3A : i32
      %mul3A_34 = arith.constant 4 : i32
      %mul3A_35 = arith.muli %mul3A_34, %div3A_33 : i32
      %add3A_36 = arith.constant 2 : i32
      %add3A_37 = arith.addi %mul3A_35, %add3A_36 : i32
      %rem3A = arith.constant 2 : i32
      %rem3A_38 = arith.remsi %min3A_32, %rem3A : i32
      %add3A_39 = arith.addi %add3A_37, %rem3A_38 : i32
      %mul3A_40 = arith.constant 5008 : i32
      %mul3A_41 = arith.muli %add3A_39, %mul3A_40 : i32
      "tpu.region"() ({
        %run_scoped3A = tpu.sem_alloc : memref<!tpu.dma_semaphore, #tpu.memory_space<semaphore_mem>>
        %dma_start3A = tpu.memref_slice %arg3[%mul3A_41] : memref<400640xf32, #tpu.memory_space<hbm>> -> memref<5008xf32, #tpu.memory_space<hbm>>
        %dma_start3A_48 = tpu.memref_slice %arg3[%mul3A_41] : memref<400640xf32, #tpu.memory_space<hbm>> -> memref<5008xf32, #tpu.memory_space<hbm>>
        tpu.enqueue_dma source(%dma_start3A_48 : memref<5008xf32, #tpu.memory_space<hbm>>) target(%arg18 : memref<5008xf32, #tpu.memory_space<vmem>>) target_semaphore(%run_scoped3A : memref<!tpu.dma_semaphore, #tpu.memory_space<semaphore_mem>>)
        %dma_wait3A = tpu.memref_slice %arg3[%mul3A_41] : memref<400640xf32, #tpu.memory_space<hbm>> -> memref<5008xf32, #tpu.memory_space<hbm>>
        %dma_wait3A_49 = tpu.memref_slice %arg3[%mul3A_41] : memref<400640xf32, #tpu.memory_space<hbm>> -> memref<5008xf32, #tpu.memory_space<hbm>>
        tpu.wait_dma2 semaphore(%run_scoped3A : memref<!tpu.dma_semaphore, #tpu.memory_space<semaphore_mem>>) src(%dma_wait3A_49 : memref<5008xf32, #tpu.memory_space<hbm>>) dst(%arg18 : memref<5008xf32, #tpu.memory_space<vmem>>)
        tpu.yield
      }) : () -> ()
      %scan3A_42 = arith.constant 0 : i32
      %scan3A_43 = arith.constant 313 : i32
      %scan3A_44 = arith.addi %scan3A_42, %scan3A_43 : i32
      %scan3A_45 = arith.constant 1 : i32
      %scan3A_46 = scf.for %scan3A_48 = %scan3A_42 to %scan3A_44 step %scan3A_45 iter_args(%scan3A_49 = %scan3A_28) -> (vector<16xf32>)  : i32 {
        %mul3A_50 = arith.constant 16 : i32
        %mul3A_51 = arith.muli %scan3A_48, %mul3A_50 : i32
        %get3A = arith.index_cast %mul3A_51 : i32 to index
        %get3A_52 = tpu.vector_load %arg18[%get3A] {strides = array<i32>} : memref<5008xf32, #tpu.memory_space<vmem>>, vector<16xf32>,
        %max3A = arith.maximumf %scan3A_49, %get3A_52 : vector<16xf32>
        scf.yield %max3A : vector<16xf32>
      }
      %scan3A_47 = arith.constant 313 : i32
      scf.yield %scan3A_46 : vector<16xf32>
    }
    %scan3A_10 = arith.constant 3 : i32
    %swap3A = arith.constant 0 : index
    %swap3A_11 = tpu.vector_load %arg19[%swap3A] {strides = array<i32>} : memref<16xf32, #tpu.memory_space<vmem>>, vector<16xf32>,
    tpu.vector_store %arg19[%swap3A], %scan3A_9 {strides = array<i32>} : memref<16xf32, #tpu.memory_space<vmem>>, vector<16xf32>,
    %mul3A_12 = arith.constant 16 : i32
    %mul3A_13 = arith.muli %arg1, %mul3A_12 : i32
    "tpu.region"() ({
      %run_scoped3A = tpu.sem_alloc : memref<!tpu.dma_semaphore, #tpu.memory_space<semaphore_mem>>
      %dma_start3A = tpu.memref_slice %arg20[%mul3A_13] : memref<256xf32, #tpu.memory_space<vmem_shared>> -> memref<16xf32, #tpu.memory_space<vmem_shared>>
      %dma_start3A_27 = tpu.memref_slice %arg20[%mul3A_13] : memref<256xf32, #tpu.memory_space<vmem_shared>> -> memref<16xf32, #tpu.memory_space<vmem_shared>>
      tpu.enqueue_dma source(%arg19 : memref<16xf32, #tpu.memory_space<vmem>>) target(%dma_start3A_27 : memref<16xf32, #tpu.memory_space<vmem_shared>>) target_semaphore(%run_scoped3A : memref<!tpu.dma_semaphore, #tpu.memory_space<semaphore_mem>>)
      %dma_wait3A = tpu.memref_slice %arg20[%mul3A_13] : memref<256xf32, #tpu.memory_space<vmem_shared>> -> memref<16xf32, #tpu.memory_space<vmem_shared>>
      %dma_wait3A_28 = tpu.memref_slice %arg20[%mul3A_13] : memref<256xf32, #tpu.memory_space<vmem_shared>> -> memref<16xf32, #tpu.memory_space<vmem_shared>>
      tpu.wait_dma2 semaphore(%run_scoped3A : memref<!tpu.dma_semaphore, #tpu.memory_space<semaphore_mem>>) src(%arg19 : memref<16xf32, #tpu.memory_space<vmem>>) dst(%dma_wait3A_28 : memref<16xf32, #tpu.memory_space<vmem_shared>>)
      tpu.yield
    }) : () -> ()
    %barrier3A = arith.constant 0 : index
    tpu.barrier barrier_id(%barrier3A)
    "tpu.region"() ({
      %run_scoped3A = tpu.sem_alloc : memref<!tpu.dma_semaphore, #tpu.memory_space<semaphore_mem>>
      tpu.enqueue_dma source(%arg20 : memref<256xf32, #tpu.memory_space<vmem_shared>>) target(%arg17 : memref<256xf32, #tpu.memory_space<vmem>>) target_semaphore(%run_scoped3A : memref<!tpu.dma_semaphore, #tpu.memory_space<semaphore_mem>>)
      tpu.wait_dma2 semaphore(%run_scoped3A : memref<!tpu.dma_semaphore, #tpu.memory_space<semaphore_mem>>) src(%arg20 : memref<256xf32, #tpu.memory_space<vmem_shared>>) dst(%arg17 : memref<256xf32, #tpu.memory_space<vmem>>)
      tpu.yield
    }) : () -> ()
    %broadcast_in_dim3A_14 = arith.constant -1.000000e+30 : f32
    %broadcast_in_dim3A_15 = vector.broadcast %broadcast_in_dim3A_14 : f32 to vector<16xf32>
    %scan3A_16 = arith.constant 0 : i32
    %scan3A_17 = arith.constant 16 : i32
    %scan3A_18 = arith.addi %scan3A_16, %scan3A_17 : i32
    %scan3A_19 = arith.constant 1 : i32
    %scan3A_20 = scf.for %scan3A_27 = %scan3A_16 to %scan3A_18 step %scan3A_19 iter_args(%scan3A_28 = %broadcast_in_dim3A_15) -> (vector<16xf32>)  : i32 {
      %mul3A_29 = arith.constant 16 : i32
      %mul3A_30 = arith.muli %scan3A_27, %mul3A_29 : i32
      %get3A = arith.index_cast %mul3A_30 : i32 to index
      %get3A_31 = tpu.vector_load %arg17[%get3A] {strides = array<i32>} : memref<256xf32, #tpu.memory_space<vmem>>, vector<16xf32>,
      %max3A = arith.maximumf %scan3A_28, %get3A_31 : vector<16xf32>
      scf.yield %max3A : vector<16xf32>
    }
    %scan3A_21 = arith.constant 16 : i32
    %reduce_max3A = arith.constant true
    %reduce_max3A_22 = vector.broadcast %reduce_max3A : i1 to vector<16xi1>
    %reduce_max3A_23 = tpu.scan <max>, %scan3A_20 masked %reduce_max3A_22 : vector<16xf32>, vector<16xi1> -> vector<16xf32>
    %reduce_max3A_24 = vector.extract %reduce_max3A_23[15] : f32 from vector<16xf32>
    %lt3A = arith.constant 20 : i32
    %lt3A_25 = arith.cmpi slt, %add3A, %lt3A : i32
    %convert_element_type3A = arith.extui %lt3A_25 : i1 to i32
    %cond3A = arith.constant 0 : i32
    %cond3A_26 = arith.cmpi ne, %convert_element_type3A, %cond3A : i32
    scf.if %cond3A_26 {
      %mul3A_27 = arith.constant 5008 : i32
      %mul3A_28 = arith.muli %add3A, %mul3A_27 : i32
      "tpu.region"() ({
        %run_scoped3A = tpu.sem_alloc : memref<!tpu.dma_semaphore, #tpu.memory_space<semaphore_mem>>
        %dma_start3A = tpu.memref_slice %arg2[%mul3A_28] : memref<100160xf32, #tpu.memory_space<hbm>> -> memref<5008xf32, #tpu.memory_space<hbm>>
        %dma_start3A_66 = tpu.memref_slice %arg2[%mul3A_28] : memref<100160xf32, #tpu.memory_space<hbm>> -> memref<5008xf32, #tpu.memory_space<hbm>>
        tpu.enqueue_dma source(%dma_start3A_66 : memref<5008xf32, #tpu.memory_space<hbm>>) target(%arg10 : memref<5008xf32, #tpu.memory_space<vmem>>) target_semaphore(%run_scoped3A : memref<!tpu.dma_semaphore, #tpu.memory_space<semaphore_mem>>)
        %dma_wait3A = tpu.memref_slice %arg2[%mul3A_28] : memref<100160xf32, #tpu.memory_space<hbm>> -> memref<5008xf32, #tpu.memory_space<hbm>>
        %dma_wait3A_67 = tpu.memref_slice %arg2[%mul3A_28] : memref<100160xf32, #tpu.memory_space<hbm>> -> memref<5008xf32, #tpu.memory_space<hbm>>
        tpu.wait_dma2 semaphore(%run_scoped3A : memref<!tpu.dma_semaphore, #tpu.memory_space<semaphore_mem>>) src(%dma_wait3A_67 : memref<5008xf32, #tpu.memory_space<hbm>>) dst(%arg10 : memref<5008xf32, #tpu.memory_space<vmem>>)
        tpu.yield
      }) : () -> ()
      %mul3A_29 = arith.constant 4 : i32
      %mul3A_30 = arith.muli %mul3A_29, %add3A : i32
      %mul3A_31 = arith.constant 5008 : i32
      %mul3A_32 = arith.muli %mul3A_30, %mul3A_31 : i32
      "tpu.region"() ({
        %run_scoped3A = tpu.sem_alloc : memref<!tpu.dma_semaphore, #tpu.memory_space<semaphore_mem>>
        %dma_start3A = arith.constant 0 : i32
        %dma_start3A_66 = tpu.memref_slice %arg11[%dma_start3A] : memref<5024xf32, #tpu.memory_space<vmem>> -> memref<5008xf32, #tpu.memory_space<vmem>>
        %dma_start3A_67 = tpu.memref_slice %arg3[%mul3A_32] : memref<400640xf32, #tpu.memory_space<hbm>> -> memref<5008xf32, #tpu.memory_space<hbm>>
        %dma_start3A_68 = arith.constant 0 : i32
        %dma_start3A_69 = tpu.memref_slice %arg11[%dma_start3A_68] : memref<5024xf32, #tpu.memory_space<vmem>> -> memref<5008xf32, #tpu.memory_space<vmem>>
        %dma_start3A_70 = tpu.memref_slice %arg3[%mul3A_32] : memref<400640xf32, #tpu.memory_space<hbm>> -> memref<5008xf32, #tpu.memory_space<hbm>>
        tpu.enqueue_dma source(%dma_start3A_70 : memref<5008xf32, #tpu.memory_space<hbm>>) target(%dma_start3A_69 : memref<5008xf32, #tpu.memory_space<vmem>>) target_semaphore(%run_scoped3A : memref<!tpu.dma_semaphore, #tpu.memory_space<semaphore_mem>>)
        %dma_wait3A = arith.constant 0 : i32
        %dma_wait3A_71 = tpu.memref_slice %arg11[%dma_wait3A] : memref<5024xf32, #tpu.memory_space<vmem>> -> memref<5008xf32, #tpu.memory_space<vmem>>
        %dma_wait3A_72 = tpu.memref_slice %arg3[%mul3A_32] : memref<400640xf32, #tpu.memory_space<hbm>> -> memref<5008xf32, #tpu.memory_space<hbm>>
        %dma_wait3A_73 = arith.constant 0 : i32
        %dma_wait3A_74 = tpu.memref_slice %arg11[%dma_wait3A_73] : memref<5024xf32, #tpu.memory_space<vmem>> -> memref<5008xf32, #tpu.memory_space<vmem>>
        %dma_wait3A_75 = tpu.memref_slice %arg3[%mul3A_32] : memref<400640xf32, #tpu.memory_space<hbm>> -> memref<5008xf32, #tpu.memory_space<hbm>>
        tpu.wait_dma2 semaphore(%run_scoped3A : memref<!tpu.dma_semaphore, #tpu.memory_space<semaphore_mem>>) src(%dma_wait3A_75 : memref<5008xf32, #tpu.memory_space<hbm>>) dst(%dma_wait3A_74 : memref<5008xf32, #tpu.memory_space<vmem>>)
        tpu.yield
      }) : () -> ()
      %add3A_33 = arith.constant 5008 : i32
      %add3A_34 = arith.addi %mul3A_32, %add3A_33 : i32
      "tpu.region"() ({
        %run_scoped3A = tpu.sem_alloc : memref<!tpu.dma_semaphore, #tpu.memory_space<semaphore_mem>>
        %dma_start3A = arith.constant 0 : i32
        %dma_start3A_66 = tpu.memref_slice %arg12[%dma_start3A] : memref<5024xf32, #tpu.memory_space<vmem>> -> memref<5008xf32, #tpu.memory_space<vmem>>
        %dma_start3A_67 = tpu.memref_slice %arg3[%add3A_34] : memref<400640xf32, #tpu.memory_space<hbm>> -> memref<5008xf32, #tpu.memory_space<hbm>>
        %dma_start3A_68 = arith.constant 0 : i32
        %dma_start3A_69 = tpu.memref_slice %arg12[%dma_start3A_68] : memref<5024xf32, #tpu.memory_space<vmem>> -> memref<5008xf32, #tpu.memory_space<vmem>>
        %dma_start3A_70 = tpu.memref_slice %arg3[%add3A_34] : memref<400640xf32, #tpu.memory_space<hbm>> -> memref<5008xf32, #tpu.memory_space<hbm>>
        tpu.enqueue_dma source(%dma_start3A_70 : memref<5008xf32, #tpu.memory_space<hbm>>) target(%dma_start3A_69 : memref<5008xf32, #tpu.memory_space<vmem>>) target_semaphore(%run_scoped3A : memref<!tpu.dma_semaphore, #tpu.memory_space<semaphore_mem>>)
        %dma_wait3A = arith.constant 0 : i32
        %dma_wait3A_71 = tpu.memref_slice %arg12[%dma_wait3A] : memref<5024xf32, #tpu.memory_space<vmem>> -> memref<5008xf32, #tpu.memory_space<vmem>>
        %dma_wait3A_72 = tpu.memref_slice %arg3[%add3A_34] : memref<400640xf32, #tpu.memory_space<hbm>> -> memref<5008xf32, #tpu.memory_space<hbm>>
        %dma_wait3A_73 = arith.constant 0 : i32
        %dma_wait3A_74 = tpu.memref_slice %arg12[%dma_wait3A_73] : memref<5024xf32, #tpu.memory_space<vmem>> -> memref<5008xf32, #tpu.memory_space<vmem>>
        %dma_wait3A_75 = tpu.memref_slice %arg3[%add3A_34] : memref<400640xf32, #tpu.memory_space<hbm>> -> memref<5008xf32, #tpu.memory_space<hbm>>
        tpu.wait_dma2 semaphore(%run_scoped3A : memref<!tpu.dma_semaphore, #tpu.memory_space<semaphore_mem>>) src(%dma_wait3A_75 : memref<5008xf32, #tpu.memory_space<hbm>>) dst(%dma_wait3A_74 : memref<5008xf32, #tpu.memory_space<vmem>>)
        tpu.yield
      }) : () -> ()
      %add3A_35 = arith.constant 10016 : i32
      %add3A_36 = arith.addi %mul3A_32, %add3A_35 : i32
      "tpu.region"() ({
        %run_scoped3A = tpu.sem_alloc : memref<!tpu.dma_semaphore, #tpu.memory_space<semaphore_mem>>
        %dma_start3A = arith.constant 0 : i32
        %dma_start3A_66 = tpu.memref_slice %arg13[%dma_start3A] : memref<5024xf32, #tpu.memory_space<vmem>> -> memref<5008xf32, #tpu.memory_space<vmem>>
        %dma_start3A_67 = tpu.memref_slice %arg3[%add3A_36] : memref<400640xf32, #tpu.memory_space<hbm>> -> memref<5008xf32, #tpu.memory_space<hbm>>
        %dma_start3A_68 = arith.constant 0 : i32
        %dma_start3A_69 = tpu.memref_slice %arg13[%dma_start3A_68] : memref<5024xf32, #tpu.memory_space<vmem>> -> memref<5008xf32, #tpu.memory_space<vmem>>
        %dma_start3A_70 = tpu.memref_slice %arg3[%add3A_36] : memref<400640xf32, #tpu.memory_space<hbm>> -> memref<5008xf32, #tpu.memory_space<hbm>>
        tpu.enqueue_dma source(%dma_start3A_70 : memref<5008xf32, #tpu.memory_space<hbm>>) target(%dma_start3A_69 : memref<5008xf32, #tpu.memory_space<vmem>>) target_semaphore(%run_scoped3A : memref<!tpu.dma_semaphore, #tpu.memory_space<semaphore_mem>>)
        %dma_wait3A = arith.constant 0 : i32
        %dma_wait3A_71 = tpu.memref_slice %arg13[%dma_wait3A] : memref<5024xf32, #tpu.memory_space<vmem>> -> memref<5008xf32, #tpu.memory_space<vmem>>
        %dma_wait3A_72 = tpu.memref_slice %arg3[%add3A_36] : memref<400640xf32, #tpu.memory_space<hbm>> -> memref<5008xf32, #tpu.memory_space<hbm>>
        %dma_wait3A_73 = arith.constant 0 : i32
        %dma_wait3A_74 = tpu.memref_slice %arg13[%dma_wait3A_73] : memref<5024xf32, #tpu.memory_space<vmem>> -> memref<5008xf32, #tpu.memory_space<vmem>>
        %dma_wait3A_75 = tpu.memref_slice %arg3[%add3A_36] : memref<400640xf32, #tpu.memory_space<hbm>> -> memref<5008xf32, #tpu.memory_space<hbm>>
        tpu.wait_dma2 semaphore(%run_scoped3A : memref<!tpu.dma_semaphore, #tpu.memory_space<semaphore_mem>>) src(%dma_wait3A_75 : memref<5008xf32, #tpu.memory_space<hbm>>) dst(%dma_wait3A_74 : memref<5008xf32, #tpu.memory_space<vmem>>)
        tpu.yield
      }) : () -> ()
      %add3A_37 = arith.constant 15024 : i32
      %add3A_38 = arith.addi %mul3A_32, %add3A_37 : i32
      "tpu.region"() ({
        %run_scoped3A = tpu.sem_alloc : memref<!tpu.dma_semaphore, #tpu.memory_space<semaphore_mem>>
        %dma_start3A = arith.constant 0 : i32
        %dma_start3A_66 = tpu.memref_slice %arg14[%dma_start3A] : memref<5024xf32, #tpu.memory_space<vmem>> -> memref<5008xf32, #tpu.memory_space<vmem>>
        %dma_start3A_67 = tpu.memref_slice %arg3[%add3A_38] : memref<400640xf32, #tpu.memory_space<hbm>> -> memref<5008xf32, #tpu.memory_space<hbm>>
        %dma_start3A_68 = arith.constant 0 : i32
        %dma_start3A_69 = tpu.memref_slice %arg14[%dma_start3A_68] : memref<5024xf32, #tpu.memory_space<vmem>> -> memref<5008xf32, #tpu.memory_space<vmem>>
        %dma_start3A_70 = tpu.memref_slice %arg3[%add3A_38] : memref<400640xf32, #tpu.memory_space<hbm>> -> memref<5008xf32, #tpu.memory_space<hbm>>
        tpu.enqueue_dma source(%dma_start3A_70 : memref<5008xf32, #tpu.memory_space<hbm>>) target(%dma_start3A_69 : memref<5008xf32, #tpu.memory_space<vmem>>) target_semaphore(%run_scoped3A : memref<!tpu.dma_semaphore, #tpu.memory_space<semaphore_mem>>)
        %dma_wait3A = arith.constant 0 : i32
        %dma_wait3A_71 = tpu.memref_slice %arg14[%dma_wait3A] : memref<5024xf32, #tpu.memory_space<vmem>> -> memref<5008xf32, #tpu.memory_space<vmem>>
        %dma_wait3A_72 = tpu.memref_slice %arg3[%add3A_38] : memref<400640xf32, #tpu.memory_space<hbm>> -> memref<5008xf32, #tpu.memory_space<hbm>>
        %dma_wait3A_73 = arith.constant 0 : i32
        %dma_wait3A_74 = tpu.memref_slice %arg14[%dma_wait3A_73] : memref<5024xf32, #tpu.memory_space<vmem>> -> memref<5008xf32, #tpu.memory_space<vmem>>
        %dma_wait3A_75 = tpu.memref_slice %arg3[%add3A_38] : memref<400640xf32, #tpu.memory_space<hbm>> -> memref<5008xf32, #tpu.memory_space<hbm>>
        tpu.wait_dma2 semaphore(%run_scoped3A : memref<!tpu.dma_semaphore, #tpu.memory_space<semaphore_mem>>) src(%dma_wait3A_75 : memref<5008xf32, #tpu.memory_space<hbm>>) dst(%dma_wait3A_74 : memref<5008xf32, #tpu.memory_space<vmem>>)
        tpu.yield
      }) : () -> ()
      %convert_element_type3A_39 = arith.sitofp %add3A : i32 to f32
      %add3A_40 = arith.constant 1.000000e+00 : f32
      %add3A_41 = arith.addf %reduce_max3A_24, %add3A_40 : f32
      %mul3A_42 = arith.mulf %convert_element_type3A_39, %add3A_41 : f32
      %scan3A_43 = arith.constant 0 : i32
      %scan3A_44 = arith.constant 0 : i32
      %scan3A_45 = arith.constant 256 : i32
      %scan3A_46 = arith.addi %scan3A_44, %scan3A_45 : i32
      %scan3A_47 = arith.constant 1 : i32
      %scan3A_48 = scf.for %scan3A_66 = %scan3A_44 to %scan3A_46 step %scan3A_47 iter_args(%scan3A_67 = %scan3A_43) -> (i32)  : i32 {
        %broadcast_in_dim3A_68 = arith.constant 0 : i32
        %broadcast_in_dim3A_69 = vector.broadcast %broadcast_in_dim3A_68 : i32 to vector<16xi32>
        %mul3A_70 = arith.constant 16 : i32
        %mul3A_71 = arith.muli %scan3A_66, %mul3A_70 : i32
        %swap3A_72 = arith.index_cast %mul3A_71 : i32 to index
        %swap3A_73 = tpu.vector_load %arg16[%swap3A_72] {strides = array<i32>} : memref<4096xi32, #tpu.memory_space<vmem>>, vector<16xi32>,
        tpu.vector_store %arg16[%swap3A_72], %broadcast_in_dim3A_69 {strides = array<i32>} : memref<4096xi32, #tpu.memory_space<vmem>>, vector<16xi32>,
        %scan3A_74 = arith.constant 0 : i32
        scf.yield %scan3A_74 : i32
      }
      %scan3A_49 = arith.constant 256 : i32
      %scan3A_50 = arith.constant 0 : i32
      %scan3A_51 = arith.constant 0 : i32
      %scan3A_52 = arith.constant 313 : i32
      %scan3A_53 = arith.addi %scan3A_51, %scan3A_52 : i32
      %scan3A_54 = arith.constant 1 : i32
      %scan3A_55 = scf.for %scan3A_66 = %scan3A_51 to %scan3A_53 step %scan3A_54 iter_args(%scan3A_67 = %scan3A_50) -> (i32)  : i32 {
        %mul3A_68 = arith.constant 16 : i32
        %mul3A_69 = arith.muli %scan3A_66, %mul3A_68 : i32
        %get3A = arith.index_cast %mul3A_69 : i32 to index
        %get3A_70 = tpu.vector_load %arg10[%get3A] {strides = array<i32>} : memref<5008xf32, #tpu.memory_space<vmem>>, vector<16xf32>,
        %gt3A = arith.constant 5.000000e-02 : f32
        %gt3A_71 = vector.broadcast %gt3A : f32 to vector<16xf32>
        %gt3A_72 = arith.cmpf ogt, %get3A_70, %gt3A_71 : vector<16xf32>
        %jit3A = arith.constant -1.000000e+00 : f32
        %broadcast_in_dim3A_73 = vector.broadcast %jit3A : f32 to vector<16xf32>
        %select_n3A = arith.select %gt3A_72, %get3A_70, %broadcast_in_dim3A_73 : vector<16xi1>, vector<16xf32>
        %swap3A_74 = arith.index_cast %mul3A_69 : i32 to index
        %swap3A_75 = tpu.vector_load %arg10[%swap3A_74] {strides = array<i32>} : memref<5008xf32, #tpu.memory_space<vmem>>, vector<16xf32>,
        tpu.vector_store %arg10[%swap3A_74], %select_n3A {strides = array<i32>} : memref<5008xf32, #tpu.memory_space<vmem>>, vector<16xf32>,
        %gt3A_76 = arith.constant 0.000000e+00 : f32
        %gt3A_77 = vector.broadcast %gt3A_76 : f32 to vector<16xf32>
        %gt3A_78 = arith.cmpf ogt, %select_n3A, %gt3A_77 : vector<16xf32>
        %mul3A_79 = arith.constant 2.560000e+02 : f32
        %mul3A_80 = vector.broadcast %mul3A_79 : f32 to vector<16xf32>
        %mul3A_81 = arith.mulf %select_n3A, %mul3A_80 : vector<16xf32>
        %convert_element_type3A_82 = arith.fptosi %mul3A_81 : vector<16xf32> to vector<16xi32>
        %jit3A_83 = arith.constant 0 : i32
        %jit3A_84 = arith.constant 255 : i32
        %max3A = vector.broadcast %jit3A_83 : i32 to vector<16xi32>
        %max3A_85 = arith.maxsi %max3A, %convert_element_type3A_82 : vector<16xi32>
        %min3A = vector.broadcast %jit3A_84 : i32 to vector<16xi32>
        %min3A_86 = arith.minsi %min3A, %max3A_85 : vector<16xi32>
        %jit3A_87 = arith.constant -1 : i32
        %broadcast_in_dim3A_88 = vector.broadcast %jit3A_87 : i32 to vector<16xi32>
        %select_n3A_89 = arith.select %gt3A_78, %min3A_86, %broadcast_in_dim3A_88 : vector<16xi1>, vector<16xi32>
        %swap3A_90 = arith.index_cast %mul3A_69 : i32 to index
        %swap3A_91 = tpu.vector_load %arg15[%swap3A_90] {strides = array<i32>} : memref<5008xi32, #tpu.memory_space<vmem>>, vector<16xi32>,
        tpu.vector_store %arg15[%swap3A_90], %select_n3A_89 {strides = array<i32>} : memref<5008xi32, #tpu.memory_space<vmem>>, vector<16xi32>,
        %mul3A_92 = arith.constant 16 : i32
        %mul3A_93 = vector.broadcast %mul3A_92 : i32 to vector<16xi32>
        %mul3A_94 = arith.muli %min3A_86, %mul3A_93 : vector<16xi32>
        %add3A_95 = arith.addi %mul3A_94, %iota3A : vector<16xi32>
        tpu.vector_store_idx %arg16[%add3A_95], %broadcast_in_dim3A_3 masked %gt3A_78 {add = true} : memref<4096xi32, #tpu.memory_space<vmem>>[vector<16xi32>], vector<16xi32>, vector<16xi1>
        %all_reduce_population_count3A = tpu.all_reduce %gt3A_78 {dim = 0 : i64, kind = #tpu.reduction_kind<sum>} : vector<16xi1> -> vector<16xi32>
        %slice3A = vector.extract_strided_slice %all_reduce_population_count3A {offsets = [0], sizes = [1], strides = [1]} : vector<16xi32> to vector<1xi32>
        %squeeze3A = vector.extract %slice3A[0] : i32 from vector<1xi32>
        %add3A_96 = arith.addi %scan3A_67, %squeeze3A : i32
        scf.yield %add3A_96 : i32
      }
      %scan3A_56 = arith.constant 313 : i32
      %scan3A_57 = arith.constant 0 : i32
      %scan3A_58 = arith.constant 0 : i32
      %scan3A_59 = arith.constant 8 : i32
      %scan3A_60 = arith.addi %scan3A_58, %scan3A_59 : i32
      %scan3A_61 = arith.constant 1 : i32
      %scan3A_62 = scf.for %scan3A_66 = %scan3A_58 to %scan3A_60 step %scan3A_61 iter_args(%scan3A_67 = %scan3A_57) -> (i32)  : i32 {
        %mul3A_68 = arith.constant 16 : i32
        %mul3A_69 = arith.muli %scan3A_66, %mul3A_68 : i32
        %broadcast_in_dim3A_70 = arith.constant -1.000000e+00 : f32
        %broadcast_in_dim3A_71 = vector.broadcast %broadcast_in_dim3A_70 : f32 to vector<16xf32>
        %swap3A_72 = arith.index_cast %mul3A_69 : i32 to index
        %swap3A_73 = tpu.vector_load %arg28[%swap3A_72] {strides = array<i32>} : memref<128xf32, #tpu.memory_space<vmem>>, vector<16xf32>,
        tpu.vector_store %arg28[%swap3A_72], %broadcast_in_dim3A_71 {strides = array<i32>} : memref<128xf32, #tpu.memory_space<vmem>>, vector<16xf32>,
        %broadcast_in_dim3A_74 = arith.constant 0.000000e+00 : f32
        %broadcast_in_dim3A_75 = vector.broadcast %broadcast_in_dim3A_74 : f32 to vector<16xf32>
        %swap3A_76 = arith.index_cast %mul3A_69 : i32 to index
        %swap3A_77 = tpu.vector_load %arg29[%swap3A_76] {strides = array<i32>} : memref<128xf32, #tpu.memory_space<vmem>>, vector<16xf32>,
        tpu.vector_store %arg29[%swap3A_76], %broadcast_in_dim3A_75 {strides = array<i32>} : memref<128xf32, #tpu.memory_space<vmem>>, vector<16xf32>,
        %broadcast_in_dim3A_78 = arith.constant 0.000000e+00 : f32
        %broadcast_in_dim3A_79 = vector.broadcast %broadcast_in_dim3A_78 : f32 to vector<16xf32>
        %swap3A_80 = arith.index_cast %mul3A_69 : i32 to index
        %swap3A_81 = tpu.vector_load %arg30[%swap3A_80] {strides = array<i32>} : memref<128xf32, #tpu.memory_space<vmem>>, vector<16xf32>,
        tpu.vector_store %arg30[%swap3A_80], %broadcast_in_dim3A_79 {strides = array<i32>} : memref<128xf32, #tpu.memory_space<vmem>>, vector<16xf32>,
        %broadcast_in_dim3A_82 = arith.constant 0.000000e+00 : f32
        %broadcast_in_dim3A_83 = vector.broadcast %broadcast_in_dim3A_82 : f32 to vector<16xf32>
        %swap3A_84 = arith.index_cast %mul3A_69 : i32 to index
        %swap3A_85 = tpu.vector_load %arg31[%swap3A_84] {strides = array<i32>} : memref<128xf32, #tpu.memory_space<vmem>>, vector<16xf32>,
        tpu.vector_store %arg31[%swap3A_84], %broadcast_in_dim3A_83 {strides = array<i32>} : memref<128xf32, #tpu.memory_space<vmem>>, vector<16xf32>,
        %broadcast_in_dim3A_86 = arith.constant 0.000000e+00 : f32
        %broadcast_in_dim3A_87 = vector.broadcast %broadcast_in_dim3A_86 : f32 to vector<16xf32>
        %swap3A_88 = arith.index_cast %mul3A_69 : i32 to index
        %swap3A_89 = tpu.vector_load %arg32[%swap3A_88] {strides = array<i32>} : memref<128xf32, #tpu.memory_space<vmem>>, vector<16xf32>,
        tpu.vector_store %arg32[%swap3A_88], %broadcast_in_dim3A_87 {strides = array<i32>} : memref<128xf32, #tpu.memory_space<vmem>>, vector<16xf32>,
        %broadcast_in_dim3A_90 = arith.constant 0 : i32
        %broadcast_in_dim3A_91 = vector.broadcast %broadcast_in_dim3A_90 : i32 to vector<16xi32>
        %swap3A_92 = arith.index_cast %mul3A_69 : i32 to index
        %swap3A_93 = tpu.vector_load %arg33[%swap3A_92] {strides = array<i32>} : memref<128xi32, #tpu.memory_space<vmem>>, vector<16xi32>,
        tpu.vector_store %arg33[%swap3A_92], %broadcast_in_dim3A_91 {strides = array<i32>} : memref<128xi32, #tpu.memory_space<vmem>>, vector<16xi32>,
        %scan3A_94 = arith.constant 0 : i32
        scf.yield %scan3A_94 : i32
      }
      %scan3A_63 = arith.constant 8 : i32
      %while3A = arith.constant 0 : i32
      %while3A_64 = arith.constant 255 : i32
      %while3A_65:3 = scf.while (%while3A_66 = %while3A, %while3A_67 = %while3A_64, %while3A_68 = %scan3A_55) : (i32, i32, i32) -> (i32, i32, i32) {
        %lt3A_69 = arith.constant 100 : i32
        %lt3A_70 = arith.cmpi slt, %while3A_66, %lt3A_69 : i32
        %gt3A = arith.constant 0 : i32
        %gt3A_71 = arith.cmpi sgt, %while3A_68, %gt3A : i32
        %and3A = arith.andi %lt3A_70, %gt3A_71 : i1
        %ge3A = arith.constant 0 : i32
        %ge3A_72 = arith.cmpi sge, %while3A_67, %ge3A : i32
        %and3A_73 = arith.andi %and3A, %ge3A_72 : i1
        scf.condition(%and3A_73) %while3A_66, %while3A_67, %while3A_68 : i32, i32, i32
      } do {
      ^bb0(%while3A_66: i32, %while3A_67: i32, %while3A_68: i32):
        %while3A_69 = arith.constant 0 : i32
        %while3A_70:2 = scf.while (%while3A_152 = %while3A_69, %while3A_153 = %while3A_67) : (i32, i32) -> (i32, i32) {
          %lt3A_154 = arith.constant 112 : i32
          %lt3A_155 = arith.cmpi slt, %while3A_152, %lt3A_154 : i32
          %ge3A = arith.constant 0 : i32
          %ge3A_156 = arith.cmpi sge, %while3A_153, %ge3A : i32
          %and3A = arith.andi %lt3A_155, %ge3A_156 : i1
          scf.condition(%and3A) %while3A_152, %while3A_153 : i32, i32
        } do {
        ^bb0(%while3A_152: i32, %while3A_153: i32):
          %mul3A_154 = arith.constant 16 : i32
          %mul3A_155 = arith.muli %while3A_153, %mul3A_154 : i32
          %get3A = arith.index_cast %mul3A_155 : i32 to index
          %get3A_156 = tpu.vector_load %arg16[%get3A] {strides = array<i32>} : memref<4096xi32, #tpu.memory_space<vmem>>, vector<16xi32>,
          %reduce_sum3A = arith.constant true
          %reduce_sum3A_157 = vector.broadcast %reduce_sum3A : i1 to vector<16xi1>
          %reduce_sum3A_158 = tpu.scan <sum>, %get3A_156 masked %reduce_sum3A_157 : vector<16xi32>, vector<16xi1> -> vector<16xi32>
          %reduce_sum3A_159 = vector.extract %reduce_sum3A_158[15] : i32 from vector<16xi32>
          %add3A_160 = arith.addi %while3A_152, %reduce_sum3A_159 : i32
          %sub3A_161 = arith.constant 1 : i32
          %sub3A_162 = arith.subi %while3A_153, %sub3A_161 : i32
          scf.yield %add3A_160, %sub3A_162 : i32, i32
        }
        %add3A_71 = arith.constant 1 : i32
        %add3A_72 = arith.addi %while3A_70#1, %add3A_71 : i32
        %sub3A = arith.subi %while3A_68, %while3A_70#0 : i32
        %scan3A_73 = arith.constant 0 : i32
        %scan3A_74 = arith.constant 0 : i32
        %scan3A_75 = arith.constant 313 : i32
        %scan3A_76 = arith.addi %scan3A_74, %scan3A_75 : i32
        %scan3A_77 = arith.constant 1 : i32
        %scan3A_78 = scf.for %scan3A_152 = %scan3A_74 to %scan3A_76 step %scan3A_77 iter_args(%scan3A_153 = %scan3A_73) -> (i32)  : i32 {
          %mul3A_154 = arith.constant 16 : i32
          %mul3A_155 = arith.muli %scan3A_152, %mul3A_154 : i32
          %get3A = arith.index_cast %mul3A_155 : i32 to index
          %get3A_156 = tpu.vector_load %arg15[%get3A] {strides = array<i32>} : memref<5008xi32, #tpu.memory_space<vmem>>, vector<16xi32>,
          %ge3A = vector.broadcast %add3A_72 : i32 to vector<16xi32>
          %ge3A_157 = arith.cmpi sge, %get3A_156, %ge3A : vector<16xi32>
          %le3A = vector.broadcast %while3A_67 : i32 to vector<16xi32>
          %le3A_158 = arith.cmpi sle, %get3A_156, %le3A : vector<16xi32>
          %and3A = arith.andi %ge3A_157, %le3A_158 : vector<16xi1>
          %get3A_159 = arith.index_cast %mul3A_155 : i32 to index
          %get3A_160 = tpu.vector_load %arg10[%get3A_159] {strides = array<i32>} : memref<5008xf32, #tpu.memory_space<vmem>>, vector<16xf32>,
          %swap3A_161 = arith.index_cast %scan3A_153 : i32 to index
          %swap3A_162 = tpu.vector_load %arg21[%swap3A_161] masked %and3A {strides = array<i32>} : memref<5024xf32, #tpu.memory_space<vmem>>, vector<16xf32>, vector<16xi1>
          tpu.vector_store %arg21[%swap3A_161], %get3A_160 masked %and3A {strides = array<i32>} : memref<5024xf32, #tpu.memory_space<vmem>>, vector<16xf32>, vector<16xi1>
          %mul3A_163 = arith.constant 16 : i32
          %mul3A_164 = arith.muli %scan3A_152, %mul3A_163 : i32
          %add3A_165 = vector.broadcast %mul3A_164 : i32 to vector<16xi32>
          %add3A_166 = arith.addi %add3A_165, %iota3A : vector<16xi32>
          %swap3A_167 = arith.index_cast %scan3A_153 : i32 to index
          %swap3A_168 = tpu.vector_load %arg22[%swap3A_167] masked %and3A {strides = array<i32>} : memref<5024xi32, #tpu.memory_space<vmem>>, vector<16xi32>, vector<16xi1>
          tpu.vector_store %arg22[%swap3A_167], %add3A_166 masked %and3A {strides = array<i32>} : memref<5024xi32, #tpu.memory_space<vmem>>, vector<16xi32>, vector<16xi1>
          %all_reduce_population_count3A = tpu.all_reduce %and3A {dim = 0 : i64, kind = #tpu.reduction_kind<sum>} : vector<16xi1> -> vector<16xi32>
          %slice3A = vector.extract_strided_slice %all_reduce_population_count3A {offsets = [0], sizes = [1], strides = [1]} : vector<16xi32> to vector<1xi32>
          %squeeze3A = vector.extract %slice3A[0] : i32 from vector<1xi32>
          %add3A_169 = arith.addi %scan3A_153, %squeeze3A : i32
          scf.yield %add3A_169 : i32
        }
        %scan3A_79 = arith.constant 313 : i32
        %broadcast_in_dim3A_80 = arith.constant -1.000000e+00 : f32
        %broadcast_in_dim3A_81 = vector.broadcast %broadcast_in_dim3A_80 : f32 to vector<16xf32>
        %swap3A_82 = arith.index_cast %scan3A_78 : i32 to index
        %swap3A_83 = tpu.vector_load %arg21[%swap3A_82] {strides = array<i32>} : memref<5024xf32, #tpu.memory_space<vmem>>, vector<16xf32>,
        tpu.vector_store %arg21[%swap3A_82], %broadcast_in_dim3A_81 {strides = array<i32>} : memref<5024xf32, #tpu.memory_space<vmem>>, vector<16xf32>,
        %broadcast_in_dim3A_84 = arith.constant 0 : i32
        %broadcast_in_dim3A_85 = vector.broadcast %broadcast_in_dim3A_84 : i32 to vector<16xi32>
        %swap3A_86 = arith.index_cast %scan3A_78 : i32 to index
        %swap3A_87 = tpu.vector_load %arg22[%swap3A_86] {strides = array<i32>} : memref<5024xi32, #tpu.memory_space<vmem>>, vector<16xi32>,
        tpu.vector_store %arg22[%swap3A_86], %broadcast_in_dim3A_85 {strides = array<i32>} : memref<5024xi32, #tpu.memory_space<vmem>>, vector<16xi32>,
        %add3A_88 = arith.constant 15 : i32
        %add3A_89 = arith.addi %scan3A_78, %add3A_88 : i32
        %div3A = arith.constant 16 : i32
        %div3A_90 = arith.divsi %add3A_89, %div3A : i32
        %while3A_91 = arith.constant 0 : i32
        %while3A_92 = arith.constant 0 : i32
        %while3A_93 = arith.subi %div3A_90, %while3A_91 : i32
        %while3A_94 = arith.addi %while3A_91, %while3A_93 : i32
        %while3A_95 = arith.constant 1 : i32
        %while3A_96 = arith.divsi %while3A_93, %while3A_95 : i32
        %while3A_97 = arith.muli %while3A_96, %while3A_95 : i32
        %while3A_98 = arith.addi %while3A_91, %while3A_97 : i32
        %while3A_99 = arith.constant 1 : i32
        %while3A_100 = scf.for %while3A_152 = %while3A_91 to %while3A_98 step %while3A_99 iter_args(%while3A_153 = %while3A_92) -> (i32)  : i32 {
          %mul3A_154 = arith.constant 16 : i32
          %mul3A_155 = arith.muli %while3A_152, %mul3A_154 : i32
          %get3A = arith.index_cast %mul3A_155 : i32 to index
          %get3A_156 = tpu.vector_load %arg22[%get3A] {strides = array<i32>} : memref<5024xi32, #tpu.memory_space<vmem>>, vector<16xi32>,
          %gather3A = tpu.vector_load_idx %arg11[%get3A_156] : memref<5024xf32, #tpu.memory_space<vmem>>[vector<16xi32>], vector<16xf32>,
          %add3A_157 = vector.broadcast %mul3A_42 : f32 to vector<16xf32>
          %add3A_158 = arith.addf %gather3A, %add3A_157 : vector<16xf32>
          %gather3A_159 = tpu.vector_load_idx %arg12[%get3A_156] : memref<5024xf32, #tpu.memory_space<vmem>>[vector<16xi32>], vector<16xf32>,
          %add3A_160 = vector.broadcast %mul3A_42 : f32 to vector<16xf32>
          %add3A_161 = arith.addf %gather3A_159, %add3A_160 : vector<16xf32>
          %gather3A_162 = tpu.vector_load_idx %arg13[%get3A_156] : memref<5024xf32, #tpu.memory_space<vmem>>[vector<16xi32>], vector<16xf32>,
          %add3A_163 = vector.broadcast %mul3A_42 : f32 to vector<16xf32>
          %add3A_164 = arith.addf %gather3A_162, %add3A_163 : vector<16xf32>
          %gather3A_165 = tpu.vector_load_idx %arg14[%get3A_156] : memref<5024xf32, #tpu.memory_space<vmem>>[vector<16xi32>], vector<16xf32>,
          %add3A_166 = vector.broadcast %mul3A_42 : f32 to vector<16xf32>
          %add3A_167 = arith.addf %gather3A_165, %add3A_166 : vector<16xf32>
          %swap3A_168 = arith.index_cast %mul3A_155 : i32 to index
          %swap3A_169 = tpu.vector_load %arg23[%swap3A_168] {strides = array<i32>} : memref<5024xf32, #tpu.memory_space<vmem>>, vector<16xf32>,
          tpu.vector_store %arg23[%swap3A_168], %add3A_158 {strides = array<i32>} : memref<5024xf32, #tpu.memory_space<vmem>>, vector<16xf32>,
          %swap3A_170 = arith.index_cast %mul3A_155 : i32 to index
          %swap3A_171 = tpu.vector_load %arg24[%swap3A_170] {strides = array<i32>} : memref<5024xf32, #tpu.memory_space<vmem>>, vector<16xf32>,
          tpu.vector_store %arg24[%swap3A_170], %add3A_161 {strides = array<i32>} : memref<5024xf32, #tpu.memory_space<vmem>>, vector<16xf32>,
          %swap3A_172 = arith.index_cast %mul3A_155 : i32 to index
          %swap3A_173 = tpu.vector_load %arg25[%swap3A_172] {strides = array<i32>} : memref<5024xf32, #tpu.memory_space<vmem>>, vector<16xf32>,
          tpu.vector_store %arg25[%swap3A_172], %add3A_164 {strides = array<i32>} : memref<5024xf32, #tpu.memory_space<vmem>>, vector<16xf32>,
          %swap3A_174 = arith.index_cast %mul3A_155 : i32 to index
          %swap3A_175 = tpu.vector_load %arg26[%swap3A_174] {strides = array<i32>} : memref<5024xf32, #tpu.memory_space<vmem>>, vector<16xf32>,
          tpu.vector_store %arg26[%swap3A_174], %add3A_167 {strides = array<i32>} : memref<5024xf32, #tpu.memory_space<vmem>>, vector<16xf32>,
          %sub3A_176 = arith.subf %add3A_164, %add3A_158 : vector<16xf32>
          %sub3A_177 = arith.subf %add3A_167, %add3A_161 : vector<16xf32>
          %mul3A_178 = arith.mulf %sub3A_176, %sub3A_177 : vector<16xf32>
          %swap3A_179 = arith.index_cast %mul3A_155 : i32 to index
          %swap3A_180 = tpu.vector_load %arg27[%swap3A_179] {strides = array<i32>} : memref<5024xf32, #tpu.memory_space<vmem>>, vector<16xf32>,
          tpu.vector_store %arg27[%swap3A_179], %mul3A_178 {strides = array<i32>} : memref<5024xf32, #tpu.memory_space<vmem>>, vector<16xf32>,
          %while3A_181 = arith.constant 0 : i32
          scf.yield %while3A_181 : i32
        }
        %while3A_101 = arith.constant 1 : i32
        %while3A_102 = scf.for %while3A_152 = %while3A_98 to %while3A_94 step %while3A_101 iter_args(%while3A_153 = %while3A_100) -> (i32)  : i32 {
          %mul3A_154 = arith.constant 16 : i32
          %mul3A_155 = arith.muli %while3A_152, %mul3A_154 : i32
          %get3A = arith.index_cast %mul3A_155 : i32 to index
          %get3A_156 = tpu.vector_load %arg22[%get3A] {strides = array<i32>} : memref<5024xi32, #tpu.memory_space<vmem>>, vector<16xi32>,
          %gather3A = tpu.vector_load_idx %arg11[%get3A_156] : memref<5024xf32, #tpu.memory_space<vmem>>[vector<16xi32>], vector<16xf32>,
          %add3A_157 = vector.broadcast %mul3A_42 : f32 to vector<16xf32>
          %add3A_158 = arith.addf %gather3A, %add3A_157 : vector<16xf32>
          %gather3A_159 = tpu.vector_load_idx %arg12[%get3A_156] : memref<5024xf32, #tpu.memory_space<vmem>>[vector<16xi32>], vector<16xf32>,
          %add3A_160 = vector.broadcast %mul3A_42 : f32 to vector<16xf32>
          %add3A_161 = arith.addf %gather3A_159, %add3A_160 : vector<16xf32>
          %gather3A_162 = tpu.vector_load_idx %arg13[%get3A_156] : memref<5024xf32, #tpu.memory_space<vmem>>[vector<16xi32>], vector<16xf32>,
          %add3A_163 = vector.broadcast %mul3A_42 : f32 to vector<16xf32>
          %add3A_164 = arith.addf %gather3A_162, %add3A_163 : vector<16xf32>
          %gather3A_165 = tpu.vector_load_idx %arg14[%get3A_156] : memref<5024xf32, #tpu.memory_space<vmem>>[vector<16xi32>], vector<16xf32>,
          %add3A_166 = vector.broadcast %mul3A_42 : f32 to vector<16xf32>
          %add3A_167 = arith.addf %gather3A_165, %add3A_166 : vector<16xf32>
          %swap3A_168 = arith.index_cast %mul3A_155 : i32 to index
          %swap3A_169 = tpu.vector_load %arg23[%swap3A_168] {strides = array<i32>} : memref<5024xf32, #tpu.memory_space<vmem>>, vector<16xf32>,
          tpu.vector_store %arg23[%swap3A_168], %add3A_158 {strides = array<i32>} : memref<5024xf32, #tpu.memory_space<vmem>>, vector<16xf32>,
          %swap3A_170 = arith.index_cast %mul3A_155 : i32 to index
          %swap3A_171 = tpu.vector_load %arg24[%swap3A_170] {strides = array<i32>} : memref<5024xf32, #tpu.memory_space<vmem>>, vector<16xf32>,
          tpu.vector_store %arg24[%swap3A_170], %add3A_161 {strides = array<i32>} : memref<5024xf32, #tpu.memory_space<vmem>>, vector<16xf32>,
          %swap3A_172 = arith.index_cast %mul3A_155 : i32 to index
          %swap3A_173 = tpu.vector_load %arg25[%swap3A_172] {strides = array<i32>} : memref<5024xf32, #tpu.memory_space<vmem>>, vector<16xf32>,
          tpu.vector_store %arg25[%swap3A_172], %add3A_164 {strides = array<i32>} : memref<5024xf32, #tpu.memory_space<vmem>>, vector<16xf32>,
          %swap3A_174 = arith.index_cast %mul3A_155 : i32 to index
          %swap3A_175 = tpu.vector_load %arg26[%swap3A_174] {strides = array<i32>} : memref<5024xf32, #tpu.memory_space<vmem>>, vector<16xf32>,
          tpu.vector_store %arg26[%swap3A_174], %add3A_167 {strides = array<i32>} : memref<5024xf32, #tpu.memory_space<vmem>>, vector<16xf32>,
          %sub3A_176 = arith.subf %add3A_164, %add3A_158 : vector<16xf32>
          %sub3A_177 = arith.subf %add3A_167, %add3A_161 : vector<16xf32>
          %mul3A_178 = arith.mulf %sub3A_176, %sub3A_177 : vector<16xf32>
          %swap3A_179 = arith.index_cast %mul3A_155 : i32 to index
          %swap3A_180 = tpu.vector_load %arg27[%swap3A_179] {strides = array<i32>} : memref<5024xf32, #tpu.memory_space<vmem>>, vector<16xf32>,
          tpu.vector_store %arg27[%swap3A_179], %mul3A_178 {strides = array<i32>} : memref<5024xf32, #tpu.memory_space<vmem>>, vector<16xf32>,
          %while3A_181 = arith.constant 0 : i32
          scf.yield %while3A_181 : i32
        }
        %while3A_103 = arith.constant 0 : i32
        %while3A_104 = arith.constant 0 : i32
        %while3A_105 = arith.subi %while3A_66, %while3A_103 : i32
        %while3A_106 = arith.addi %while3A_103, %while3A_105 : i32
        %while3A_107 = arith.constant 1 : i32
        %while3A_108 = arith.divsi %while3A_105, %while3A_107 : i32
        %while3A_109 = arith.muli %while3A_108, %while3A_107 : i32
        %while3A_110 = arith.addi %while3A_103, %while3A_109 : i32
        %while3A_111 = arith.constant 1 : i32
        %while3A_112 = scf.for %while3A_152 = %while3A_103 to %while3A_110 step %while3A_111 iter_args(%while3A_153 = %while3A_104) -> (i32)  : i32 {
          %get3A = arith.index_cast %while3A_152 : i32 to index
          %get3A_154 = tpu.vector_load %arg34[%get3A] {strides = array<i32>} : memref<128xf32, #tpu.memory_space<vmem>>, vector<16xf32>,
          %slice3A = vector.extract_strided_slice %get3A_154 {offsets = [0], sizes = [1], strides = [1]} : vector<16xf32> to vector<1xf32>
          %squeeze3A = vector.extract %slice3A[0] : f32 from vector<1xf32>
          %get3A_155 = arith.index_cast %while3A_152 : i32 to index
          %get3A_156 = tpu.vector_load %arg35[%get3A_155] {strides = array<i32>} : memref<128xf32, #tpu.memory_space<vmem>>, vector<16xf32>,
          %slice3A_157 = vector.extract_strided_slice %get3A_156 {offsets = [0], sizes = [1], strides = [1]} : vector<16xf32> to vector<1xf32>
          %squeeze3A_158 = vector.extract %slice3A_157[0] : f32 from vector<1xf32>
          %get3A_159 = arith.index_cast %while3A_152 : i32 to index
          %get3A_160 = tpu.vector_load %arg36[%get3A_159] {strides = array<i32>} : memref<128xf32, #tpu.memory_space<vmem>>, vector<16xf32>,
          %slice3A_161 = vector.extract_strided_slice %get3A_160 {offsets = [0], sizes = [1], strides = [1]} : vector<16xf32> to vector<1xf32>
          %squeeze3A_162 = vector.extract %slice3A_161[0] : f32 from vector<1xf32>
          %get3A_163 = arith.index_cast %while3A_152 : i32 to index
          %get3A_164 = tpu.vector_load %arg37[%get3A_163] {strides = array<i32>} : memref<128xf32, #tpu.memory_space<vmem>>, vector<16xf32>,
          %slice3A_165 = vector.extract_strided_slice %get3A_164 {offsets = [0], sizes = [1], strides = [1]} : vector<16xf32> to vector<1xf32>
          %squeeze3A_166 = vector.extract %slice3A_165[0] : f32 from vector<1xf32>
          %get3A_167 = arith.index_cast %while3A_152 : i32 to index
          %get3A_168 = tpu.vector_load %arg38[%get3A_167] {strides = array<i32>} : memref<128xf32, #tpu.memory_space<vmem>>, vector<16xf32>,
          %slice3A_169 = vector.extract_strided_slice %get3A_168 {offsets = [0], sizes = [1], strides = [1]} : vector<16xf32> to vector<1xf32>
          %squeeze3A_170 = vector.extract %slice3A_169[0] : f32 from vector<1xf32>
          %while3A_171 = arith.constant 0 : i32
          %while3A_172 = arith.constant 0 : i32
          %while3A_173 = arith.subi %div3A_90, %while3A_171 : i32
          %while3A_174 = arith.addi %while3A_171, %while3A_173 : i32
          %while3A_175 = arith.constant 1 : i32
          %while3A_176 = arith.divsi %while3A_173, %while3A_175 : i32
          %while3A_177 = arith.muli %while3A_176, %while3A_175 : i32
          %while3A_178 = arith.addi %while3A_171, %while3A_177 : i32
          %while3A_179 = arith.constant 1 : i32
          %while3A_180 = scf.for %while3A_184 = %while3A_171 to %while3A_178 step %while3A_179 iter_args(%while3A_185 = %while3A_172) -> (i32)  : i32 {
            %mul3A_186 = arith.constant 16 : i32
            %mul3A_187 = arith.muli %while3A_184, %mul3A_186 : i32
            %get3A_188 = arith.index_cast %mul3A_187 : i32 to index
            %get3A_189 = tpu.vector_load %arg25[%get3A_188] {strides = array<i32>} : memref<5024xf32, #tpu.memory_space<vmem>>, vector<16xf32>,
            %min3A = vector.broadcast %squeeze3A_162 : f32 to vector<16xf32>
            %min3A_190 = arith.minimumf %min3A, %get3A_189 : vector<16xf32>
            %get3A_191 = arith.index_cast %mul3A_187 : i32 to index
            %get3A_192 = tpu.vector_load %arg23[%get3A_191] {strides = array<i32>} : memref<5024xf32, #tpu.memory_space<vmem>>, vector<16xf32>,
            %max3A = vector.broadcast %squeeze3A : f32 to vector<16xf32>
            %max3A_193 = arith.maximumf %max3A, %get3A_192 : vector<16xf32>
            %sub3A_194 = arith.subf %min3A_190, %max3A_193 : vector<16xf32>
            %max3A_195 = arith.constant 0.000000e+00 : f32
            %max3A_196 = vector.broadcast %max3A_195 : f32 to vector<16xf32>
            %max3A_197 = arith.maximumf %sub3A_194, %max3A_196 : vector<16xf32>
            %get3A_198 = arith.index_cast %mul3A_187 : i32 to index
            %get3A_199 = tpu.vector_load %arg26[%get3A_198] {strides = array<i32>} : memref<5024xf32, #tpu.memory_space<vmem>>, vector<16xf32>,
            %min3A_200 = vector.broadcast %squeeze3A_166 : f32 to vector<16xf32>
            %min3A_201 = arith.minimumf %min3A_200, %get3A_199 : vector<16xf32>
            %get3A_202 = arith.index_cast %mul3A_187 : i32 to index
            %get3A_203 = tpu.vector_load %arg24[%get3A_202] {strides = array<i32>} : memref<5024xf32, #tpu.memory_space<vmem>>, vector<16xf32>,
            %max3A_204 = vector.broadcast %squeeze3A_158 : f32 to vector<16xf32>
            %max3A_205 = arith.maximumf %max3A_204, %get3A_203 : vector<16xf32>
            %sub3A_206 = arith.subf %min3A_201, %max3A_205 : vector<16xf32>
            %max3A_207 = arith.constant 0.000000e+00 : f32
            %max3A_208 = vector.broadcast %max3A_207 : f32 to vector<16xf32>
            %max3A_209 = arith.maximumf %sub3A_206, %max3A_208 : vector<16xf32>
            %mul3A_210 = arith.mulf %max3A_197, %max3A_209 : vector<16xf32>
            %get3A_211 = arith.index_cast %mul3A_187 : i32 to index
            %get3A_212 = tpu.vector_load %arg27[%get3A_211] {strides = array<i32>} : memref<5024xf32, #tpu.memory_space<vmem>>, vector<16xf32>,
            %add3A_213 = vector.broadcast %squeeze3A_170 : f32 to vector<16xf32>
            %add3A_214 = arith.addf %add3A_213, %get3A_212 : vector<16xf32>
            %sub3A_215 = arith.subf %add3A_214, %mul3A_210 : vector<16xf32>
            %add3A_216 = arith.constant 9.99999971E-10 : f32
            %add3A_217 = vector.broadcast %add3A_216 : f32 to vector<16xf32>
            %add3A_218 = arith.addf %sub3A_215, %add3A_217 : vector<16xf32>
            %div3A_219 = arith.divf %mul3A_210, %add3A_218 : vector<16xf32>
            %gt3A = arith.constant 5.000000e-01 : f32
            %gt3A_220 = vector.broadcast %gt3A : f32 to vector<16xf32>
            %gt3A_221 = arith.cmpf ogt, %div3A_219, %gt3A_220 : vector<16xf32>
            %get3A_222 = arith.index_cast %mul3A_187 : i32 to index
            %get3A_223 = tpu.vector_load %arg21[%get3A_222] {strides = array<i32>} : memref<5024xf32, #tpu.memory_space<vmem>>, vector<16xf32>,
            %jit3A = arith.constant -1.000000e+00 : f32
            %broadcast_in_dim3A_224 = vector.broadcast %jit3A : f32 to vector<16xf32>
            %select_n3A = arith.select %gt3A_221, %broadcast_in_dim3A_224, %get3A_223 : vector<16xi1>, vector<16xf32>
            %swap3A_225 = arith.index_cast %mul3A_187 : i32 to index
            %swap3A_226 = tpu.vector_load %arg21[%swap3A_225] {strides = array<i32>} : memref<5024xf32, #tpu.memory_space<vmem>>, vector<16xf32>,
            tpu.vector_store %arg21[%swap3A_225], %select_n3A {strides = array<i32>} : memref<5024xf32, #tpu.memory_space<vmem>>, vector<16xf32>,
            %while3A_227 = arith.constant 0 : i32
            scf.yield %while3A_227 : i32
          }
          %while3A_181 = arith.constant 1 : i32
          %while3A_182 = scf.for %while3A_184 = %while3A_178 to %while3A_174 step %while3A_181 iter_args(%while3A_185 = %while3A_180) -> (i32)  : i32 {
            %mul3A_186 = arith.constant 16 : i32
            %mul3A_187 = arith.muli %while3A_184, %mul3A_186 : i32
            %get3A_188 = arith.index_cast %mul3A_187 : i32 to index
            %get3A_189 = tpu.vector_load %arg25[%get3A_188] {strides = array<i32>} : memref<5024xf32, #tpu.memory_space<vmem>>, vector<16xf32>,
            %min3A = vector.broadcast %squeeze3A_162 : f32 to vector<16xf32>
            %min3A_190 = arith.minimumf %min3A, %get3A_189 : vector<16xf32>
            %get3A_191 = arith.index_cast %mul3A_187 : i32 to index
            %get3A_192 = tpu.vector_load %arg23[%get3A_191] {strides = array<i32>} : memref<5024xf32, #tpu.memory_space<vmem>>, vector<16xf32>,
            %max3A = vector.broadcast %squeeze3A : f32 to vector<16xf32>
            %max3A_193 = arith.maximumf %max3A, %get3A_192 : vector<16xf32>
            %sub3A_194 = arith.subf %min3A_190, %max3A_193 : vector<16xf32>
            %max3A_195 = arith.constant 0.000000e+00 : f32
            %max3A_196 = vector.broadcast %max3A_195 : f32 to vector<16xf32>
            %max3A_197 = arith.maximumf %sub3A_194, %max3A_196 : vector<16xf32>
            %get3A_198 = arith.index_cast %mul3A_187 : i32 to index
            %get3A_199 = tpu.vector_load %arg26[%get3A_198] {strides = array<i32>} : memref<5024xf32, #tpu.memory_space<vmem>>, vector<16xf32>,
            %min3A_200 = vector.broadcast %squeeze3A_166 : f32 to vector<16xf32>
            %min3A_201 = arith.minimumf %min3A_200, %get3A_199 : vector<16xf32>
            %get3A_202 = arith.index_cast %mul3A_187 : i32 to index
            %get3A_203 = tpu.vector_load %arg24[%get3A_202] {strides = array<i32>} : memref<5024xf32, #tpu.memory_space<vmem>>, vector<16xf32>,
            %max3A_204 = vector.broadcast %squeeze3A_158 : f32 to vector<16xf32>
            %max3A_205 = arith.maximumf %max3A_204, %get3A_203 : vector<16xf32>
            %sub3A_206 = arith.subf %min3A_201, %max3A_205 : vector<16xf32>
            %max3A_207 = arith.constant 0.000000e+00 : f32
            %max3A_208 = vector.broadcast %max3A_207 : f32 to vector<16xf32>
            %max3A_209 = arith.maximumf %sub3A_206, %max3A_208 : vector<16xf32>
            %mul3A_210 = arith.mulf %max3A_197, %max3A_209 : vector<16xf32>
            %get3A_211 = arith.index_cast %mul3A_187 : i32 to index
            %get3A_212 = tpu.vector_load %arg27[%get3A_211] {strides = array<i32>} : memref<5024xf32, #tpu.memory_space<vmem>>, vector<16xf32>,
            %add3A_213 = vector.broadcast %squeeze3A_170 : f32 to vector<16xf32>
            %add3A_214 = arith.addf %add3A_213, %get3A_212 : vector<16xf32>
            %sub3A_215 = arith.subf %add3A_214, %mul3A_210 : vector<16xf32>
            %add3A_216 = arith.constant 9.99999971E-10 : f32
            %add3A_217 = vector.broadcast %add3A_216 : f32 to vector<16xf32>
            %add3A_218 = arith.addf %sub3A_215, %add3A_217 : vector<16xf32>
            %div3A_219 = arith.divf %mul3A_210, %add3A_218 : vector<16xf32>
            %gt3A = arith.constant 5.000000e-01 : f32
            %gt3A_220 = vector.broadcast %gt3A : f32 to vector<16xf32>
            %gt3A_221 = arith.cmpf ogt, %div3A_219, %gt3A_220 : vector<16xf32>
            %get3A_222 = arith.index_cast %mul3A_187 : i32 to index
            %get3A_223 = tpu.vector_load %arg21[%get3A_222] {strides = array<i32>} : memref<5024xf32, #tpu.memory_space<vmem>>, vector<16xf32>,
            %jit3A = arith.constant -1.000000e+00 : f32
            %broadcast_in_dim3A_224 = vector.broadcast %jit3A : f32 to vector<16xf32>
            %select_n3A = arith.select %gt3A_221, %broadcast_in_dim3A_224, %get3A_223 : vector<16xi1>, vector<16xf32>
            %swap3A_225 = arith.index_cast %mul3A_187 : i32 to index
            %swap3A_226 = tpu.vector_load %arg21[%swap3A_225] {strides = array<i32>} : memref<5024xf32, #tpu.memory_space<vmem>>, vector<16xf32>,
            tpu.vector_store %arg21[%swap3A_225], %select_n3A {strides = array<i32>} : memref<5024xf32, #tpu.memory_space<vmem>>, vector<16xf32>,
            %while3A_227 = arith.constant 0 : i32
            scf.yield %while3A_227 : i32
          }
          %while3A_183 = arith.constant 0 : i32
          scf.yield %while3A_183 : i32
        }
        %while3A_113 = arith.constant 1 : i32
        %while3A_114 = scf.for %while3A_152 = %while3A_110 to %while3A_106 step %while3A_113 iter_args(%while3A_153 = %while3A_112) -> (i32)  : i32 {
          %get3A = arith.index_cast %while3A_152 : i32 to index
          %get3A_154 = tpu.vector_load %arg34[%get3A] {strides = array<i32>} : memref<128xf32, #tpu.memory_space<vmem>>, vector<16xf32>,
          %slice3A = vector.extract_strided_slice %get3A_154 {offsets = [0], sizes = [1], strides = [1]} : vector<16xf32> to vector<1xf32>
          %squeeze3A = vector.extract %slice3A[0] : f32 from vector<1xf32>
          %get3A_155 = arith.index_cast %while3A_152 : i32 to index
          %get3A_156 = tpu.vector_load %arg35[%get3A_155] {strides = array<i32>} : memref<128xf32, #tpu.memory_space<vmem>>, vector<16xf32>,
          %slice3A_157 = vector.extract_strided_slice %get3A_156 {offsets = [0], sizes = [1], strides = [1]} : vector<16xf32> to vector<1xf32>
          %squeeze3A_158 = vector.extract %slice3A_157[0] : f32 from vector<1xf32>
          %get3A_159 = arith.index_cast %while3A_152 : i32 to index
          %get3A_160 = tpu.vector_load %arg36[%get3A_159] {strides = array<i32>} : memref<128xf32, #tpu.memory_space<vmem>>, vector<16xf32>,
          %slice3A_161 = vector.extract_strided_slice %get3A_160 {offsets = [0], sizes = [1], strides = [1]} : vector<16xf32> to vector<1xf32>
          %squeeze3A_162 = vector.extract %slice3A_161[0] : f32 from vector<1xf32>
          %get3A_163 = arith.index_cast %while3A_152 : i32 to index
          %get3A_164 = tpu.vector_load %arg37[%get3A_163] {strides = array<i32>} : memref<128xf32, #tpu.memory_space<vmem>>, vector<16xf32>,
          %slice3A_165 = vector.extract_strided_slice %get3A_164 {offsets = [0], sizes = [1], strides = [1]} : vector<16xf32> to vector<1xf32>
          %squeeze3A_166 = vector.extract %slice3A_165[0] : f32 from vector<1xf32>
          %get3A_167 = arith.index_cast %while3A_152 : i32 to index
          %get3A_168 = tpu.vector_load %arg38[%get3A_167] {strides = array<i32>} : memref<128xf32, #tpu.memory_space<vmem>>, vector<16xf32>,
          %slice3A_169 = vector.extract_strided_slice %get3A_168 {offsets = [0], sizes = [1], strides = [1]} : vector<16xf32> to vector<1xf32>
          %squeeze3A_170 = vector.extract %slice3A_169[0] : f32 from vector<1xf32>
          %while3A_171 = arith.constant 0 : i32
          %while3A_172 = arith.constant 0 : i32
          %while3A_173 = arith.subi %div3A_90, %while3A_171 : i32
          %while3A_174 = arith.addi %while3A_171, %while3A_173 : i32
          %while3A_175 = arith.constant 1 : i32
          %while3A_176 = arith.divsi %while3A_173, %while3A_175 : i32
          %while3A_177 = arith.muli %while3A_176, %while3A_175 : i32
          %while3A_178 = arith.addi %while3A_171, %while3A_177 : i32
          %while3A_179 = arith.constant 1 : i32
          %while3A_180 = scf.for %while3A_184 = %while3A_171 to %while3A_178 step %while3A_179 iter_args(%while3A_185 = %while3A_172) -> (i32)  : i32 {
            %mul3A_186 = arith.constant 16 : i32
            %mul3A_187 = arith.muli %while3A_184, %mul3A_186 : i32
            %get3A_188 = arith.index_cast %mul3A_187 : i32 to index
            %get3A_189 = tpu.vector_load %arg25[%get3A_188] {strides = array<i32>} : memref<5024xf32, #tpu.memory_space<vmem>>, vector<16xf32>,
            %min3A = vector.broadcast %squeeze3A_162 : f32 to vector<16xf32>
            %min3A_190 = arith.minimumf %min3A, %get3A_189 : vector<16xf32>
            %get3A_191 = arith.index_cast %mul3A_187 : i32 to index
            %get3A_192 = tpu.vector_load %arg23[%get3A_191] {strides = array<i32>} : memref<5024xf32, #tpu.memory_space<vmem>>, vector<16xf32>,
            %max3A = vector.broadcast %squeeze3A : f32 to vector<16xf32>
            %max3A_193 = arith.maximumf %max3A, %get3A_192 : vector<16xf32>
            %sub3A_194 = arith.subf %min3A_190, %max3A_193 : vector<16xf32>
            %max3A_195 = arith.constant 0.000000e+00 : f32
            %max3A_196 = vector.broadcast %max3A_195 : f32 to vector<16xf32>
            %max3A_197 = arith.maximumf %sub3A_194, %max3A_196 : vector<16xf32>
            %get3A_198 = arith.index_cast %mul3A_187 : i32 to index
            %get3A_199 = tpu.vector_load %arg26[%get3A_198] {strides = array<i32>} : memref<5024xf32, #tpu.memory_space<vmem>>, vector<16xf32>,
            %min3A_200 = vector.broadcast %squeeze3A_166 : f32 to vector<16xf32>
            %min3A_201 = arith.minimumf %min3A_200, %get3A_199 : vector<16xf32>
            %get3A_202 = arith.index_cast %mul3A_187 : i32 to index
            %get3A_203 = tpu.vector_load %arg24[%get3A_202] {strides = array<i32>} : memref<5024xf32, #tpu.memory_space<vmem>>, vector<16xf32>,
            %max3A_204 = vector.broadcast %squeeze3A_158 : f32 to vector<16xf32>
            %max3A_205 = arith.maximumf %max3A_204, %get3A_203 : vector<16xf32>
            %sub3A_206 = arith.subf %min3A_201, %max3A_205 : vector<16xf32>
            %max3A_207 = arith.constant 0.000000e+00 : f32
            %max3A_208 = vector.broadcast %max3A_207 : f32 to vector<16xf32>
            %max3A_209 = arith.maximumf %sub3A_206, %max3A_208 : vector<16xf32>
            %mul3A_210 = arith.mulf %max3A_197, %max3A_209 : vector<16xf32>
            %get3A_211 = arith.index_cast %mul3A_187 : i32 to index
            %get3A_212 = tpu.vector_load %arg27[%get3A_211] {strides = array<i32>} : memref<5024xf32, #tpu.memory_space<vmem>>, vector<16xf32>,
            %add3A_213 = vector.broadcast %squeeze3A_170 : f32 to vector<16xf32>
            %add3A_214 = arith.addf %add3A_213, %get3A_212 : vector<16xf32>
            %sub3A_215 = arith.subf %add3A_214, %mul3A_210 : vector<16xf32>
            %add3A_216 = arith.constant 9.99999971E-10 : f32
            %add3A_217 = vector.broadcast %add3A_216 : f32 to vector<16xf32>
            %add3A_218 = arith.addf %sub3A_215, %add3A_217 : vector<16xf32>
            %div3A_219 = arith.divf %mul3A_210, %add3A_218 : vector<16xf32>
            %gt3A = arith.constant 5.000000e-01 : f32
            %gt3A_220 = vector.broadcast %gt3A : f32 to vector<16xf32>
            %gt3A_221 = arith.cmpf ogt, %div3A_219, %gt3A_220 : vector<16xf32>
            %get3A_222 = arith.index_cast %mul3A_187 : i32 to index
            %get3A_223 = tpu.vector_load %arg21[%get3A_222] {strides = array<i32>} : memref<5024xf32, #tpu.memory_space<vmem>>, vector<16xf32>,
            %jit3A = arith.constant -1.000000e+00 : f32
            %broadcast_in_dim3A_224 = vector.broadcast %jit3A : f32 to vector<16xf32>
            %select_n3A = arith.select %gt3A_221, %broadcast_in_dim3A_224, %get3A_223 : vector<16xi1>, vector<16xf32>
            %swap3A_225 = arith.index_cast %mul3A_187 : i32 to index
            %swap3A_226 = tpu.vector_load %arg21[%swap3A_225] {strides = array<i32>} : memref<5024xf32, #tpu.memory_space<vmem>>, vector<16xf32>,
            tpu.vector_store %arg21[%swap3A_225], %select_n3A {strides = array<i32>} : memref<5024xf32, #tpu.memory_space<vmem>>, vector<16xf32>,
            %while3A_227 = arith.constant 0 : i32
            scf.yield %while3A_227 : i32
          }
          %while3A_181 = arith.constant 1 : i32
          %while3A_182 = scf.for %while3A_184 = %while3A_178 to %while3A_174 step %while3A_181 iter_args(%while3A_185 = %while3A_180) -> (i32)  : i32 {
            %mul3A_186 = arith.constant 16 : i32
            %mul3A_187 = arith.muli %while3A_184, %mul3A_186 : i32
            %get3A_188 = arith.index_cast %mul3A_187 : i32 to index
            %get3A_189 = tpu.vector_load %arg25[%get3A_188] {strides = array<i32>} : memref<5024xf32, #tpu.memory_space<vmem>>, vector<16xf32>,
            %min3A = vector.broadcast %squeeze3A_162 : f32 to vector<16xf32>
            %min3A_190 = arith.minimumf %min3A, %get3A_189 : vector<16xf32>
            %get3A_191 = arith.index_cast %mul3A_187 : i32 to index
            %get3A_192 = tpu.vector_load %arg23[%get3A_191] {strides = array<i32>} : memref<5024xf32, #tpu.memory_space<vmem>>, vector<16xf32>,
            %max3A = vector.broadcast %squeeze3A : f32 to vector<16xf32>
            %max3A_193 = arith.maximumf %max3A, %get3A_192 : vector<16xf32>
            %sub3A_194 = arith.subf %min3A_190, %max3A_193 : vector<16xf32>
            %max3A_195 = arith.constant 0.000000e+00 : f32
            %max3A_196 = vector.broadcast %max3A_195 : f32 to vector<16xf32>
            %max3A_197 = arith.maximumf %sub3A_194, %max3A_196 : vector<16xf32>
            %get3A_198 = arith.index_cast %mul3A_187 : i32 to index
            %get3A_199 = tpu.vector_load %arg26[%get3A_198] {strides = array<i32>} : memref<5024xf32, #tpu.memory_space<vmem>>, vector<16xf32>,
            %min3A_200 = vector.broadcast %squeeze3A_166 : f32 to vector<16xf32>
            %min3A_201 = arith.minimumf %min3A_200, %get3A_199 : vector<16xf32>
            %get3A_202 = arith.index_cast %mul3A_187 : i32 to index
            %get3A_203 = tpu.vector_load %arg24[%get3A_202] {strides = array<i32>} : memref<5024xf32, #tpu.memory_space<vmem>>, vector<16xf32>,
            %max3A_204 = vector.broadcast %squeeze3A_158 : f32 to vector<16xf32>
            %max3A_205 = arith.maximumf %max3A_204, %get3A_203 : vector<16xf32>
            %sub3A_206 = arith.subf %min3A_201, %max3A_205 : vector<16xf32>
            %max3A_207 = arith.constant 0.000000e+00 : f32
            %max3A_208 = vector.broadcast %max3A_207 : f32 to vector<16xf32>
            %max3A_209 = arith.maximumf %sub3A_206, %max3A_208 : vector<16xf32>
            %mul3A_210 = arith.mulf %max3A_197, %max3A_209 : vector<16xf32>
            %get3A_211 = arith.index_cast %mul3A_187 : i32 to index
            %get3A_212 = tpu.vector_load %arg27[%get3A_211] {strides = array<i32>} : memref<5024xf32, #tpu.memory_space<vmem>>, vector<16xf32>,
            %add3A_213 = vector.broadcast %squeeze3A_170 : f32 to vector<16xf32>
            %add3A_214 = arith.addf %add3A_213, %get3A_212 : vector<16xf32>
            %sub3A_215 = arith.subf %add3A_214, %mul3A_210 : vector<16xf32>
            %add3A_216 = arith.constant 9.99999971E-10 : f32
            %add3A_217 = vector.broadcast %add3A_216 : f32 to vector<16xf32>
            %add3A_218 = arith.addf %sub3A_215, %add3A_217 : vector<16xf32>
            %div3A_219 = arith.divf %mul3A_210, %add3A_218 : vector<16xf32>
            %gt3A = arith.constant 5.000000e-01 : f32
            %gt3A_220 = vector.broadcast %gt3A : f32 to vector<16xf32>
            %gt3A_221 = arith.cmpf ogt, %div3A_219, %gt3A_220 : vector<16xf32>
            %get3A_222 = arith.index_cast %mul3A_187 : i32 to index
            %get3A_223 = tpu.vector_load %arg21[%get3A_222] {strides = array<i32>} : memref<5024xf32, #tpu.memory_space<vmem>>, vector<16xf32>,
            %jit3A = arith.constant -1.000000e+00 : f32
            %broadcast_in_dim3A_224 = vector.broadcast %jit3A : f32 to vector<16xf32>
            %select_n3A = arith.select %gt3A_221, %broadcast_in_dim3A_224, %get3A_223 : vector<16xi1>, vector<16xf32>
            %swap3A_225 = arith.index_cast %mul3A_187 : i32 to index
            %swap3A_226 = tpu.vector_load %arg21[%swap3A_225] {strides = array<i32>} : memref<5024xf32, #tpu.memory_space<vmem>>, vector<16xf32>,
            tpu.vector_store %arg21[%swap3A_225], %select_n3A {strides = array<i32>} : memref<5024xf32, #tpu.memory_space<vmem>>, vector<16xf32>,
            %while3A_227 = arith.constant 0 : i32
            scf.yield %while3A_227 : i32
          }
          %while3A_183 = arith.constant 0 : i32
          scf.yield %while3A_183 : i32
        }
        %broadcast_in_dim3A_115 = arith.constant -2.000000e+00 : f32
        %broadcast_in_dim3A_116 = vector.broadcast %broadcast_in_dim3A_115 : f32 to vector<16xf32>
        %broadcast_in_dim3A_117 = arith.constant 0 : i32
        %broadcast_in_dim3A_118 = vector.broadcast %broadcast_in_dim3A_117 : i32 to vector<16xi32>
        %while3A_119 = arith.constant 0 : i32
        %while3A_120 = arith.subi %div3A_90, %while3A_119 : i32
        %while3A_121 = arith.addi %while3A_119, %while3A_120 : i32
        %while3A_122 = arith.constant 1 : i32
        %while3A_123 = arith.divsi %while3A_120, %while3A_122 : i32
        %while3A_124 = arith.muli %while3A_123, %while3A_122 : i32
        %while3A_125 = arith.addi %while3A_119, %while3A_124 : i32
        %while3A_126 = arith.constant 1 : i32
        %while3A_127:2 = scf.for %while3A_152 = %while3A_119 to %while3A_125 step %while3A_126 iter_args(%while3A_153 = %broadcast_in_dim3A_116, %while3A_154 = %broadcast_in_dim3A_118) -> (vector<16xf32>, vector<16xi32>)  : i32 {
          %mul3A_155 = arith.constant 16 : i32
          %mul3A_156 = arith.muli %while3A_152, %mul3A_155 : i32
          %get3A = arith.index_cast %mul3A_156 : i32 to index
          %get3A_157 = tpu.vector_load %arg21[%get3A] {strides = array<i32>} : memref<5024xf32, #tpu.memory_space<vmem>>, vector<16xf32>,
          %mul3A_158 = arith.constant 16 : i32
          %mul3A_159 = arith.muli %while3A_152, %mul3A_158 : i32
          %add3A_160 = vector.broadcast %mul3A_159 : i32 to vector<16xi32>
          %add3A_161 = arith.addi %add3A_160, %iota3A : vector<16xi32>
          %gt3A = arith.cmpf ogt, %get3A_157, %while3A_153 : vector<16xf32>
          %select_n3A = arith.select %gt3A, %get3A_157, %while3A_153 : vector<16xi1>, vector<16xf32>
          %select_n3A_162 = arith.select %gt3A, %add3A_161, %while3A_154 : vector<16xi1>, vector<16xi32>
          scf.yield %select_n3A, %select_n3A_162 : vector<16xf32>, vector<16xi32>
        }
        %while3A_128 = arith.constant 1 : i32
        %while3A_129:2 = scf.for %while3A_152 = %while3A_125 to %while3A_121 step %while3A_128 iter_args(%while3A_153 = %while3A_127#0, %while3A_154 = %while3A_127#1) -> (vector<16xf32>, vector<16xi32>)  : i32 {
          %mul3A_155 = arith.constant 16 : i32
          %mul3A_156 = arith.muli %while3A_152, %mul3A_155 : i32
          %get3A = arith.index_cast %mul3A_156 : i32 to index
          %get3A_157 = tpu.vector_load %arg21[%get3A] {strides = array<i32>} : memref<5024xf32, #tpu.memory_space<vmem>>, vector<16xf32>,
          %mul3A_158 = arith.constant 16 : i32
          %mul3A_159 = arith.muli %while3A_152, %mul3A_158 : i32
          %add3A_160 = vector.broadcast %mul3A_159 : i32 to vector<16xi32>
          %add3A_161 = arith.addi %add3A_160, %iota3A : vector<16xi32>
          %gt3A = arith.cmpf ogt, %get3A_157, %while3A_153 : vector<16xf32>
          %select_n3A = arith.select %gt3A, %get3A_157, %while3A_153 : vector<16xi1>, vector<16xf32>
          %select_n3A_162 = arith.select %gt3A, %add3A_161, %while3A_154 : vector<16xi1>, vector<16xi32>
          scf.yield %select_n3A, %select_n3A_162 : vector<16xf32>, vector<16xi32>
        }
        %reduce_max3A_130 = arith.constant true
        %reduce_max3A_131 = vector.broadcast %reduce_max3A_130 : i1 to vector<16xi1>
        %reduce_max3A_132 = tpu.scan <max>, %while3A_129#0 masked %reduce_max3A_131 : vector<16xf32>, vector<16xi1> -> vector<16xf32>
        %reduce_max3A_133 = vector.extract %reduce_max3A_132[15] : f32 from vector<16xf32>
        %while3A_134:4 = scf.while (%while3A_152 = %while3A_66, %while3A_153 = %reduce_max3A_133, %while3A_154 = %while3A_129#0, %while3A_155 = %while3A_129#1) : (i32, f32, vector<16xf32>, vector<16xi32>) -> (i32, f32, vector<16xf32>, vector<16xi32>) {
          %lt3A_156 = arith.constant 100 : i32
          %lt3A_157 = arith.cmpi slt, %while3A_152, %lt3A_156 : i32
          %gt3A = arith.constant 0.000000e+00 : f32
          %gt3A_158 = arith.cmpf ogt, %while3A_153, %gt3A : f32
          %and3A = arith.andi %lt3A_157, %gt3A_158 : i1
          scf.condition(%and3A) %while3A_152, %while3A_153, %while3A_154, %while3A_155 : i32, f32, vector<16xf32>, vector<16xi32>
        } do {
        ^bb0(%while3A_152: i32, %while3A_153: f32, %while3A_154: vector<16xf32>, %while3A_155: vector<16xi32>):
          %eq3A_156 = vector.broadcast %while3A_153 : f32 to vector<16xf32>
          %eq3A_157 = arith.cmpf oeq, %while3A_154, %eq3A_156 : vector<16xf32>
          %jit3A = arith.constant 1073741824 : i32
          %broadcast_in_dim3A_158 = vector.broadcast %jit3A : i32 to vector<16xi32>
          %select_n3A = arith.select %eq3A_157, %while3A_155, %broadcast_in_dim3A_158 : vector<16xi1>, vector<16xi32>
          %reduce_min3A = arith.constant true
          %reduce_min3A_159 = vector.broadcast %reduce_min3A : i1 to vector<16xi1>
          %reduce_min3A_160 = arith.constant -2147483648 : i32
          %reduce_min3A_161 = vector.broadcast %reduce_min3A_160 : i32 to vector<16xi32>
          %reduce_min3A_162 = arith.xori %select_n3A, %reduce_min3A_161 : vector<16xi32>
          %reduce_min3A_163 = tpu.scan <min>, %reduce_min3A_162 masked %reduce_min3A_159 : vector<16xi32>, vector<16xi1> -> vector<16xi32>
          %reduce_min3A_164 = arith.xori %reduce_min3A_163, %reduce_min3A_161 : vector<16xi32>
          %reduce_min3A_165 = vector.extract %reduce_min3A_164[15] : i32 from vector<16xi32>
          %broadcast_in_dim3A_166 = vector.broadcast %reduce_min3A_165 : i32 to vector<16xi32>
          %broadcast_in_dim3A_167 = vector.broadcast %while3A_152 : i32 to vector<16xi32>
          tpu.vector_store_idx %arg39[%broadcast_in_dim3A_167], %broadcast_in_dim3A_166 masked %eq3A_2 : memref<128xi32, #tpu.memory_space<vmem>>[vector<16xi32>], vector<16xi32>, vector<16xi1>
          %gather3A = tpu.vector_load_idx %arg23[%broadcast_in_dim3A_166] : memref<5024xf32, #tpu.memory_space<vmem>>[vector<16xi32>], vector<16xf32>,
          %gather3A_168 = tpu.vector_load_idx %arg24[%broadcast_in_dim3A_166] : memref<5024xf32, #tpu.memory_space<vmem>>[vector<16xi32>], vector<16xf32>,
          %gather3A_169 = tpu.vector_load_idx %arg25[%broadcast_in_dim3A_166] : memref<5024xf32, #tpu.memory_space<vmem>>[vector<16xi32>], vector<16xf32>,
          %gather3A_170 = tpu.vector_load_idx %arg26[%broadcast_in_dim3A_166] : memref<5024xf32, #tpu.memory_space<vmem>>[vector<16xi32>], vector<16xf32>,
          %gather3A_171 = tpu.vector_load_idx %arg27[%broadcast_in_dim3A_166] : memref<5024xf32, #tpu.memory_space<vmem>>[vector<16xi32>], vector<16xf32>,
          %broadcast_in_dim3A_172 = arith.constant -2.000000e+00 : f32
          %broadcast_in_dim3A_173 = vector.broadcast %broadcast_in_dim3A_172 : f32 to vector<16xf32>
          %broadcast_in_dim3A_174 = arith.constant 0 : i32
          %broadcast_in_dim3A_175 = vector.broadcast %broadcast_in_dim3A_174 : i32 to vector<16xi32>
          %while3A_176 = arith.constant 0 : i32
          %while3A_177 = arith.subi %div3A_90, %while3A_176 : i32
          %while3A_178 = arith.addi %while3A_176, %while3A_177 : i32
          %while3A_179 = arith.constant 1 : i32
          %while3A_180 = arith.divsi %while3A_177, %while3A_179 : i32
          %while3A_181 = arith.muli %while3A_180, %while3A_179 : i32
          %while3A_182 = arith.addi %while3A_176, %while3A_181 : i32
          %while3A_183 = arith.constant 1 : i32
          %while3A_184:2 = scf.for %while3A_193 = %while3A_176 to %while3A_182 step %while3A_183 iter_args(%while3A_194 = %broadcast_in_dim3A_173, %while3A_195 = %broadcast_in_dim3A_175) -> (vector<16xf32>, vector<16xi32>)  : i32 {
            %mul3A_196 = arith.constant 16 : i32
            %mul3A_197 = arith.muli %while3A_193, %mul3A_196 : i32
            %get3A = arith.index_cast %mul3A_197 : i32 to index
            %get3A_198 = tpu.vector_load %arg21[%get3A] {strides = array<i32>} : memref<5024xf32, #tpu.memory_space<vmem>>, vector<16xf32>,
            %get3A_199 = arith.index_cast %mul3A_197 : i32 to index
            %get3A_200 = tpu.vector_load %arg25[%get3A_199] {strides = array<i32>} : memref<5024xf32, #tpu.memory_space<vmem>>, vector<16xf32>,
            %min3A = arith.minimumf %gather3A_169, %get3A_200 : vector<16xf32>
            %get3A_201 = arith.index_cast %mul3A_197 : i32 to index
            %get3A_202 = tpu.vector_load %arg23[%get3A_201] {strides = array<i32>} : memref<5024xf32, #tpu.memory_space<vmem>>, vector<16xf32>,
            %max3A = arith.maximumf %gather3A, %get3A_202 : vector<16xf32>
            %sub3A_203 = arith.subf %min3A, %max3A : vector<16xf32>
            %max3A_204 = arith.constant 0.000000e+00 : f32
            %max3A_205 = vector.broadcast %max3A_204 : f32 to vector<16xf32>
            %max3A_206 = arith.maximumf %sub3A_203, %max3A_205 : vector<16xf32>
            %get3A_207 = arith.index_cast %mul3A_197 : i32 to index
            %get3A_208 = tpu.vector_load %arg26[%get3A_207] {strides = array<i32>} : memref<5024xf32, #tpu.memory_space<vmem>>, vector<16xf32>,
            %min3A_209 = arith.minimumf %gather3A_170, %get3A_208 : vector<16xf32>
            %get3A_210 = arith.index_cast %mul3A_197 : i32 to index
            %get3A_211 = tpu.vector_load %arg24[%get3A_210] {strides = array<i32>} : memref<5024xf32, #tpu.memory_space<vmem>>, vector<16xf32>,
            %max3A_212 = arith.maximumf %gather3A_168, %get3A_211 : vector<16xf32>
            %sub3A_213 = arith.subf %min3A_209, %max3A_212 : vector<16xf32>
            %max3A_214 = arith.constant 0.000000e+00 : f32
            %max3A_215 = vector.broadcast %max3A_214 : f32 to vector<16xf32>
            %max3A_216 = arith.maximumf %sub3A_213, %max3A_215 : vector<16xf32>
            %mul3A_217 = arith.mulf %max3A_206, %max3A_216 : vector<16xf32>
            %get3A_218 = arith.index_cast %mul3A_197 : i32 to index
            %get3A_219 = tpu.vector_load %arg27[%get3A_218] {strides = array<i32>} : memref<5024xf32, #tpu.memory_space<vmem>>, vector<16xf32>,
            %add3A_220 = arith.addf %gather3A_171, %get3A_219 : vector<16xf32>
            %sub3A_221 = arith.subf %add3A_220, %mul3A_217 : vector<16xf32>
            %add3A_222 = arith.constant 9.99999971E-10 : f32
            %add3A_223 = vector.broadcast %add3A_222 : f32 to vector<16xf32>
            %add3A_224 = arith.addf %sub3A_221, %add3A_223 : vector<16xf32>
            %div3A_225 = arith.divf %mul3A_217, %add3A_224 : vector<16xf32>
            %gt3A = arith.constant 5.000000e-01 : f32
            %gt3A_226 = vector.broadcast %gt3A : f32 to vector<16xf32>
            %gt3A_227 = arith.cmpf ogt, %div3A_225, %gt3A_226 : vector<16xf32>
            %jit3A_228 = arith.constant -1.000000e+00 : f32
            %broadcast_in_dim3A_229 = vector.broadcast %jit3A_228 : f32 to vector<16xf32>
            %select_n3A_230 = arith.select %gt3A_227, %broadcast_in_dim3A_229, %get3A_198 : vector<16xi1>, vector<16xf32>
            %swap3A_231 = arith.index_cast %mul3A_197 : i32 to index
            %swap3A_232 = tpu.vector_load %arg21[%swap3A_231] {strides = array<i32>} : memref<5024xf32, #tpu.memory_space<vmem>>, vector<16xf32>,
            tpu.vector_store %arg21[%swap3A_231], %select_n3A_230 {strides = array<i32>} : memref<5024xf32, #tpu.memory_space<vmem>>, vector<16xf32>,
            %mul3A_233 = arith.constant 16 : i32
            %mul3A_234 = arith.muli %while3A_193, %mul3A_233 : i32
            %add3A_235 = vector.broadcast %mul3A_234 : i32 to vector<16xi32>
            %add3A_236 = arith.addi %add3A_235, %iota3A : vector<16xi32>
            %gt3A_237 = arith.cmpf ogt, %select_n3A_230, %while3A_194 : vector<16xf32>
            %select_n3A_238 = arith.select %gt3A_237, %select_n3A_230, %while3A_194 : vector<16xi1>, vector<16xf32>
            %select_n3A_239 = arith.select %gt3A_237, %add3A_236, %while3A_195 : vector<16xi1>, vector<16xi32>
            scf.yield %select_n3A_238, %select_n3A_239 : vector<16xf32>, vector<16xi32>
          }
          %while3A_185 = arith.constant 1 : i32
          %while3A_186:2 = scf.for %while3A_193 = %while3A_182 to %while3A_178 step %while3A_185 iter_args(%while3A_194 = %while3A_184#0, %while3A_195 = %while3A_184#1) -> (vector<16xf32>, vector<16xi32>)  : i32 {
            %mul3A_196 = arith.constant 16 : i32
            %mul3A_197 = arith.muli %while3A_193, %mul3A_196 : i32
            %get3A = arith.index_cast %mul3A_197 : i32 to index
            %get3A_198 = tpu.vector_load %arg21[%get3A] {strides = array<i32>} : memref<5024xf32, #tpu.memory_space<vmem>>, vector<16xf32>,
            %get3A_199 = arith.index_cast %mul3A_197 : i32 to index
            %get3A_200 = tpu.vector_load %arg25[%get3A_199] {strides = array<i32>} : memref<5024xf32, #tpu.memory_space<vmem>>, vector<16xf32>,
            %min3A = arith.minimumf %gather3A_169, %get3A_200 : vector<16xf32>
            %get3A_201 = arith.index_cast %mul3A_197 : i32 to index
            %get3A_202 = tpu.vector_load %arg23[%get3A_201] {strides = array<i32>} : memref<5024xf32, #tpu.memory_space<vmem>>, vector<16xf32>,
            %max3A = arith.maximumf %gather3A, %get3A_202 : vector<16xf32>
            %sub3A_203 = arith.subf %min3A, %max3A : vector<16xf32>
            %max3A_204 = arith.constant 0.000000e+00 : f32
            %max3A_205 = vector.broadcast %max3A_204 : f32 to vector<16xf32>
            %max3A_206 = arith.maximumf %sub3A_203, %max3A_205 : vector<16xf32>
            %get3A_207 = arith.index_cast %mul3A_197 : i32 to index
            %get3A_208 = tpu.vector_load %arg26[%get3A_207] {strides = array<i32>} : memref<5024xf32, #tpu.memory_space<vmem>>, vector<16xf32>,
            %min3A_209 = arith.minimumf %gather3A_170, %get3A_208 : vector<16xf32>
            %get3A_210 = arith.index_cast %mul3A_197 : i32 to index
            %get3A_211 = tpu.vector_load %arg24[%get3A_210] {strides = array<i32>} : memref<5024xf32, #tpu.memory_space<vmem>>, vector<16xf32>,
            %max3A_212 = arith.maximumf %gather3A_168, %get3A_211 : vector<16xf32>
            %sub3A_213 = arith.subf %min3A_209, %max3A_212 : vector<16xf32>
            %max3A_214 = arith.constant 0.000000e+00 : f32
            %max3A_215 = vector.broadcast %max3A_214 : f32 to vector<16xf32>
            %max3A_216 = arith.maximumf %sub3A_213, %max3A_215 : vector<16xf32>
            %mul3A_217 = arith.mulf %max3A_206, %max3A_216 : vector<16xf32>
            %get3A_218 = arith.index_cast %mul3A_197 : i32 to index
            %get3A_219 = tpu.vector_load %arg27[%get3A_218] {strides = array<i32>} : memref<5024xf32, #tpu.memory_space<vmem>>, vector<16xf32>,
            %add3A_220 = arith.addf %gather3A_171, %get3A_219 : vector<16xf32>
            %sub3A_221 = arith.subf %add3A_220, %mul3A_217 : vector<16xf32>
            %add3A_222 = arith.constant 9.99999971E-10 : f32
            %add3A_223 = vector.broadcast %add3A_222 : f32 to vector<16xf32>
            %add3A_224 = arith.addf %sub3A_221, %add3A_223 : vector<16xf32>
            %div3A_225 = arith.divf %mul3A_217, %add3A_224 : vector<16xf32>
            %gt3A = arith.constant 5.000000e-01 : f32
            %gt3A_226 = vector.broadcast %gt3A : f32 to vector<16xf32>
            %gt3A_227 = arith.cmpf ogt, %div3A_225, %gt3A_226 : vector<16xf32>
            %jit3A_228 = arith.constant -1.000000e+00 : f32
            %broadcast_in_dim3A_229 = vector.broadcast %jit3A_228 : f32 to vector<16xf32>
            %select_n3A_230 = arith.select %gt3A_227, %broadcast_in_dim3A_229, %get3A_198 : vector<16xi1>, vector<16xf32>
            %swap3A_231 = arith.index_cast %mul3A_197 : i32 to index
            %swap3A_232 = tpu.vector_load %arg21[%swap3A_231] {strides = array<i32>} : memref<5024xf32, #tpu.memory_space<vmem>>, vector<16xf32>,
            tpu.vector_store %arg21[%swap3A_231], %select_n3A_230 {strides = array<i32>} : memref<5024xf32, #tpu.memory_space<vmem>>, vector<16xf32>,
            %mul3A_233 = arith.constant 16 : i32
            %mul3A_234 = arith.muli %while3A_193, %mul3A_233 : i32
            %add3A_235 = vector.broadcast %mul3A_234 : i32 to vector<16xi32>
            %add3A_236 = arith.addi %add3A_235, %iota3A : vector<16xi32>
            %gt3A_237 = arith.cmpf ogt, %select_n3A_230, %while3A_194 : vector<16xf32>
            %select_n3A_238 = arith.select %gt3A_237, %select_n3A_230, %while3A_194 : vector<16xi1>, vector<16xf32>
            %select_n3A_239 = arith.select %gt3A_237, %add3A_236, %while3A_195 : vector<16xi1>, vector<16xi32>
            scf.yield %select_n3A_238, %select_n3A_239 : vector<16xf32>, vector<16xi32>
          }
          %add3A_187 = arith.constant 1 : i32
          %add3A_188 = arith.addi %while3A_152, %add3A_187 : i32
          %reduce_max3A_189 = arith.constant true
          %reduce_max3A_190 = vector.broadcast %reduce_max3A_189 : i1 to vector<16xi1>
          %reduce_max3A_191 = tpu.scan <max>, %while3A_186#0 masked %reduce_max3A_190 : vector<16xf32>, vector<16xi1> -> vector<16xf32>
          %reduce_max3A_192 = vector.extract %reduce_max3A_191[15] : f32 from vector<16xf32>
          scf.yield %add3A_188, %reduce_max3A_192, %while3A_186#0, %while3A_186#1 : i32, f32, vector<16xf32>, vector<16xi32>
        }
        %div3A_135 = arith.constant 16 : i32
        %div3A_136 = arith.divsi %while3A_66, %div3A_135 : i32
        %add3A_137 = arith.constant 15 : i32
        %add3A_138 = arith.addi %while3A_134#0, %add3A_137 : i32
        %div3A_139 = arith.constant 16 : i32
        %div3A_140 = arith.divsi %add3A_138, %div3A_139 : i32
        %while3A_141 = arith.constant 0 : i32
        %while3A_142 = arith.subi %div3A_140, %div3A_136 : i32
        %while3A_143 = arith.addi %div3A_136, %while3A_142 : i32
        %while3A_144 = arith.constant 1 : i32
        %while3A_145 = arith.divsi %while3A_142, %while3A_144 : i32
        %while3A_146 = arith.muli %while3A_145, %while3A_144 : i32
        %while3A_147 = arith.addi %div3A_136, %while3A_146 : i32
        %while3A_148 = arith.constant 1 : i32
        %while3A_149 = scf.for %while3A_152 = %div3A_136 to %while3A_147 step %while3A_148 iter_args(%while3A_153 = %while3A_141) -> (i32)  : i32 {
          %mul3A_154 = arith.constant 16 : i32
          %mul3A_155 = arith.muli %while3A_152, %mul3A_154 : i32
          %add3A_156 = vector.broadcast %mul3A_155 : i32 to vector<16xi32>
          %add3A_157 = arith.addi %add3A_156, %iota3A : vector<16xi32>
          %ge3A = vector.broadcast %while3A_66 : i32 to vector<16xi32>
          %ge3A_158 = arith.cmpi sge, %add3A_157, %ge3A : vector<16xi32>
          %lt3A_159 = vector.broadcast %while3A_134#0 : i32 to vector<16xi32>
          %lt3A_160 = arith.cmpi slt, %add3A_157, %lt3A_159 : vector<16xi32>
          %and3A = arith.andi %ge3A_158, %lt3A_160 : vector<16xi1>
          %mul3A_161 = arith.constant 16 : i32
          %mul3A_162 = arith.muli %while3A_152, %mul3A_161 : i32
          %get3A = arith.index_cast %mul3A_162 : i32 to index
          %get3A_163 = tpu.vector_load %arg39[%get3A] {strides = array<i32>} : memref<128xi32, #tpu.memory_space<vmem>>, vector<16xi32>,
          %jit3A = arith.constant 0 : i32
          %broadcast_in_dim3A_164 = vector.broadcast %jit3A : i32 to vector<16xi32>
          %select_n3A = arith.select %and3A, %get3A_163, %broadcast_in_dim3A_164 : vector<16xi1>, vector<16xi32>
          %gather3A = tpu.vector_load_idx %arg22[%select_n3A] : memref<5024xi32, #tpu.memory_space<vmem>>[vector<16xi32>], vector<16xi32>,
          %gather3A_165 = tpu.vector_load_idx %arg10[%gather3A] : memref<5008xf32, #tpu.memory_space<vmem>>[vector<16xi32>], vector<16xf32>,
          tpu.vector_store_idx %arg28[%add3A_157], %gather3A_165 masked %and3A : memref<128xf32, #tpu.memory_space<vmem>>[vector<16xi32>], vector<16xf32>, vector<16xi1>
          %gather3A_166 = tpu.vector_load_idx %arg11[%gather3A] : memref<5024xf32, #tpu.memory_space<vmem>>[vector<16xi32>], vector<16xf32>,
          tpu.vector_store_idx %arg29[%add3A_157], %gather3A_166 masked %and3A : memref<128xf32, #tpu.memory_space<vmem>>[vector<16xi32>], vector<16xf32>, vector<16xi1>
          %gather3A_167 = tpu.vector_load_idx %arg12[%gather3A] : memref<5024xf32, #tpu.memory_space<vmem>>[vector<16xi32>], vector<16xf32>,
          tpu.vector_store_idx %arg30[%add3A_157], %gather3A_167 masked %and3A : memref<128xf32, #tpu.memory_space<vmem>>[vector<16xi32>], vector<16xf32>, vector<16xi1>
          %gather3A_168 = tpu.vector_load_idx %arg13[%gather3A] : memref<5024xf32, #tpu.memory_space<vmem>>[vector<16xi32>], vector<16xf32>,
          tpu.vector_store_idx %arg31[%add3A_157], %gather3A_168 masked %and3A : memref<128xf32, #tpu.memory_space<vmem>>[vector<16xi32>], vector<16xf32>, vector<16xi1>
          %gather3A_169 = tpu.vector_load_idx %arg14[%gather3A] : memref<5024xf32, #tpu.memory_space<vmem>>[vector<16xi32>], vector<16xf32>,
          tpu.vector_store_idx %arg32[%add3A_157], %gather3A_169 masked %and3A : memref<128xf32, #tpu.memory_space<vmem>>[vector<16xi32>], vector<16xf32>, vector<16xi1>
          tpu.vector_store_idx %arg33[%add3A_157], %gather3A masked %and3A : memref<128xi32, #tpu.memory_space<vmem>>[vector<16xi32>], vector<16xi32>, vector<16xi1>
          %gather3A_170 = tpu.vector_load_idx %arg23[%select_n3A] : memref<5024xf32, #tpu.memory_space<vmem>>[vector<16xi32>], vector<16xf32>,
          tpu.vector_store_idx %arg34[%add3A_157], %gather3A_170 masked %and3A : memref<128xf32, #tpu.memory_space<vmem>>[vector<16xi32>], vector<16xf32>, vector<16xi1>
          %gather3A_171 = tpu.vector_load_idx %arg24[%select_n3A] : memref<5024xf32, #tpu.memory_space<vmem>>[vector<16xi32>], vector<16xf32>,
          tpu.vector_store_idx %arg35[%add3A_157], %gather3A_171 masked %and3A : memref<128xf32, #tpu.memory_space<vmem>>[vector<16xi32>], vector<16xf32>, vector<16xi1>
          %gather3A_172 = tpu.vector_load_idx %arg25[%select_n3A] : memref<5024xf32, #tpu.memory_space<vmem>>[vector<16xi32>], vector<16xf32>,
          tpu.vector_store_idx %arg36[%add3A_157], %gather3A_172 masked %and3A : memref<128xf32, #tpu.memory_space<vmem>>[vector<16xi32>], vector<16xf32>, vector<16xi1>
          %gather3A_173 = tpu.vector_load_idx %arg26[%select_n3A] : memref<5024xf32, #tpu.memory_space<vmem>>[vector<16xi32>], vector<16xf32>,
          tpu.vector_store_idx %arg37[%add3A_157], %gather3A_173 masked %and3A : memref<128xf32, #tpu.memory_space<vmem>>[vector<16xi32>], vector<16xf32>, vector<16xi1>
          %gather3A_174 = tpu.vector_load_idx %arg27[%select_n3A] : memref<5024xf32, #tpu.memory_space<vmem>>[vector<16xi32>], vector<16xf32>,
          tpu.vector_store_idx %arg38[%add3A_157], %gather3A_174 masked %and3A : memref<128xf32, #tpu.memory_space<vmem>>[vector<16xi32>], vector<16xf32>, vector<16xi1>
          %while3A_175 = arith.constant 0 : i32
          scf.yield %while3A_175 : i32
        }
        %while3A_150 = arith.constant 1 : i32
        %while3A_151 = scf.for %while3A_152 = %while3A_147 to %while3A_143 step %while3A_150 iter_args(%while3A_153 = %while3A_149) -> (i32)  : i32 {
          %mul3A_154 = arith.constant 16 : i32
          %mul3A_155 = arith.muli %while3A_152, %mul3A_154 : i32
          %add3A_156 = vector.broadcast %mul3A_155 : i32 to vector<16xi32>
          %add3A_157 = arith.addi %add3A_156, %iota3A : vector<16xi32>
          %ge3A = vector.broadcast %while3A_66 : i32 to vector<16xi32>
          %ge3A_158 = arith.cmpi sge, %add3A_157, %ge3A : vector<16xi32>
          %lt3A_159 = vector.broadcast %while3A_134#0 : i32 to vector<16xi32>
          %lt3A_160 = arith.cmpi slt, %add3A_157, %lt3A_159 : vector<16xi32>
          %and3A = arith.andi %ge3A_158, %lt3A_160 : vector<16xi1>
          %mul3A_161 = arith.constant 16 : i32
          %mul3A_162 = arith.muli %while3A_152, %mul3A_161 : i32
          %get3A = arith.index_cast %mul3A_162 : i32 to index
          %get3A_163 = tpu.vector_load %arg39[%get3A] {strides = array<i32>} : memref<128xi32, #tpu.memory_space<vmem>>, vector<16xi32>,
          %jit3A = arith.constant 0 : i32
          %broadcast_in_dim3A_164 = vector.broadcast %jit3A : i32 to vector<16xi32>
          %select_n3A = arith.select %and3A, %get3A_163, %broadcast_in_dim3A_164 : vector<16xi1>, vector<16xi32>
          %gather3A = tpu.vector_load_idx %arg22[%select_n3A] : memref<5024xi32, #tpu.memory_space<vmem>>[vector<16xi32>], vector<16xi32>,
          %gather3A_165 = tpu.vector_load_idx %arg10[%gather3A] : memref<5008xf32, #tpu.memory_space<vmem>>[vector<16xi32>], vector<16xf32>,
          tpu.vector_store_idx %arg28[%add3A_157], %gather3A_165 masked %and3A : memref<128xf32, #tpu.memory_space<vmem>>[vector<16xi32>], vector<16xf32>, vector<16xi1>
          %gather3A_166 = tpu.vector_load_idx %arg11[%gather3A] : memref<5024xf32, #tpu.memory_space<vmem>>[vector<16xi32>], vector<16xf32>,
          tpu.vector_store_idx %arg29[%add3A_157], %gather3A_166 masked %and3A : memref<128xf32, #tpu.memory_space<vmem>>[vector<16xi32>], vector<16xf32>, vector<16xi1>
          %gather3A_167 = tpu.vector_load_idx %arg12[%gather3A] : memref<5024xf32, #tpu.memory_space<vmem>>[vector<16xi32>], vector<16xf32>,
          tpu.vector_store_idx %arg30[%add3A_157], %gather3A_167 masked %and3A : memref<128xf32, #tpu.memory_space<vmem>>[vector<16xi32>], vector<16xf32>, vector<16xi1>
          %gather3A_168 = tpu.vector_load_idx %arg13[%gather3A] : memref<5024xf32, #tpu.memory_space<vmem>>[vector<16xi32>], vector<16xf32>,
          tpu.vector_store_idx %arg31[%add3A_157], %gather3A_168 masked %and3A : memref<128xf32, #tpu.memory_space<vmem>>[vector<16xi32>], vector<16xf32>, vector<16xi1>
          %gather3A_169 = tpu.vector_load_idx %arg14[%gather3A] : memref<5024xf32, #tpu.memory_space<vmem>>[vector<16xi32>], vector<16xf32>,
          tpu.vector_store_idx %arg32[%add3A_157], %gather3A_169 masked %and3A : memref<128xf32, #tpu.memory_space<vmem>>[vector<16xi32>], vector<16xf32>, vector<16xi1>
          tpu.vector_store_idx %arg33[%add3A_157], %gather3A masked %and3A : memref<128xi32, #tpu.memory_space<vmem>>[vector<16xi32>], vector<16xi32>, vector<16xi1>
          %gather3A_170 = tpu.vector_load_idx %arg23[%select_n3A] : memref<5024xf32, #tpu.memory_space<vmem>>[vector<16xi32>], vector<16xf32>,
          tpu.vector_store_idx %arg34[%add3A_157], %gather3A_170 masked %and3A : memref<128xf32, #tpu.memory_space<vmem>>[vector<16xi32>], vector<16xf32>, vector<16xi1>
          %gather3A_171 = tpu.vector_load_idx %arg24[%select_n3A] : memref<5024xf32, #tpu.memory_space<vmem>>[vector<16xi32>], vector<16xf32>,
          tpu.vector_store_idx %arg35[%add3A_157], %gather3A_171 masked %and3A : memref<128xf32, #tpu.memory_space<vmem>>[vector<16xi32>], vector<16xf32>, vector<16xi1>
          %gather3A_172 = tpu.vector_load_idx %arg25[%select_n3A] : memref<5024xf32, #tpu.memory_space<vmem>>[vector<16xi32>], vector<16xf32>,
          tpu.vector_store_idx %arg36[%add3A_157], %gather3A_172 masked %and3A : memref<128xf32, #tpu.memory_space<vmem>>[vector<16xi32>], vector<16xf32>, vector<16xi1>
          %gather3A_173 = tpu.vector_load_idx %arg26[%select_n3A] : memref<5024xf32, #tpu.memory_space<vmem>>[vector<16xi32>], vector<16xf32>,
          tpu.vector_store_idx %arg37[%add3A_157], %gather3A_173 masked %and3A : memref<128xf32, #tpu.memory_space<vmem>>[vector<16xi32>], vector<16xf32>, vector<16xi1>
          %gather3A_174 = tpu.vector_load_idx %arg27[%select_n3A] : memref<5024xf32, #tpu.memory_space<vmem>>[vector<16xi32>], vector<16xf32>,
          tpu.vector_store_idx %arg38[%add3A_157], %gather3A_174 masked %and3A : memref<128xf32, #tpu.memory_space<vmem>>[vector<16xi32>], vector<16xf32>, vector<16xi1>
          %while3A_175 = arith.constant 0 : i32
          scf.yield %while3A_175 : i32
        }
        scf.yield %while3A_134#0, %while3A_70#1, %sub3A : i32, i32, i32
      }
      "tpu.region"() ({
        %run_scoped3A = tpu.sem_alloc : memref<!tpu.dma_semaphore, #tpu.memory_space<semaphore_mem>>
        %dma_start3A = arith.constant 0 : i32
        %dma_start3A_66 = tpu.memref_slice %arg4[%add3A, %dma_start3A] : memref<20x128xf32, #tpu.memory_space<hbm>> -> memref<1x128xf32, #tpu.memory_space<hbm>>
        %dma_start3A_67 = tpu.memref_squeeze %dma_start3A_66 : memref<1x128xf32, #tpu.memory_space<hbm>> -> memref<128xf32, #tpu.memory_space<hbm>>
        %dma_start3A_68 = arith.constant 0 : i32
        %dma_start3A_69 = tpu.memref_slice %arg4[%add3A, %dma_start3A_68] : memref<20x128xf32, #tpu.memory_space<hbm>> -> memref<1x128xf32, #tpu.memory_space<hbm>>
        %dma_start3A_70 = tpu.memref_squeeze %dma_start3A_69 : memref<1x128xf32, #tpu.memory_space<hbm>> -> memref<128xf32, #tpu.memory_space<hbm>>
        tpu.enqueue_dma source(%arg28 : memref<128xf32, #tpu.memory_space<vmem>>) target(%dma_start3A_70 : memref<128xf32, #tpu.memory_space<hbm>>) target_semaphore(%run_scoped3A : memref<!tpu.dma_semaphore, #tpu.memory_space<semaphore_mem>>)
        %dma_wait3A = arith.constant 0 : i32
        %dma_wait3A_71 = tpu.memref_slice %arg4[%add3A, %dma_wait3A] : memref<20x128xf32, #tpu.memory_space<hbm>> -> memref<1x128xf32, #tpu.memory_space<hbm>>
        %dma_wait3A_72 = tpu.memref_squeeze %dma_wait3A_71 : memref<1x128xf32, #tpu.memory_space<hbm>> -> memref<128xf32, #tpu.memory_space<hbm>>
        %dma_wait3A_73 = arith.constant 0 : i32
        %dma_wait3A_74 = tpu.memref_slice %arg4[%add3A, %dma_wait3A_73] : memref<20x128xf32, #tpu.memory_space<hbm>> -> memref<1x128xf32, #tpu.memory_space<hbm>>
        %dma_wait3A_75 = tpu.memref_squeeze %dma_wait3A_74 : memref<1x128xf32, #tpu.memory_space<hbm>> -> memref<128xf32, #tpu.memory_space<hbm>>
        tpu.wait_dma2 semaphore(%run_scoped3A : memref<!tpu.dma_semaphore, #tpu.memory_space<semaphore_mem>>) src(%arg28 : memref<128xf32, #tpu.memory_space<vmem>>) dst(%dma_wait3A_75 : memref<128xf32, #tpu.memory_space<hbm>>)
        tpu.yield
      }) : () -> ()
      "tpu.region"() ({
        %run_scoped3A = tpu.sem_alloc : memref<!tpu.dma_semaphore, #tpu.memory_space<semaphore_mem>>
        %dma_start3A = arith.constant 0 : i32
        %dma_start3A_66 = tpu.memref_slice %arg5[%add3A, %dma_start3A] : memref<20x128xf32, #tpu.memory_space<hbm>> -> memref<1x128xf32, #tpu.memory_space<hbm>>
        %dma_start3A_67 = tpu.memref_squeeze %dma_start3A_66 : memref<1x128xf32, #tpu.memory_space<hbm>> -> memref<128xf32, #tpu.memory_space<hbm>>
        %dma_start3A_68 = arith.constant 0 : i32
        %dma_start3A_69 = tpu.memref_slice %arg5[%add3A, %dma_start3A_68] : memref<20x128xf32, #tpu.memory_space<hbm>> -> memref<1x128xf32, #tpu.memory_space<hbm>>
        %dma_start3A_70 = tpu.memref_squeeze %dma_start3A_69 : memref<1x128xf32, #tpu.memory_space<hbm>> -> memref<128xf32, #tpu.memory_space<hbm>>
        tpu.enqueue_dma source(%arg29 : memref<128xf32, #tpu.memory_space<vmem>>) target(%dma_start3A_70 : memref<128xf32, #tpu.memory_space<hbm>>) target_semaphore(%run_scoped3A : memref<!tpu.dma_semaphore, #tpu.memory_space<semaphore_mem>>)
        %dma_wait3A = arith.constant 0 : i32
        %dma_wait3A_71 = tpu.memref_slice %arg5[%add3A, %dma_wait3A] : memref<20x128xf32, #tpu.memory_space<hbm>> -> memref<1x128xf32, #tpu.memory_space<hbm>>
        %dma_wait3A_72 = tpu.memref_squeeze %dma_wait3A_71 : memref<1x128xf32, #tpu.memory_space<hbm>> -> memref<128xf32, #tpu.memory_space<hbm>>
        %dma_wait3A_73 = arith.constant 0 : i32
        %dma_wait3A_74 = tpu.memref_slice %arg5[%add3A, %dma_wait3A_73] : memref<20x128xf32, #tpu.memory_space<hbm>> -> memref<1x128xf32, #tpu.memory_space<hbm>>
        %dma_wait3A_75 = tpu.memref_squeeze %dma_wait3A_74 : memref<1x128xf32, #tpu.memory_space<hbm>> -> memref<128xf32, #tpu.memory_space<hbm>>
        tpu.wait_dma2 semaphore(%run_scoped3A : memref<!tpu.dma_semaphore, #tpu.memory_space<semaphore_mem>>) src(%arg29 : memref<128xf32, #tpu.memory_space<vmem>>) dst(%dma_wait3A_75 : memref<128xf32, #tpu.memory_space<hbm>>)
        tpu.yield
      }) : () -> ()
      "tpu.region"() ({
        %run_scoped3A = tpu.sem_alloc : memref<!tpu.dma_semaphore, #tpu.memory_space<semaphore_mem>>
        %dma_start3A = arith.constant 0 : i32
        %dma_start3A_66 = tpu.memref_slice %arg6[%add3A, %dma_start3A] : memref<20x128xf32, #tpu.memory_space<hbm>> -> memref<1x128xf32, #tpu.memory_space<hbm>>
        %dma_start3A_67 = tpu.memref_squeeze %dma_start3A_66 : memref<1x128xf32, #tpu.memory_space<hbm>> -> memref<128xf32, #tpu.memory_space<hbm>>
        %dma_start3A_68 = arith.constant 0 : i32
        %dma_start3A_69 = tpu.memref_slice %arg6[%add3A, %dma_start3A_68] : memref<20x128xf32, #tpu.memory_space<hbm>> -> memref<1x128xf32, #tpu.memory_space<hbm>>
        %dma_start3A_70 = tpu.memref_squeeze %dma_start3A_69 : memref<1x128xf32, #tpu.memory_space<hbm>> -> memref<128xf32, #tpu.memory_space<hbm>>
        tpu.enqueue_dma source(%arg30 : memref<128xf32, #tpu.memory_space<vmem>>) target(%dma_start3A_70 : memref<128xf32, #tpu.memory_space<hbm>>) target_semaphore(%run_scoped3A : memref<!tpu.dma_semaphore, #tpu.memory_space<semaphore_mem>>)
        %dma_wait3A = arith.constant 0 : i32
        %dma_wait3A_71 = tpu.memref_slice %arg6[%add3A, %dma_wait3A] : memref<20x128xf32, #tpu.memory_space<hbm>> -> memref<1x128xf32, #tpu.memory_space<hbm>>
        %dma_wait3A_72 = tpu.memref_squeeze %dma_wait3A_71 : memref<1x128xf32, #tpu.memory_space<hbm>> -> memref<128xf32, #tpu.memory_space<hbm>>
        %dma_wait3A_73 = arith.constant 0 : i32
        %dma_wait3A_74 = tpu.memref_slice %arg6[%add3A, %dma_wait3A_73] : memref<20x128xf32, #tpu.memory_space<hbm>> -> memref<1x128xf32, #tpu.memory_space<hbm>>
        %dma_wait3A_75 = tpu.memref_squeeze %dma_wait3A_74 : memref<1x128xf32, #tpu.memory_space<hbm>> -> memref<128xf32, #tpu.memory_space<hbm>>
        tpu.wait_dma2 semaphore(%run_scoped3A : memref<!tpu.dma_semaphore, #tpu.memory_space<semaphore_mem>>) src(%arg30 : memref<128xf32, #tpu.memory_space<vmem>>) dst(%dma_wait3A_75 : memref<128xf32, #tpu.memory_space<hbm>>)
        tpu.yield
      }) : () -> ()
      "tpu.region"() ({
        %run_scoped3A = tpu.sem_alloc : memref<!tpu.dma_semaphore, #tpu.memory_space<semaphore_mem>>
        %dma_start3A = arith.constant 0 : i32
        %dma_start3A_66 = tpu.memref_slice %arg7[%add3A, %dma_start3A] : memref<20x128xf32, #tpu.memory_space<hbm>> -> memref<1x128xf32, #tpu.memory_space<hbm>>
        %dma_start3A_67 = tpu.memref_squeeze %dma_start3A_66 : memref<1x128xf32, #tpu.memory_space<hbm>> -> memref<128xf32, #tpu.memory_space<hbm>>
        %dma_start3A_68 = arith.constant 0 : i32
        %dma_start3A_69 = tpu.memref_slice %arg7[%add3A, %dma_start3A_68] : memref<20x128xf32, #tpu.memory_space<hbm>> -> memref<1x128xf32, #tpu.memory_space<hbm>>
        %dma_start3A_70 = tpu.memref_squeeze %dma_start3A_69 : memref<1x128xf32, #tpu.memory_space<hbm>> -> memref<128xf32, #tpu.memory_space<hbm>>
        tpu.enqueue_dma source(%arg31 : memref<128xf32, #tpu.memory_space<vmem>>) target(%dma_start3A_70 : memref<128xf32, #tpu.memory_space<hbm>>) target_semaphore(%run_scoped3A : memref<!tpu.dma_semaphore, #tpu.memory_space<semaphore_mem>>)
        %dma_wait3A = arith.constant 0 : i32
        %dma_wait3A_71 = tpu.memref_slice %arg7[%add3A, %dma_wait3A] : memref<20x128xf32, #tpu.memory_space<hbm>> -> memref<1x128xf32, #tpu.memory_space<hbm>>
        %dma_wait3A_72 = tpu.memref_squeeze %dma_wait3A_71 : memref<1x128xf32, #tpu.memory_space<hbm>> -> memref<128xf32, #tpu.memory_space<hbm>>
        %dma_wait3A_73 = arith.constant 0 : i32
        %dma_wait3A_74 = tpu.memref_slice %arg7[%add3A, %dma_wait3A_73] : memref<20x128xf32, #tpu.memory_space<hbm>> -> memref<1x128xf32, #tpu.memory_space<hbm>>
        %dma_wait3A_75 = tpu.memref_squeeze %dma_wait3A_74 : memref<1x128xf32, #tpu.memory_space<hbm>> -> memref<128xf32, #tpu.memory_space<hbm>>
        tpu.wait_dma2 semaphore(%run_scoped3A : memref<!tpu.dma_semaphore, #tpu.memory_space<semaphore_mem>>) src(%arg31 : memref<128xf32, #tpu.memory_space<vmem>>) dst(%dma_wait3A_75 : memref<128xf32, #tpu.memory_space<hbm>>)
        tpu.yield
      }) : () -> ()
      "tpu.region"() ({
        %run_scoped3A = tpu.sem_alloc : memref<!tpu.dma_semaphore, #tpu.memory_space<semaphore_mem>>
        %dma_start3A = arith.constant 0 : i32
        %dma_start3A_66 = tpu.memref_slice %arg8[%add3A, %dma_start3A] : memref<20x128xf32, #tpu.memory_space<hbm>> -> memref<1x128xf32, #tpu.memory_space<hbm>>
        %dma_start3A_67 = tpu.memref_squeeze %dma_start3A_66 : memref<1x128xf32, #tpu.memory_space<hbm>> -> memref<128xf32, #tpu.memory_space<hbm>>
        %dma_start3A_68 = arith.constant 0 : i32
        %dma_start3A_69 = tpu.memref_slice %arg8[%add3A, %dma_start3A_68] : memref<20x128xf32, #tpu.memory_space<hbm>> -> memref<1x128xf32, #tpu.memory_space<hbm>>
        %dma_start3A_70 = tpu.memref_squeeze %dma_start3A_69 : memref<1x128xf32, #tpu.memory_space<hbm>> -> memref<128xf32, #tpu.memory_space<hbm>>
        tpu.enqueue_dma source(%arg32 : memref<128xf32, #tpu.memory_space<vmem>>) target(%dma_start3A_70 : memref<128xf32, #tpu.memory_space<hbm>>) target_semaphore(%run_scoped3A : memref<!tpu.dma_semaphore, #tpu.memory_space<semaphore_mem>>)
        %dma_wait3A = arith.constant 0 : i32
        %dma_wait3A_71 = tpu.memref_slice %arg8[%add3A, %dma_wait3A] : memref<20x128xf32, #tpu.memory_space<hbm>> -> memref<1x128xf32, #tpu.memory_space<hbm>>
        %dma_wait3A_72 = tpu.memref_squeeze %dma_wait3A_71 : memref<1x128xf32, #tpu.memory_space<hbm>> -> memref<128xf32, #tpu.memory_space<hbm>>
        %dma_wait3A_73 = arith.constant 0 : i32
        %dma_wait3A_74 = tpu.memref_slice %arg8[%add3A, %dma_wait3A_73] : memref<20x128xf32, #tpu.memory_space<hbm>> -> memref<1x128xf32, #tpu.memory_space<hbm>>
        %dma_wait3A_75 = tpu.memref_squeeze %dma_wait3A_74 : memref<1x128xf32, #tpu.memory_space<hbm>> -> memref<128xf32, #tpu.memory_space<hbm>>
        tpu.wait_dma2 semaphore(%run_scoped3A : memref<!tpu.dma_semaphore, #tpu.memory_space<semaphore_mem>>) src(%arg32 : memref<128xf32, #tpu.memory_space<vmem>>) dst(%dma_wait3A_75 : memref<128xf32, #tpu.memory_space<hbm>>)
        tpu.yield
      }) : () -> ()
      "tpu.region"() ({
        %run_scoped3A = tpu.sem_alloc : memref<!tpu.dma_semaphore, #tpu.memory_space<semaphore_mem>>
        %dma_start3A = arith.constant 0 : i32
        %dma_start3A_66 = tpu.memref_slice %arg9[%add3A, %dma_start3A] : memref<20x128xi32, #tpu.memory_space<hbm>> -> memref<1x128xi32, #tpu.memory_space<hbm>>
        %dma_start3A_67 = tpu.memref_squeeze %dma_start3A_66 : memref<1x128xi32, #tpu.memory_space<hbm>> -> memref<128xi32, #tpu.memory_space<hbm>>
        %dma_start3A_68 = arith.constant 0 : i32
        %dma_start3A_69 = tpu.memref_slice %arg9[%add3A, %dma_start3A_68] : memref<20x128xi32, #tpu.memory_space<hbm>> -> memref<1x128xi32, #tpu.memory_space<hbm>>
        %dma_start3A_70 = tpu.memref_squeeze %dma_start3A_69 : memref<1x128xi32, #tpu.memory_space<hbm>> -> memref<128xi32, #tpu.memory_space<hbm>>
        tpu.enqueue_dma source(%arg33 : memref<128xi32, #tpu.memory_space<vmem>>) target(%dma_start3A_70 : memref<128xi32, #tpu.memory_space<hbm>>) target_semaphore(%run_scoped3A : memref<!tpu.dma_semaphore, #tpu.memory_space<semaphore_mem>>)
        %dma_wait3A = arith.constant 0 : i32
        %dma_wait3A_71 = tpu.memref_slice %arg9[%add3A, %dma_wait3A] : memref<20x128xi32, #tpu.memory_space<hbm>> -> memref<1x128xi32, #tpu.memory_space<hbm>>
        %dma_wait3A_72 = tpu.memref_squeeze %dma_wait3A_71 : memref<1x128xi32, #tpu.memory_space<hbm>> -> memref<128xi32, #tpu.memory_space<hbm>>
        %dma_wait3A_73 = arith.constant 0 : i32
        %dma_wait3A_74 = tpu.memref_slice %arg9[%add3A, %dma_wait3A_73] : memref<20x128xi32, #tpu.memory_space<hbm>> -> memref<1x128xi32, #tpu.memory_space<hbm>>
        %dma_wait3A_75 = tpu.memref_squeeze %dma_wait3A_74 : memref<1x128xi32, #tpu.memory_space<hbm>> -> memref<128xi32, #tpu.memory_space<hbm>>
        tpu.wait_dma2 semaphore(%run_scoped3A : memref<!tpu.dma_semaphore, #tpu.memory_space<semaphore_mem>>) src(%arg33 : memref<128xi32, #tpu.memory_space<vmem>>) dst(%dma_wait3A_75 : memref<128xi32, #tpu.memory_space<hbm>>)
        tpu.yield
      }) : () -> ()
    } else {
    }
    return
  }
}

#map = affine_map<(d0, d1) -> (0)>
module attributes {stable_mosaic.version = 14 : i64} {
  func.func @_merge_kernel(%arg0: i32, %arg1: i32, %arg2: memref<2560xf32, #tpu.memory_space<hbm>>, %arg3: memref<2560xf32, #tpu.memory_space<hbm>>, %arg4: memref<2560xf32, #tpu.memory_space<hbm>>, %arg5: memref<2560xf32, #tpu.memory_space<hbm>>, %arg6: memref<2560xf32, #tpu.memory_space<hbm>>, %arg7: memref<2560xi32, #tpu.memory_space<hbm>>, %arg8: memref<640xf32, #tpu.memory_space<hbm>>, %arg9: memref<128xi32, #tpu.memory_space<hbm>>, %arg10: memref<2576xf32, #tpu.memory_space<vmem>>, %arg11: memref<2576xf32, #tpu.memory_space<vmem>>, %arg12: memref<2576xf32, #tpu.memory_space<vmem>>, %arg13: memref<2576xf32, #tpu.memory_space<vmem>>, %arg14: memref<2576xf32, #tpu.memory_space<vmem>>, %arg15: memref<2576xi32, #tpu.memory_space<vmem>>, %arg16: memref<32xf32, #tpu.memory_space<vmem>>, %arg17: memref<32xi32, #tpu.memory_space<vmem>>, %arg18: memref<32xi32, #tpu.memory_space<smem>>, %arg19: memref<640xf32, #tpu.memory_space<vmem>>, %arg20: memref<128xi32, #tpu.memory_space<vmem>>, %arg21: memref<128xi32, #tpu.memory_space<vmem>>) attributes {dimension_semantics = [#tpu.dimension_semantics<core_parallel>, #tpu.dimension_semantics<subcore_parallel>], iteration_bounds = array<i64: 2, 16>, scalar_prefetch = 0 : i64, scratch_operands = 12 : i64, tpu.core_type = #tpu.core_type<sc_vector_subcore>, window_params = [{transform_indices = #map}, {transform_indices = #map}, {transform_indices = #map}, {transform_indices = #map}, {transform_indices = #map}, {transform_indices = #map}, {transform_indices = #map}, {transform_indices = #map}]} {
    %mul3A = arith.constant 2 : i32
    %mul3A_0 = arith.muli %arg1, %mul3A : i32
    %add3A = arith.addi %mul3A_0, %arg0 : i32
    %iota3A = tpu.iota {dimensions = array<i32: 0>} : vector<16xi32>
    %eq3A = arith.constant 0 : i32
    %eq3A_1 = vector.broadcast %eq3A : i32 to vector<16xi32>
    %eq3A_2 = arith.cmpi eq, %iota3A, %eq3A_1 : vector<16xi32>
    %eq3A_3 = arith.constant 0 : i32
    %eq3A_4 = arith.cmpi eq, %add3A, %eq3A_3 : i32
    %convert_element_type3A = arith.extui %eq3A_4 : i1 to i32
    %cond3A = arith.constant 0 : i32
    %cond3A_5 = arith.cmpi ne, %convert_element_type3A, %cond3A : i32
    scf.if %cond3A_5 {
      "tpu.region"() ({
        %run_scoped3A = tpu.sem_alloc : memref<!tpu.dma_semaphore, #tpu.memory_space<semaphore_mem>>
        %dma_start3A = arith.constant 0 : i32
        %dma_start3A_82 = tpu.memref_slice %arg10[%dma_start3A] : memref<2576xf32, #tpu.memory_space<vmem>> -> memref<2560xf32, #tpu.memory_space<vmem>>
        %dma_start3A_83 = arith.constant 0 : i32
        %dma_start3A_84 = tpu.memref_slice %arg10[%dma_start3A_83] : memref<2576xf32, #tpu.memory_space<vmem>> -> memref<2560xf32, #tpu.memory_space<vmem>>
        tpu.enqueue_dma source(%arg2 : memref<2560xf32, #tpu.memory_space<hbm>>) target(%dma_start3A_84 : memref<2560xf32, #tpu.memory_space<vmem>>) target_semaphore(%run_scoped3A : memref<!tpu.dma_semaphore, #tpu.memory_space<semaphore_mem>>)
        %dma_wait3A = arith.constant 0 : i32
        %dma_wait3A_85 = tpu.memref_slice %arg10[%dma_wait3A] : memref<2576xf32, #tpu.memory_space<vmem>> -> memref<2560xf32, #tpu.memory_space<vmem>>
        %dma_wait3A_86 = arith.constant 0 : i32
        %dma_wait3A_87 = tpu.memref_slice %arg10[%dma_wait3A_86] : memref<2576xf32, #tpu.memory_space<vmem>> -> memref<2560xf32, #tpu.memory_space<vmem>>
        tpu.wait_dma2 semaphore(%run_scoped3A : memref<!tpu.dma_semaphore, #tpu.memory_space<semaphore_mem>>) src(%arg2 : memref<2560xf32, #tpu.memory_space<hbm>>) dst(%dma_wait3A_87 : memref<2560xf32, #tpu.memory_space<vmem>>)
        tpu.yield
      }) : () -> ()
      "tpu.region"() ({
        %run_scoped3A = tpu.sem_alloc : memref<!tpu.dma_semaphore, #tpu.memory_space<semaphore_mem>>
        %dma_start3A = arith.constant 0 : i32
        %dma_start3A_82 = tpu.memref_slice %arg11[%dma_start3A] : memref<2576xf32, #tpu.memory_space<vmem>> -> memref<2560xf32, #tpu.memory_space<vmem>>
        %dma_start3A_83 = arith.constant 0 : i32
        %dma_start3A_84 = tpu.memref_slice %arg11[%dma_start3A_83] : memref<2576xf32, #tpu.memory_space<vmem>> -> memref<2560xf32, #tpu.memory_space<vmem>>
        tpu.enqueue_dma source(%arg3 : memref<2560xf32, #tpu.memory_space<hbm>>) target(%dma_start3A_84 : memref<2560xf32, #tpu.memory_space<vmem>>) target_semaphore(%run_scoped3A : memref<!tpu.dma_semaphore, #tpu.memory_space<semaphore_mem>>)
        %dma_wait3A = arith.constant 0 : i32
        %dma_wait3A_85 = tpu.memref_slice %arg11[%dma_wait3A] : memref<2576xf32, #tpu.memory_space<vmem>> -> memref<2560xf32, #tpu.memory_space<vmem>>
        %dma_wait3A_86 = arith.constant 0 : i32
        %dma_wait3A_87 = tpu.memref_slice %arg11[%dma_wait3A_86] : memref<2576xf32, #tpu.memory_space<vmem>> -> memref<2560xf32, #tpu.memory_space<vmem>>
        tpu.wait_dma2 semaphore(%run_scoped3A : memref<!tpu.dma_semaphore, #tpu.memory_space<semaphore_mem>>) src(%arg3 : memref<2560xf32, #tpu.memory_space<hbm>>) dst(%dma_wait3A_87 : memref<2560xf32, #tpu.memory_space<vmem>>)
        tpu.yield
      }) : () -> ()
      "tpu.region"() ({
        %run_scoped3A = tpu.sem_alloc : memref<!tpu.dma_semaphore, #tpu.memory_space<semaphore_mem>>
        %dma_start3A = arith.constant 0 : i32
        %dma_start3A_82 = tpu.memref_slice %arg12[%dma_start3A] : memref<2576xf32, #tpu.memory_space<vmem>> -> memref<2560xf32, #tpu.memory_space<vmem>>
        %dma_start3A_83 = arith.constant 0 : i32
        %dma_start3A_84 = tpu.memref_slice %arg12[%dma_start3A_83] : memref<2576xf32, #tpu.memory_space<vmem>> -> memref<2560xf32, #tpu.memory_space<vmem>>
        tpu.enqueue_dma source(%arg4 : memref<2560xf32, #tpu.memory_space<hbm>>) target(%dma_start3A_84 : memref<2560xf32, #tpu.memory_space<vmem>>) target_semaphore(%run_scoped3A : memref<!tpu.dma_semaphore, #tpu.memory_space<semaphore_mem>>)
        %dma_wait3A = arith.constant 0 : i32
        %dma_wait3A_85 = tpu.memref_slice %arg12[%dma_wait3A] : memref<2576xf32, #tpu.memory_space<vmem>> -> memref<2560xf32, #tpu.memory_space<vmem>>
        %dma_wait3A_86 = arith.constant 0 : i32
        %dma_wait3A_87 = tpu.memref_slice %arg12[%dma_wait3A_86] : memref<2576xf32, #tpu.memory_space<vmem>> -> memref<2560xf32, #tpu.memory_space<vmem>>
        tpu.wait_dma2 semaphore(%run_scoped3A : memref<!tpu.dma_semaphore, #tpu.memory_space<semaphore_mem>>) src(%arg4 : memref<2560xf32, #tpu.memory_space<hbm>>) dst(%dma_wait3A_87 : memref<2560xf32, #tpu.memory_space<vmem>>)
        tpu.yield
      }) : () -> ()
      "tpu.region"() ({
        %run_scoped3A = tpu.sem_alloc : memref<!tpu.dma_semaphore, #tpu.memory_space<semaphore_mem>>
        %dma_start3A = arith.constant 0 : i32
        %dma_start3A_82 = tpu.memref_slice %arg13[%dma_start3A] : memref<2576xf32, #tpu.memory_space<vmem>> -> memref<2560xf32, #tpu.memory_space<vmem>>
        %dma_start3A_83 = arith.constant 0 : i32
        %dma_start3A_84 = tpu.memref_slice %arg13[%dma_start3A_83] : memref<2576xf32, #tpu.memory_space<vmem>> -> memref<2560xf32, #tpu.memory_space<vmem>>
        tpu.enqueue_dma source(%arg5 : memref<2560xf32, #tpu.memory_space<hbm>>) target(%dma_start3A_84 : memref<2560xf32, #tpu.memory_space<vmem>>) target_semaphore(%run_scoped3A : memref<!tpu.dma_semaphore, #tpu.memory_space<semaphore_mem>>)
        %dma_wait3A = arith.constant 0 : i32
        %dma_wait3A_85 = tpu.memref_slice %arg13[%dma_wait3A] : memref<2576xf32, #tpu.memory_space<vmem>> -> memref<2560xf32, #tpu.memory_space<vmem>>
        %dma_wait3A_86 = arith.constant 0 : i32
        %dma_wait3A_87 = tpu.memref_slice %arg13[%dma_wait3A_86] : memref<2576xf32, #tpu.memory_space<vmem>> -> memref<2560xf32, #tpu.memory_space<vmem>>
        tpu.wait_dma2 semaphore(%run_scoped3A : memref<!tpu.dma_semaphore, #tpu.memory_space<semaphore_mem>>) src(%arg5 : memref<2560xf32, #tpu.memory_space<hbm>>) dst(%dma_wait3A_87 : memref<2560xf32, #tpu.memory_space<vmem>>)
        tpu.yield
      }) : () -> ()
      "tpu.region"() ({
        %run_scoped3A = tpu.sem_alloc : memref<!tpu.dma_semaphore, #tpu.memory_space<semaphore_mem>>
        %dma_start3A = arith.constant 0 : i32
        %dma_start3A_82 = tpu.memref_slice %arg14[%dma_start3A] : memref<2576xf32, #tpu.memory_space<vmem>> -> memref<2560xf32, #tpu.memory_space<vmem>>
        %dma_start3A_83 = arith.constant 0 : i32
        %dma_start3A_84 = tpu.memref_slice %arg14[%dma_start3A_83] : memref<2576xf32, #tpu.memory_space<vmem>> -> memref<2560xf32, #tpu.memory_space<vmem>>
        tpu.enqueue_dma source(%arg6 : memref<2560xf32, #tpu.memory_space<hbm>>) target(%dma_start3A_84 : memref<2560xf32, #tpu.memory_space<vmem>>) target_semaphore(%run_scoped3A : memref<!tpu.dma_semaphore, #tpu.memory_space<semaphore_mem>>)
        %dma_wait3A = arith.constant 0 : i32
        %dma_wait3A_85 = tpu.memref_slice %arg14[%dma_wait3A] : memref<2576xf32, #tpu.memory_space<vmem>> -> memref<2560xf32, #tpu.memory_space<vmem>>
        %dma_wait3A_86 = arith.constant 0 : i32
        %dma_wait3A_87 = tpu.memref_slice %arg14[%dma_wait3A_86] : memref<2576xf32, #tpu.memory_space<vmem>> -> memref<2560xf32, #tpu.memory_space<vmem>>
        tpu.wait_dma2 semaphore(%run_scoped3A : memref<!tpu.dma_semaphore, #tpu.memory_space<semaphore_mem>>) src(%arg6 : memref<2560xf32, #tpu.memory_space<hbm>>) dst(%dma_wait3A_87 : memref<2560xf32, #tpu.memory_space<vmem>>)
        tpu.yield
      }) : () -> ()
      "tpu.region"() ({
        %run_scoped3A = tpu.sem_alloc : memref<!tpu.dma_semaphore, #tpu.memory_space<semaphore_mem>>
        %dma_start3A = arith.constant 0 : i32
        %dma_start3A_82 = tpu.memref_slice %arg15[%dma_start3A] : memref<2576xi32, #tpu.memory_space<vmem>> -> memref<2560xi32, #tpu.memory_space<vmem>>
        %dma_start3A_83 = arith.constant 0 : i32
        %dma_start3A_84 = tpu.memref_slice %arg15[%dma_start3A_83] : memref<2576xi32, #tpu.memory_space<vmem>> -> memref<2560xi32, #tpu.memory_space<vmem>>
        tpu.enqueue_dma source(%arg7 : memref<2560xi32, #tpu.memory_space<hbm>>) target(%dma_start3A_84 : memref<2560xi32, #tpu.memory_space<vmem>>) target_semaphore(%run_scoped3A : memref<!tpu.dma_semaphore, #tpu.memory_space<semaphore_mem>>)
        %dma_wait3A = arith.constant 0 : i32
        %dma_wait3A_85 = tpu.memref_slice %arg15[%dma_wait3A] : memref<2576xi32, #tpu.memory_space<vmem>> -> memref<2560xi32, #tpu.memory_space<vmem>>
        %dma_wait3A_86 = arith.constant 0 : i32
        %dma_wait3A_87 = tpu.memref_slice %arg15[%dma_wait3A_86] : memref<2576xi32, #tpu.memory_space<vmem>> -> memref<2560xi32, #tpu.memory_space<vmem>>
        tpu.wait_dma2 semaphore(%run_scoped3A : memref<!tpu.dma_semaphore, #tpu.memory_space<semaphore_mem>>) src(%arg7 : memref<2560xi32, #tpu.memory_space<hbm>>) dst(%dma_wait3A_87 : memref<2560xi32, #tpu.memory_space<vmem>>)
        tpu.yield
      }) : () -> ()
      %add3A_6 = arith.constant 0 : i32
      %add3A_7 = vector.broadcast %add3A_6 : i32 to vector<16xi32>
      %add3A_8 = arith.addi %iota3A, %add3A_7 : vector<16xi32>
      %min3A = arith.constant 19 : i32
      %min3A_9 = vector.broadcast %min3A : i32 to vector<16xi32>
      %min3A_10 = arith.minsi %add3A_8, %min3A_9 : vector<16xi32>
      %mul3A_11 = arith.constant 128 : i32
      %mul3A_12 = vector.broadcast %mul3A_11 : i32 to vector<16xi32>
      %mul3A_13 = arith.muli %min3A_10, %mul3A_12 : vector<16xi32>
      %gather3A = tpu.vector_load_idx %arg10[%mul3A_13] : memref<2576xf32, #tpu.memory_space<vmem>>[vector<16xi32>], vector<16xf32>,
      %lt3A = arith.constant 20 : i32
      %lt3A_14 = vector.broadcast %lt3A : i32 to vector<16xi32>
      %lt3A_15 = arith.cmpi slt, %add3A_8, %lt3A_14 : vector<16xi32>
      %jit3A = arith.constant -1.000000e+00 : f32
      %broadcast_in_dim3A = vector.broadcast %jit3A : f32 to vector<16xf32>
      %select_n3A = arith.select %lt3A_15, %gather3A, %broadcast_in_dim3A : vector<16xi1>, vector<16xf32>
      %swap3A = arith.constant 0 : index
      %swap3A_16 = tpu.vector_load %arg16[%swap3A] {strides = array<i32>} : memref<32xf32, #tpu.memory_space<vmem>>, vector<16xf32>,
      tpu.vector_store %arg16[%swap3A], %select_n3A {strides = array<i32>} : memref<32xf32, #tpu.memory_space<vmem>>, vector<16xf32>,
      %gather3A_17 = tpu.vector_load_idx %arg15[%mul3A_13] : memref<2576xi32, #tpu.memory_space<vmem>>[vector<16xi32>], vector<16xi32>,
      %lt3A_18 = arith.constant 20 : i32
      %lt3A_19 = vector.broadcast %lt3A_18 : i32 to vector<16xi32>
      %lt3A_20 = arith.cmpi slt, %add3A_8, %lt3A_19 : vector<16xi32>
      %jit3A_21 = arith.constant 0 : i32
      %broadcast_in_dim3A_22 = vector.broadcast %jit3A_21 : i32 to vector<16xi32>
      %select_n3A_23 = arith.select %lt3A_20, %gather3A_17, %broadcast_in_dim3A_22 : vector<16xi1>, vector<16xi32>
      %swap3A_24 = arith.constant 0 : index
      %swap3A_25 = tpu.vector_load %arg17[%swap3A_24] {strides = array<i32>} : memref<32xi32, #tpu.memory_space<vmem>>, vector<16xi32>,
      tpu.vector_store %arg17[%swap3A_24], %select_n3A_23 {strides = array<i32>} : memref<32xi32, #tpu.memory_space<vmem>>, vector<16xi32>,
      %add3A_26 = arith.constant 16 : i32
      %add3A_27 = vector.broadcast %add3A_26 : i32 to vector<16xi32>
      %add3A_28 = arith.addi %iota3A, %add3A_27 : vector<16xi32>
      %min3A_29 = arith.constant 19 : i32
      %min3A_30 = vector.broadcast %min3A_29 : i32 to vector<16xi32>
      %min3A_31 = arith.minsi %add3A_28, %min3A_30 : vector<16xi32>
      %mul3A_32 = arith.constant 128 : i32
      %mul3A_33 = vector.broadcast %mul3A_32 : i32 to vector<16xi32>
      %mul3A_34 = arith.muli %min3A_31, %mul3A_33 : vector<16xi32>
      %gather3A_35 = tpu.vector_load_idx %arg10[%mul3A_34] : memref<2576xf32, #tpu.memory_space<vmem>>[vector<16xi32>], vector<16xf32>,
      %lt3A_36 = arith.constant 20 : i32
      %lt3A_37 = vector.broadcast %lt3A_36 : i32 to vector<16xi32>
      %lt3A_38 = arith.cmpi slt, %add3A_28, %lt3A_37 : vector<16xi32>
      %jit3A_39 = arith.constant -1.000000e+00 : f32
      %broadcast_in_dim3A_40 = vector.broadcast %jit3A_39 : f32 to vector<16xf32>
      %select_n3A_41 = arith.select %lt3A_38, %gather3A_35, %broadcast_in_dim3A_40 : vector<16xi1>, vector<16xf32>
      %swap3A_42 = arith.constant 16 : index
      %swap3A_43 = tpu.vector_load %arg16[%swap3A_42] {strides = array<i32>} : memref<32xf32, #tpu.memory_space<vmem>>, vector<16xf32>,
      tpu.vector_store %arg16[%swap3A_42], %select_n3A_41 {strides = array<i32>} : memref<32xf32, #tpu.memory_space<vmem>>, vector<16xf32>,
      %gather3A_44 = tpu.vector_load_idx %arg15[%mul3A_34] : memref<2576xi32, #tpu.memory_space<vmem>>[vector<16xi32>], vector<16xi32>,
      %lt3A_45 = arith.constant 20 : i32
      %lt3A_46 = vector.broadcast %lt3A_45 : i32 to vector<16xi32>
      %lt3A_47 = arith.cmpi slt, %add3A_28, %lt3A_46 : vector<16xi32>
      %jit3A_48 = arith.constant 0 : i32
      %broadcast_in_dim3A_49 = vector.broadcast %jit3A_48 : i32 to vector<16xi32>
      %select_n3A_50 = arith.select %lt3A_47, %gather3A_44, %broadcast_in_dim3A_49 : vector<16xi1>, vector<16xi32>
      %swap3A_51 = arith.constant 16 : index
      %swap3A_52 = tpu.vector_load %arg17[%swap3A_51] {strides = array<i32>} : memref<32xi32, #tpu.memory_space<vmem>>, vector<16xi32>,
      tpu.vector_store %arg17[%swap3A_51], %select_n3A_50 {strides = array<i32>} : memref<32xi32, #tpu.memory_space<vmem>>, vector<16xi32>,
      %scan3A = arith.constant 0 : i32
      %scan3A_53 = arith.constant 0 : i32
      %scan3A_54 = arith.constant 32 : i32
      %scan3A_55 = arith.addi %scan3A_53, %scan3A_54 : i32
      %scan3A_56 = arith.constant 1 : i32
      %scan3A_57 = scf.for %scan3A_82 = %scan3A_53 to %scan3A_55 step %scan3A_56 iter_args(%scan3A_83 = %scan3A) -> (i32)  : i32 {
        %swap3A_84 = arith.constant 0 : i32
        %swap3A_85 = arith.index_cast %scan3A_82 : i32 to index
        %swap3A_86 = memref.load %arg18[%swap3A_85] : memref<32xi32, #tpu.memory_space<smem>>
        memref.store %swap3A_84, %arg18[%swap3A_85] : memref<32xi32, #tpu.memory_space<smem>>
        %scan3A_87 = arith.constant 0 : i32
        scf.yield %scan3A_87 : i32
      }
      %scan3A_58 = arith.constant 32 : i32
      %scan3A_59 = arith.constant 0 : i32
      %scan3A_60 = arith.constant 0 : i32
      %scan3A_61 = arith.constant 8 : i32
      %scan3A_62 = arith.addi %scan3A_60, %scan3A_61 : i32
      %scan3A_63 = arith.constant 1 : i32
      %scan3A_64 = scf.for %scan3A_82 = %scan3A_60 to %scan3A_62 step %scan3A_63 iter_args(%scan3A_83 = %scan3A_59) -> (i32)  : i32 {
        %broadcast_in_dim3A_84 = arith.constant -1 : i32
        %broadcast_in_dim3A_85 = vector.broadcast %broadcast_in_dim3A_84 : i32 to vector<16xi32>
        %mul3A_86 = arith.constant 16 : i32
        %mul3A_87 = arith.muli %scan3A_82, %mul3A_86 : i32
        %swap3A_88 = arith.index_cast %mul3A_87 : i32 to index
        %swap3A_89 = tpu.vector_load %arg21[%swap3A_88] {strides = array<i32>} : memref<128xi32, #tpu.memory_space<vmem>>, vector<16xi32>,
        tpu.vector_store %arg21[%swap3A_88], %broadcast_in_dim3A_85 {strides = array<i32>} : memref<128xi32, #tpu.memory_space<vmem>>, vector<16xi32>,
        %scan3A_90 = arith.constant 0 : i32
        scf.yield %scan3A_90 : i32
      }
      %scan3A_65 = arith.constant 8 : i32
      %scan3A_66 = arith.constant 0 : i32
      %scan3A_67 = arith.constant 0 : i32
      %scan3A_68 = arith.constant 100 : i32
      %scan3A_69 = arith.addi %scan3A_67, %scan3A_68 : i32
      %scan3A_70 = arith.constant 1 : i32
      %scan3A_71 = scf.for %scan3A_82 = %scan3A_67 to %scan3A_69 step %scan3A_70 iter_args(%scan3A_83 = %scan3A_66) -> (i32)  : i32 {
        %get3A = arith.constant 0 : index
        %get3A_84 = tpu.vector_load %arg16[%get3A] {strides = array<i32>} : memref<32xf32, #tpu.memory_space<vmem>>, vector<16xf32>,
        %get3A_85 = arith.constant 16 : index
        %get3A_86 = tpu.vector_load %arg16[%get3A_85] {strides = array<i32>} : memref<32xf32, #tpu.memory_space<vmem>>, vector<16xf32>,
        %reduce_max3A = arith.constant true
        %reduce_max3A_87 = vector.broadcast %reduce_max3A : i1 to vector<16xi1>
        %reduce_max3A_88 = tpu.scan <max>, %get3A_84 masked %reduce_max3A_87 : vector<16xf32>, vector<16xi1> -> vector<16xf32>
        %reduce_max3A_89 = vector.extract %reduce_max3A_88[15] : f32 from vector<16xf32>
        %reduce_max3A_90 = arith.constant true
        %reduce_max3A_91 = vector.broadcast %reduce_max3A_90 : i1 to vector<16xi1>
        %reduce_max3A_92 = tpu.scan <max>, %get3A_86 masked %reduce_max3A_91 : vector<16xf32>, vector<16xi1> -> vector<16xf32>
        %reduce_max3A_93 = vector.extract %reduce_max3A_92[15] : f32 from vector<16xf32>
        %max3A = arith.maximumf %reduce_max3A_89, %reduce_max3A_93 : f32
        %gt3A = arith.constant 0.000000e+00 : f32
        %gt3A_94 = arith.cmpf ogt, %max3A, %gt3A : f32
        %convert_element_type3A_95 = arith.extui %gt3A_94 : i1 to i32
        %cond3A_96 = arith.constant 0 : i32
        %cond3A_97 = arith.cmpi ne, %convert_element_type3A_95, %cond3A_96 : i32
        scf.if %cond3A_97 {
          %get3A_99 = arith.constant 0 : index
          %get3A_100 = tpu.vector_load %arg17[%get3A_99] {strides = array<i32>} : memref<32xi32, #tpu.memory_space<vmem>>, vector<16xi32>,
          %get3A_101 = arith.constant 16 : index
          %get3A_102 = tpu.vector_load %arg17[%get3A_101] {strides = array<i32>} : memref<32xi32, #tpu.memory_space<vmem>>, vector<16xi32>,
          %eq3A_103 = vector.broadcast %max3A : f32 to vector<16xf32>
          %eq3A_104 = arith.cmpf oeq, %get3A_84, %eq3A_103 : vector<16xf32>
          %mul3A_105 = arith.constant 20 : i32
          %mul3A_106 = vector.broadcast %mul3A_105 : i32 to vector<16xi32>
          %mul3A_107 = arith.muli %get3A_100, %mul3A_106 : vector<16xi32>
          %add3A_108 = arith.addi %mul3A_107, %iota3A : vector<16xi32>
          %jit3A_109 = arith.constant 1073741824 : i32
          %broadcast_in_dim3A_110 = vector.broadcast %jit3A_109 : i32 to vector<16xi32>
          %select_n3A_111 = arith.select %eq3A_104, %add3A_108, %broadcast_in_dim3A_110 : vector<16xi1>, vector<16xi32>
          %eq3A_112 = vector.broadcast %max3A : f32 to vector<16xf32>
          %eq3A_113 = arith.cmpf oeq, %get3A_86, %eq3A_112 : vector<16xf32>
          %mul3A_114 = arith.constant 20 : i32
          %mul3A_115 = vector.broadcast %mul3A_114 : i32 to vector<16xi32>
          %mul3A_116 = arith.muli %get3A_102, %mul3A_115 : vector<16xi32>
          %add3A_117 = arith.constant 16 : i32
          %add3A_118 = vector.broadcast %add3A_117 : i32 to vector<16xi32>
          %add3A_119 = arith.addi %iota3A, %add3A_118 : vector<16xi32>
          %add3A_120 = arith.addi %mul3A_116, %add3A_119 : vector<16xi32>
          %jit3A_121 = arith.constant 1073741824 : i32
          %broadcast_in_dim3A_122 = vector.broadcast %jit3A_121 : i32 to vector<16xi32>
          %select_n3A_123 = arith.select %eq3A_113, %add3A_120, %broadcast_in_dim3A_122 : vector<16xi1>, vector<16xi32>
          %reduce_min3A = arith.constant true
          %reduce_min3A_124 = vector.broadcast %reduce_min3A : i1 to vector<16xi1>
          %reduce_min3A_125 = arith.constant -2147483648 : i32
          %reduce_min3A_126 = vector.broadcast %reduce_min3A_125 : i32 to vector<16xi32>
          %reduce_min3A_127 = arith.xori %select_n3A_111, %reduce_min3A_126 : vector<16xi32>
          %reduce_min3A_128 = tpu.scan <min>, %reduce_min3A_127 masked %reduce_min3A_124 : vector<16xi32>, vector<16xi1> -> vector<16xi32>
          %reduce_min3A_129 = arith.xori %reduce_min3A_128, %reduce_min3A_126 : vector<16xi32>
          %reduce_min3A_130 = vector.extract %reduce_min3A_129[15] : i32 from vector<16xi32>
          %reduce_min3A_131 = arith.constant true
          %reduce_min3A_132 = vector.broadcast %reduce_min3A_131 : i1 to vector<16xi1>
          %reduce_min3A_133 = arith.constant -2147483648 : i32
          %reduce_min3A_134 = vector.broadcast %reduce_min3A_133 : i32 to vector<16xi32>
          %reduce_min3A_135 = arith.xori %select_n3A_123, %reduce_min3A_134 : vector<16xi32>
          %reduce_min3A_136 = tpu.scan <min>, %reduce_min3A_135 masked %reduce_min3A_132 : vector<16xi32>, vector<16xi1> -> vector<16xi32>
          %reduce_min3A_137 = arith.xori %reduce_min3A_136, %reduce_min3A_134 : vector<16xi32>
          %reduce_min3A_138 = vector.extract %reduce_min3A_137[15] : i32 from vector<16xi32>
          %min3A_139 = arith.minsi %reduce_min3A_130, %reduce_min3A_138 : i32
          %rem3A = arith.constant 20 : i32
          %rem3A_140 = arith.remsi %min3A_139, %rem3A : i32
          %get3A_141 = arith.index_cast %rem3A_140 : i32 to index
          %get3A_142 = memref.load %arg18[%get3A_141] : memref<32xi32, #tpu.memory_space<smem>>
          %mul3A_143 = arith.constant 128 : i32
          %mul3A_144 = arith.muli %rem3A_140, %mul3A_143 : i32
          %add3A_145 = arith.addi %mul3A_144, %get3A_142 : i32
          %broadcast_in_dim3A_146 = vector.broadcast %scan3A_82 : i32 to vector<16xi32>
          %broadcast_in_dim3A_147 = vector.broadcast %add3A_145 : i32 to vector<16xi32>
          tpu.vector_store_idx %arg21[%broadcast_in_dim3A_146], %broadcast_in_dim3A_147 masked %eq3A_2 : memref<128xi32, #tpu.memory_space<vmem>>[vector<16xi32>], vector<16xi32>, vector<16xi1>
          %add3A_148 = arith.constant 1 : i32
          %add3A_149 = arith.addi %get3A_142, %add3A_148 : i32
          %swap3A_150 = arith.index_cast %rem3A_140 : i32 to index
          %swap3A_151 = memref.load %arg18[%swap3A_150] : memref<32xi32, #tpu.memory_space<smem>>
          memref.store %add3A_149, %arg18[%swap3A_150] : memref<32xi32, #tpu.memory_space<smem>>
          %min3A_152 = arith.constant 127 : i32
          %min3A_153 = arith.minsi %add3A_149, %min3A_152 : i32
          %mul3A_154 = arith.constant 128 : i32
          %mul3A_155 = arith.muli %rem3A_140, %mul3A_154 : i32
          %add3A_156 = arith.addi %mul3A_155, %min3A_153 : i32
          %get3A_157 = arith.index_cast %add3A_156 : i32 to index
          %get3A_158 = tpu.vector_load %arg10[%get3A_157] {strides = array<i32>} : memref<2576xf32, #tpu.memory_space<vmem>>, vector<16xf32>,
          %slice3A = vector.extract_strided_slice %get3A_158 {offsets = [0], sizes = [1], strides = [1]} : vector<16xf32> to vector<1xf32>
          %squeeze3A = vector.extract %slice3A[0] : f32 from vector<1xf32>
          %gt3A_159 = arith.constant 127 : i32
          %gt3A_160 = arith.cmpi sgt, %add3A_149, %gt3A_159 : i32
          %jit3A_161 = arith.constant -1.000000e+00 : f32
          %select_n3A_162 = arith.select %gt3A_160, %jit3A_161, %squeeze3A : f32
          %broadcast_in_dim3A_163 = vector.broadcast %rem3A_140 : i32 to vector<16xi32>
          %broadcast_in_dim3A_164 = vector.broadcast %select_n3A_162 : f32 to vector<16xf32>
          tpu.vector_store_idx %arg16[%broadcast_in_dim3A_163], %broadcast_in_dim3A_164 masked %eq3A_2 : memref<32xf32, #tpu.memory_space<vmem>>[vector<16xi32>], vector<16xf32>, vector<16xi1>
          %mul3A_165 = arith.constant 128 : i32
          %mul3A_166 = arith.muli %rem3A_140, %mul3A_165 : i32
          %add3A_167 = arith.addi %mul3A_166, %min3A_153 : i32
          %get3A_168 = arith.index_cast %add3A_167 : i32 to index
          %get3A_169 = tpu.vector_load %arg15[%get3A_168] {strides = array<i32>} : memref<2576xi32, #tpu.memory_space<vmem>>, vector<16xi32>,
          %slice3A_170 = vector.extract_strided_slice %get3A_169 {offsets = [0], sizes = [1], strides = [1]} : vector<16xi32> to vector<1xi32>
          %squeeze3A_171 = vector.extract %slice3A_170[0] : i32 from vector<1xi32>
          %broadcast_in_dim3A_172 = vector.broadcast %rem3A_140 : i32 to vector<16xi32>
          %broadcast_in_dim3A_173 = vector.broadcast %squeeze3A_171 : i32 to vector<16xi32>
          tpu.vector_store_idx %arg17[%broadcast_in_dim3A_172], %broadcast_in_dim3A_173 masked %eq3A_2 : memref<32xi32, #tpu.memory_space<vmem>>[vector<16xi32>], vector<16xi32>, vector<16xi1>
        } else {
        }
        %scan3A_98 = arith.constant 0 : i32
        scf.yield %scan3A_98 : i32
      }
      %scan3A_72 = arith.constant 100 : i32
      %ge3A = arith.constant 0 : i32
      %ge3A_73 = vector.broadcast %ge3A : i32 to vector<16xi32>
      %ge3A_74 = arith.cmpi sge, %iota3A, %ge3A_73 : vector<16xi32>
      %scan3A_75 = arith.constant 0 : i32
      %scan3A_76 = arith.constant 0 : i32
      %scan3A_77 = arith.constant 8 : i32
      %scan3A_78 = arith.addi %scan3A_76, %scan3A_77 : i32
      %scan3A_79 = arith.constant 1 : i32
      %scan3A_80 = scf.for %scan3A_82 = %scan3A_76 to %scan3A_78 step %scan3A_79 iter_args(%scan3A_83 = %scan3A_75) -> (i32)  : i32 {
        %mul3A_84 = arith.constant 16 : i32
        %mul3A_85 = arith.muli %scan3A_82, %mul3A_84 : i32
        %add3A_86 = vector.broadcast %mul3A_85 : i32 to vector<16xi32>
        %add3A_87 = arith.addi %add3A_86, %iota3A : vector<16xi32>
        %mul3A_88 = arith.constant 16 : i32
        %mul3A_89 = arith.muli %scan3A_82, %mul3A_88 : i32
        %get3A = arith.index_cast %mul3A_89 : i32 to index
        %get3A_90 = tpu.vector_load %arg21[%get3A] {strides = array<i32>} : memref<128xi32, #tpu.memory_space<vmem>>, vector<16xi32>,
        %ge3A_91 = arith.constant 0 : i32
        %ge3A_92 = vector.broadcast %ge3A_91 : i32 to vector<16xi32>
        %ge3A_93 = arith.cmpi sge, %get3A_90, %ge3A_92 : vector<16xi32>
        %jit3A_94 = arith.constant 0 : i32
        %broadcast_in_dim3A_95 = vector.broadcast %jit3A_94 : i32 to vector<16xi32>
        %select_n3A_96 = arith.select %ge3A_93, %get3A_90, %broadcast_in_dim3A_95 : vector<16xi1>, vector<16xi32>
        %broadcast_in_dim3A_97 = arith.constant 0.000000e+00 : f32
        %broadcast_in_dim3A_98 = vector.broadcast %broadcast_in_dim3A_97 : f32 to vector<16xf32>
        %mul3A_99 = arith.constant 5 : i32
        %mul3A_100 = vector.broadcast %mul3A_99 : i32 to vector<16xi32>
        %mul3A_101 = arith.muli %add3A_87, %mul3A_100 : vector<16xi32>
        %gather3A_102 = tpu.vector_load_idx %arg11[%select_n3A_96] : memref<2576xf32, #tpu.memory_space<vmem>>[vector<16xi32>], vector<16xf32>,
        %select_n3A_103 = arith.select %ge3A_93, %gather3A_102, %broadcast_in_dim3A_98 : vector<16xi1>, vector<16xf32>
        tpu.vector_store_idx %arg19[%mul3A_101], %select_n3A_103 masked %ge3A_74 : memref<640xf32, #tpu.memory_space<vmem>>[vector<16xi32>], vector<16xf32>, vector<16xi1>
        %mul3A_104 = arith.constant 5 : i32
        %mul3A_105 = vector.broadcast %mul3A_104 : i32 to vector<16xi32>
        %mul3A_106 = arith.muli %add3A_87, %mul3A_105 : vector<16xi32>
        %add3A_107 = arith.constant 1 : i32
        %add3A_108 = vector.broadcast %add3A_107 : i32 to vector<16xi32>
        %add3A_109 = arith.addi %mul3A_106, %add3A_108 : vector<16xi32>
        %gather3A_110 = tpu.vector_load_idx %arg12[%select_n3A_96] : memref<2576xf32, #tpu.memory_space<vmem>>[vector<16xi32>], vector<16xf32>,
        %select_n3A_111 = arith.select %ge3A_93, %gather3A_110, %broadcast_in_dim3A_98 : vector<16xi1>, vector<16xf32>
        tpu.vector_store_idx %arg19[%add3A_109], %select_n3A_111 masked %ge3A_74 : memref<640xf32, #tpu.memory_space<vmem>>[vector<16xi32>], vector<16xf32>, vector<16xi1>
        %mul3A_112 = arith.constant 5 : i32
        %mul3A_113 = vector.broadcast %mul3A_112 : i32 to vector<16xi32>
        %mul3A_114 = arith.muli %add3A_87, %mul3A_113 : vector<16xi32>
        %add3A_115 = arith.constant 2 : i32
        %add3A_116 = vector.broadcast %add3A_115 : i32 to vector<16xi32>
        %add3A_117 = arith.addi %mul3A_114, %add3A_116 : vector<16xi32>
        %gather3A_118 = tpu.vector_load_idx %arg13[%select_n3A_96] : memref<2576xf32, #tpu.memory_space<vmem>>[vector<16xi32>], vector<16xf32>,
        %select_n3A_119 = arith.select %ge3A_93, %gather3A_118, %broadcast_in_dim3A_98 : vector<16xi1>, vector<16xf32>
        tpu.vector_store_idx %arg19[%add3A_117], %select_n3A_119 masked %ge3A_74 : memref<640xf32, #tpu.memory_space<vmem>>[vector<16xi32>], vector<16xf32>, vector<16xi1>
        %mul3A_120 = arith.constant 5 : i32
        %mul3A_121 = vector.broadcast %mul3A_120 : i32 to vector<16xi32>
        %mul3A_122 = arith.muli %add3A_87, %mul3A_121 : vector<16xi32>
        %add3A_123 = arith.constant 3 : i32
        %add3A_124 = vector.broadcast %add3A_123 : i32 to vector<16xi32>
        %add3A_125 = arith.addi %mul3A_122, %add3A_124 : vector<16xi32>
        %gather3A_126 = tpu.vector_load_idx %arg14[%select_n3A_96] : memref<2576xf32, #tpu.memory_space<vmem>>[vector<16xi32>], vector<16xf32>,
        %select_n3A_127 = arith.select %ge3A_93, %gather3A_126, %broadcast_in_dim3A_98 : vector<16xi1>, vector<16xf32>
        tpu.vector_store_idx %arg19[%add3A_125], %select_n3A_127 masked %ge3A_74 : memref<640xf32, #tpu.memory_space<vmem>>[vector<16xi32>], vector<16xf32>, vector<16xi1>
        %mul3A_128 = arith.constant 5 : i32
        %mul3A_129 = vector.broadcast %mul3A_128 : i32 to vector<16xi32>
        %mul3A_130 = arith.muli %add3A_87, %mul3A_129 : vector<16xi32>
        %add3A_131 = arith.constant 4 : i32
        %add3A_132 = vector.broadcast %add3A_131 : i32 to vector<16xi32>
        %add3A_133 = arith.addi %mul3A_130, %add3A_132 : vector<16xi32>
        %gather3A_134 = tpu.vector_load_idx %arg10[%select_n3A_96] : memref<2576xf32, #tpu.memory_space<vmem>>[vector<16xi32>], vector<16xf32>,
        %select_n3A_135 = arith.select %ge3A_93, %gather3A_134, %broadcast_in_dim3A_98 : vector<16xi1>, vector<16xf32>
        tpu.vector_store_idx %arg19[%add3A_133], %select_n3A_135 masked %ge3A_74 : memref<640xf32, #tpu.memory_space<vmem>>[vector<16xi32>], vector<16xf32>, vector<16xi1>
        %shift_right_logical3A = arith.constant 7 : i32
        %shift_right_logical3A_136 = vector.broadcast %shift_right_logical3A : i32 to vector<16xi32>
        %shift_right_logical3A_137 = arith.shrui %select_n3A_96, %shift_right_logical3A_136 : vector<16xi32>
        %jit3A_138 = arith.constant -1 : i32
        %broadcast_in_dim3A_139 = vector.broadcast %jit3A_138 : i32 to vector<16xi32>
        %select_n3A_140 = arith.select %ge3A_93, %shift_right_logical3A_137, %broadcast_in_dim3A_139 : vector<16xi1>, vector<16xi32>
        %mul3A_141 = arith.constant 16 : i32
        %mul3A_142 = arith.muli %scan3A_82, %mul3A_141 : i32
        %swap3A_143 = arith.index_cast %mul3A_142 : i32 to index
        %swap3A_144 = tpu.vector_load %arg20[%swap3A_143] {strides = array<i32>} : memref<128xi32, #tpu.memory_space<vmem>>, vector<16xi32>,
        tpu.vector_store %arg20[%swap3A_143], %select_n3A_140 {strides = array<i32>} : memref<128xi32, #tpu.memory_space<vmem>>, vector<16xi32>,
        %scan3A_145 = arith.constant 0 : i32
        scf.yield %scan3A_145 : i32
      }
      %scan3A_81 = arith.constant 8 : i32
      "tpu.region"() ({
        %run_scoped3A = tpu.sem_alloc : memref<!tpu.dma_semaphore, #tpu.memory_space<semaphore_mem>>
        tpu.enqueue_dma source(%arg19 : memref<640xf32, #tpu.memory_space<vmem>>) target(%arg8 : memref<640xf32, #tpu.memory_space<hbm>>) target_semaphore(%run_scoped3A : memref<!tpu.dma_semaphore, #tpu.memory_space<semaphore_mem>>)
        tpu.wait_dma2 semaphore(%run_scoped3A : memref<!tpu.dma_semaphore, #tpu.memory_space<semaphore_mem>>) src(%arg19 : memref<640xf32, #tpu.memory_space<vmem>>) dst(%arg8 : memref<640xf32, #tpu.memory_space<hbm>>)
        tpu.yield
      }) : () -> ()
      "tpu.region"() ({
        %run_scoped3A = tpu.sem_alloc : memref<!tpu.dma_semaphore, #tpu.memory_space<semaphore_mem>>
        tpu.enqueue_dma source(%arg20 : memref<128xi32, #tpu.memory_space<vmem>>) target(%arg9 : memref<128xi32, #tpu.memory_space<hbm>>) target_semaphore(%run_scoped3A : memref<!tpu.dma_semaphore, #tpu.memory_space<semaphore_mem>>)
        tpu.wait_dma2 semaphore(%run_scoped3A : memref<!tpu.dma_semaphore, #tpu.memory_space<semaphore_mem>>) src(%arg20 : memref<128xi32, #tpu.memory_space<vmem>>) dst(%arg9 : memref<128xi32, #tpu.memory_space<hbm>>)
        tpu.yield
      }) : () -> ()
    } else {
    }
    return
  }
}

</mosaic_0001>

<sc_bundles>
// kernel: kernel.4.cloned.1.call-start
scs
__scs_entry_jumppad:
0x0: {  	(pc) =	sbr.rel $0x88, $3  }
0x1: {  	(tag) =	ssettag $0x0;
	lr =	simm.s32 $0x1  }
0x2: {  	[smem:$0x3F9F] =	sst lr;
	_ =	strace $0xD0000000  }
0x3: {  	_ = 	snop  }
0x4: {  	_ = 	snop  }
0x5: {  	_ = 	snop  }
0x6: {  	_ = 	snop  }
0x7: {  	_ = 	snop  }
__scs_overlays_trampoline_lowered:
0x8: {  	[smem:$0x3FAE] =	sst s0  }
0x9: {  	[smem:$0x3FAF] =	sst s1  }
0xa: {  	[smem:$0x3FB0] =	sst s2  }
0xb: {  	[smem:$0x3FB1] =	sst s3  }
0xc: {  	[smem:$0x3FB2] =	sst s4  }
0xd: {  	[smem:$0x3FB3] =	sst s5  }
0xe: {  	[smem:$0x3FB4] =	sst s6  }
0xf: {  	[smem:$0x3FB5] =	sst s7  }
0x10: {  	[smem:$0x3FB6] =	sst s8  }
0x11: {  	[smem:$0x3FB7] =	sst s9;
	s0 =	simm.s32 @!p0 $0x0  }
0x12: {  	s1 =	sld [smem:$0x3F9D];
	s0 =	simm.s32 @p0 $0x1  }
0x13: {  	[smem:$0x3FB8] =	sst s0;
	s0 =	simm.s32 @!p1 $0x0  }
0x14: {  	s2 =	sld [smem:$0x3F9C];
	s0 =	simm.s32 @p1 $0x1  }
0x15: {  	[smem:$0x3FB9] =	sst s0;
	s0 =	simm.s32 @!p2 $0x0  }
0x16: {  	s3 =	sld [smem:$0x3FDB];
	s0 =	simm.s32 @p2 $0x1  }
0x17: {  	s4 =	simm.s32 $0x1BF5;
	[smem:$0x3FBB] =	sst s0  }
0x18: {  	s0 =	sld [smem:$0x3F9E];
	_ =	swait.ge [sflag:s4], $0x0  }
0x19: {  	s7 =	sld [smem:$0x3F9F]  }
0x1a: {  	s8 =	sadd.s32 $0xFFFFE003, lr  }
0x1b: {  	s9 =	sadd.s32 $0xFFFFFEF7, lr;
	s5 =	simm.s32 $0xFFFFFFFF;
	p2 =	slt.u32 s8, $0xFFFFF086  }
0x1c: {  	p1 =	slt.u32 s9, $0xF7A;
	s5 =	simm.s32 @!p2 $0x0  }
0x1d: {  	s5 =	simm.s32 @p1 $0x1;
	p0 =	seq.s32 s7, s2  }
0x1e: {  	s7 =	smul.u32 @!p0 $0xF7A, s2;
	p2 =	seq.s32 @!p0 s5, $0x0  }
0x1f: {  	s9 =	smul.u32 $0xF7A, s1;
	s8 =	simm.s32 @!p0 $0x1BF5;
	p2 =	por !p2, p0  }
0x20: {  	[sflag:s8] =	ssyncset.s32 @!p0 $0xFFFFF086;
	s6 =	sadd.s32 @!p0 s3, s7;
	s7 =	simm.s32 @!p0 $0x108  }
0x21: {  	s3 =	sadd.s32 s3, s9;
	s6 =	sadd.s32 @!p0 $0x88, s6;
	s7 =	simm.s32 @p2 $0x1082  }
0x22: {  	[simem:s7], [sflag:s8] =	dma.local @!p0 [hbm:s6], $0xF7A  }
0x23: {  	s9 =	sor.u32 $0xD0000000, s2;
	s6 =	simm.s32 $0x108;
	_ =	swait.ge @!p0 [sflag:s8], $0x0  }
0x24: {  	s3 =	sadd.s32 $0x88, s3;
	s6 =	simm.s32 @!p1 $0x1082;
	[sflag:s4] =	ssyncset.s32 $0xFFFFF086  }
0x25: {  	[simem:s6], [sflag:s4] =	dma.local [hbm:s3], $0xF7A  }
0x26: {  	[smem:$0x3F9F] =	sst s1;
	(tag) =	ssettag s2;
	_ =	strace s9  }
0x27: {  	s1 =	sld [smem:$0x3FAF]  }
0x28: {  	s2 =	sld [smem:$0x3FB0]  }
0x29: {  	s4 =	sld [smem:$0x3FB2]  }
0x2a: {  	p0 =	seq.s32 s5, $0x0;
	s5 =	sld [smem:$0x3FB3]  }
0x2b: {  	s6 =	sld [smem:$0x3FB4]  }
0x2c: {  	s7 =	sld [smem:$0x3FB5]  }
0x2d: {  	s3 =	simm.s32 $0x108;
	s8 =	sld [smem:$0x3FB6]  }
0x2e: {  	s3 =	simm.s32 @!p0 $0x1082;
	s9 =	sld [smem:$0x3FB7]  }
0x2f: {  	lr =	sadd.s32 s0, s3;
	s0 =	sld [smem:$0x3FAE]  }
0x30: {  	s3 =	sld [smem:$0x3FB1]  }
0x31: {  	[smem:$0x3FBA] =	sst s10  }
0x32: {  	s10 =	sld [smem:$0x3FB8];
	_ =	sdelay $0x3  }
0x33: {  	p0 =	seq.s32 s10, $0x1;
	s10 =	sld [smem:$0x3FBA];
	_ =	sdelay $0x3  }
0x34: {  	[smem:$0x3FBA] =	sst s10  }
0x35: {  	s10 =	sld [smem:$0x3FB9];
	_ =	sdelay $0x3  }
0x36: {  	p1 =	seq.s32 s10, $0x1;
	s10 =	sld [smem:$0x3FBA];
	_ =	sdelay $0x3  }
0x37: {  	[smem:$0x3FBA] =	sst s10  }
0x38: {  	s10 =	sld [smem:$0x3FBB]  }
0x39: {  	_ = 	snop;
	(pc) =	sbr.ind lr, $3  }
0x3a: {  	_ = 	snop  }
0x3b: {  	_ = 	snop  }
0x3c: {  	p2 =	seq.s32 s10, $0x1;
	s10 =	sld [smem:$0x3FBA]  }
0x3d: {  	_ =	shalt  }
0x3e: {  	_ =	shalt  }
0x3f: {  	_ =	shalt  }
0x40: {  	_ =	shalt  }
0x41: {  	_ =	shalt  }
0x42: {  	_ =	shalt  }
0x43: {  	_ =	shalt  }
0x44: {  	_ =	shalt  }
0x45: {  	_ =	shalt  }
0x46: {  	_ =	shalt  }
0x47: {  	_ =	shalt  }
0x48: {  	_ =	shalt  }
0x49: {  	_ =	shalt  }
0x4a: {  	_ =	shalt  }
0x4b: {  	_ =	shalt  }
0x4c: {  	_ =	shalt  }
0x4d: {  	_ =	shalt  }
0x4e: {  	_ =	shalt  }
0x4f: {  	_ =	shalt  }
0x50: {  	_ =	shalt  }
0x51: {  	_ =	shalt  }
0x52: {  	_ =	shalt  }
0x53: {  	_ =	shalt  }
0x54: {  	_ =	shalt  }
0x55: {  	_ =	shalt  }
0x56: {  	_ =	shalt  }
0x57: {  	_ =	shalt  }
0x58: {  	_ =	shalt  }
0x59: {  	_ =	shalt  }
0x5a: {  	_ =	shalt  }
0x5b: {  	_ =	shalt  }
0x5c: {  	_ =	shalt  }
0x5d: {  	_ =	shalt  }
0x5e: {  	_ =	shalt  }
0x5f: {  	_ =	shalt  }
0x60: {  	_ =	shalt  }
0x61: {  	_ =	shalt  }
0x62: {  	_ =	shalt  }
0x63: {  	_ =	shalt  }
0x64: {  	_ =	shalt  }
0x65: {  	_ =	shalt  }
0x66: {  	_ =	shalt  }
0x67: {  	_ =	shalt  }
0x68: {  	_ =	shalt  }
0x69: {  	_ =	shalt  }
0x6a: {  	_ =	shalt  }
0x6b: {  	_ =	shalt  }
0x6c: {  	_ =	shalt  }
0x6d: {  	_ =	shalt  }
0x6e: {  	_ =	shalt  }
0x6f: {  	_ =	shalt  }
0x70: {  	_ =	shalt  }
0x71: {  	_ =	shalt  }
0x72: {  	_ =	shalt  }
0x73: {  	_ =	shalt  }
0x74: {  	_ =	shalt  }
0x75: {  	_ =	shalt  }
0x76: {  	_ =	shalt  }
0x77: {  	_ =	shalt  }
0x78: {  	_ =	shalt  }
0x79: {  	_ =	shalt  }
0x7a: {  	_ =	shalt  }
0x7b: {  	_ =	shalt  }
0x7c: {  	_ =	shalt  }
0x7d: {  	_ =	shalt  }
0x7e: {  	_ =	shalt  }
0x7f: {  	_ =	shalt  }
0x80: {  	_ =	shalt  }
0x81: {  	_ =	shalt  }
0x82: {  	_ =	shalt  }
0x83: {  	_ =	shalt  }
0x84: {  	_ =	shalt  }
0x85: {  	_ =	shalt  }
0x86: {  	_ =	shalt  }
0x87: {  	_ =	shalt  }
.Lfunc_end0:
.L_simem_size_0:
called_computation_lowered:
.L_overlay_start_0:
0x88: {  	s2 =	sld [smem:$0x3FD9]  }
0x89: {  	s3 =	sld [smem:$0x3FFE];
	_ =	sdelay $0x1  }
0x8a: {  	s1 =	srdreg.scid  }
0x8b: {  	s0 =	sand.u32 $0x1, s1  }
0x8c: {  	s16 =	sshll.u32 s0, $0xA;
	s2 =	sadd.s32 s3, s2  }
0x8d: {  	s2 =	sadd.s32 s2, s16  }
0x8e: {  	[smem:$0x3FC6] =	sst s2  }
0x8f: {  	_ = 	snop  }
0x90: {  	(tm) =	ssettm $0x1  }
0x91: {  	s17 =	sld [smem:$0x3FFB];
	_ =	sdelay $0x3  }
0x92: {  	_ =	strace s17  }
0x93: {  	s2 =	sld [smem:$0x3FFC];
	_ =	sdelay $0x3  }
0x94: {  	_ =	strace s2  }
0x95: {  	s2 =	sld [smem:$0x3FFD];
	_ =	sdelay $0x3  }
0x96: {  	_ =	strace s2  }
0x97: {  	_ =	strace $0x8FFFFFFF  }
0x98: {  	s18 =	sld [smem:$0x3FDB];
	_ =	sdelay $0x1  }
0x99: {  	s19 =	simm.s32 $_scs_section_size  }
0x9a: {  	s4 =	simm.s32 $_size__tile_overlayer_lowered;
	s5 =	simm.s32 $_tile_overlayer_lowered  }
0x9b: {  	s22 =	simm.s32 $0x1BFF;
	s21 =	sshll.u32 s5, $0x1;
	s2 =	sadd.s32 s19, s18  }
0x9c: {  	s6 =	simm.s32 $0x0;
	s20 =	sshll.u32 s4, $0x1;
	s4 =	sadd.s32 s21, s2  }
0x9d: {  	[timem:s6], [sflag:s22] =	dma.local [hbm:s4], s20  }
0x9e: {  	_ =	swait.ge [sflag:s22], s20  }
0x9f: {  	s3 =	ssub.s32 $0x0, s20;
	[sflag:s22] =	ssyncset.done $0x0  }
0xa0: {  	[sflag:s22] =	ssyncadd.s32 s3;
	_ =	sdelay $0x1  }
0xa1: {  	s23 =	simm.s32 $0x1B8B  }
0xa2: {  	_ =	swait.ge [sflag:s23], $0x1  }
0xa3: {  	[sflag:s23] =	ssyncset.done $0x0  }
0xa4: {  	s25 =	simm.s32 $0x1B8E;
	s24 =	sld [smem:$0x3FFE];
	[sflag:s23] =	ssyncadd.s32 $0xFFFFFFFF  }
0xa5: {  	s26 =	simm.s32 $execute0_lowered;
	[smem:$0x3FD2] =	sst s25  }
0xa6: {  	s4 =	sshll.u32 s26, $0x1;
	_ =	strace $0x80000046;
	[dreg:$0x1] =	wrdreg $0xFFFFFFFF  }
0xa7: {  	s28 =	simm.s32 $_size_execute0_lowered;
	s2 =	sadd.s32 s2, s4;
	[dreg:$0x0] =	wrdreg $0x0  }
0xa8: {  	s4 =	sshll.u32 s28, $0x1;
	[dreg:$0x2] =	wrdreg s2  }
0xa9: {  	[dreg:$0x3] =	wrdreg s4  }
0xaa: {  	[dreg:$0x4] =	wrdreg $0xC0  }
0xab: {  	_ =	task [dreg:s6], $0x5FFFF  }
0xac: {  	[dreg:$0x1] =	wrdreg $0xFFFFFFFF  }
0xad: {  	[dreg:$0x0] =	wrdreg $0x60  }
0xae: {  	[dreg:$0x2] =	wrdreg s24  }
0xaf: {  	[dreg:$0x3] =	wrdreg $0x9A400  }
0xb0: {  	[dreg:$0x4] =	wrdreg $0x9  }
0xb1: {  	_ =	task.clear_ibuf [dreg:s6], $0x5FFFF;
	_ =	strace $0x90000046  }
0xb2: {  	s29 =	simm.s32 $0x9;
	_ =	strace $0x80000048  }
0xb3: {  	_ =	swait.ge [sflag:s29], $0x1  }
0xb4: {  	[sflag:s29] =	ssyncadd.s32 $0xFFFFFFFF  }
0xb5: {  	_ =	strace $0x90000048  }
0xb6: {  	_ =	sfence  }
0xb7: {  	s30 =	sld [smem:$0x0];
	_ =	sdelay $0x2  }
0xb8: {  	s31 =	sshll.u32 s1, $0xD;
	s1 =	sshrl.u32 s1, $0x2  }
0xb9: {  	s3 =	sand.u32 $0x4000, s31;
	s1 =	sadd.s32 s1, s30  }
0xba: {  	s0 =	sor.u32 s3, s0;
	s1 =	sshll.u32 s1, $0x11  }
0xbb: {  	s0 =	sor.u32 s1, s0  }
0xbc: {  	s0 =	sadd.s32 $0x8F2B, s0  }
0xbd: {  	[sflag:s0] =	ssyncadd.remote.s32 $0x1  }
0xbe: {  	_ =	sfence.sel $0xFFFF  }
0xbf: {  	[dreg:$0x0] =	wrdreg $0xFFFFFFFF;
	(pc) =	sbr.abs _section_cstart, $3  }
0xc0: {  	[dreg:$0x1] =	wrdreg $0xFFFFFFFF  }
0xc1: {  	_ =	task.clear_ibuf [dreg:s6], $0x2FFFF;
	_ =	strace $0x9FFFFFFF  }
0xc2: {  	(tm) =	ssettm $0x7FFFFFFF  }
0xc3: {  	_ =	shalt  }
tec
execute0_lowered:
.L_overlay_start_1:
0x0: {  	(tag) =	ssettag $0x1  }
0x1: {  	s0 =	rddreg [dreg:$0x0]  }
0x2: {  	s1 =	srdreg.scid;
	s9 =	stileid.u32  }
0x3: {  	s10 =	rddreg [dreg:$0x1];
	s21 =	simm.s32 $0x0;
	s28 =	simm.s32 $0x3AD0  }
0x4: {  	s29 =	simm.s32 $0x4E70;
	s31 =	simm.s32 $0x12930;
	s1 =	sand.u32 $0x1, s1  }
0x5: {  	s2 =	sshll.u32 s9, $0x1;
	[smem:$0x7FF] =	sst s21;
	s7 =	sadd.s32 $0x1200, s0  }
0x6: {  	s8 =	sshll.u32 s9, $0x4;
	s18 =	sand.u32 $0x1, s9;
	s19 =	sor.u32 $0x20, s9  }
0x7: {  	p0 =	sgt.u32 s9, $0x9;
	s9 =	simm.s32 $0x9A30;
	s3 =	sor.u32 s1, s2  }
0x8: {  	_ =	strace $0x80000047;
	s1 =	ssub.s32 $0x2, s1;
	s8 =	sadd.s32 s8, s10  }
0x9: {  	s2 =	sor.u32 s18, s2;
	s22 =	smin.u32 s19, $0x27;
	s18 =	simm.s32 $0x85A0  }
0xa: {  	s19 =	simm.s32 $0x75A0;
	s4 =	smul.u32 $0x272, s3;
	s5 =	sshll.u32 s3, $0x4  }
0xb: {  	s6 =	smul.u32 $0x4E40, s3;
	s11 =	sshrl.u32 s1, $0x1;
	s3 =	scvt.s32.f32 s3  }
0xc: {  	s23 =	sor.u32 $0x2, s2;
	s24 =	sshll.u32 s22, $0x1;
	s2 =	sor.u32 $0x22, s2  }
0xd: {  	[dreg:$0x3] =	wrdreg s8;
	s1 =	ssub.s32 s1, s11;
	s2 =	smul.u32 $0x272, s2  }
0xe: {  	s11 =	simm.s32 $0xD530;
	s4 =	sadd.s32 s4, s0;
	s0 =	sadd.s32 s5, s0  }
0xf: {  	s6 =	sshrl.u32 s6, $0x3;
	[dreg:$0x9] =	wrdreg s3;
	s3 =	sand.u32 $0x1, s22  }
0x10: {  	s22 =	simm.s32 $0x123B0;
	s5 =	simm.s32 $0x0;
	s4 =	sadd.s32 $0xD600, s4  }
0x11: {  	s12 =	sadd.s32 s7, s6;
	s16 =	sadd.s32 $0x10800, s0;
	[dreg:$0x5] =	wrdreg s4  }
0x12: {  	s17 =	sadd.s32 $0x10A00, s0;
	s20 =	sadd.s32 $0x10C00, s0;
	[dreg:$0x4] =	wrdreg s12  }
0x13: {  	s3 =	sor.u32 s3, s24;
	s25 =	sadd.s32 $0x10E00, s0;
	[dreg:$0xa] =	wrdreg s16  }
0x14: {  	s26 =	sadd.s32 $0x11000, s0;
	s0 =	sadd.s32 $0x11200, s0;
	[dreg:$0xb] =	wrdreg s17  }
0x15: {  	s2 =	sadd.s32 s7, s2;
	s24 =	simm.s32 $0x12430;
	[dreg:$0xc] =	wrdreg s20  }
0x16: {  	s13 =	sadd.s32 $0x272, s12;
	s14 =	sadd.s32 $0x4E4, s12;
	[dreg:$0xd] =	wrdreg s25  }
0x17: {  	s15 =	sadd.s32 $0x756, s12;
	s4 =	smul.u32 $0x272, s23;
	[dreg:$0xe] =	wrdreg s26  }
0x18: {  	s3 =	sor.u32 $0x2, s3;
	[dreg:$0xf] =	wrdreg s0;
	s17 =	simm.s32 $0x1  }
0x19: {  	s25 =	simm.s32 $0x1390;
	s26 =	simm.s32 $0x2730;
	[dreg:$0x12] =	wrdreg s2  }
0x1a: {  	s23 =	simm.s32 $0x124B0;
	s12 =	simm.s32 $0x12730;
	[dreg:$0x6] =	wrdreg s13  }
.Ltmp0:
0x1b: {  	s16 =	simm.s32 $0x12830;
	[dreg:$0x7] =	wrdreg s14;
	(pc) =	sbr.rel .LBB2_1-.Ltmp0, $4  }
0x1c: {  	[dreg:$0x8] =	wrdreg s15;
	s30 =	smul.u32 $0x272, s3;
	s3 =	smax.u32 s1, $0x1  }
0x1d: {  	s13 =	simm.s32 $0xE8D0;
	s4 =	sadd.s32 s7, s4;
	[dreg:$0x10] =	wrdreg s3  }
0x1e: {  	v0 =	vimm.s32 $0x0;
	v1 =	vlaneseq.u32;
	v2 =	vimm.s32 $0x1;
	s14 =	simm.s32 $0x127B0;
	s6 =	sadd.s32 s7, s30;
	[dreg:$0x11] =	wrdreg s4  }
0x1f: {  	v3 =	vimm.f32 $-1.000000000e+00;
	v4 =	vimm.f32 $0.0e+00;
	v5 =	vor.u32 $0xFFFFFFF8, v1;
	s15 =	simm.s32 $0xFC70;
	s7 =	simm.s32 $0x86A0;
	[dreg:$0x13] =	wrdreg s6  }
.LBB2_46:
0x20: {  	s0 =	rddreg [dreg:$0xa];
	s17 =	simm.s32 $0x1  }
0x21: {  	[hbm4b:s0+s21] =	stream.linear.scatter [tilespmem:s22], [sflag:$0x1], $0x80, $0x38;
	[tilespmem:$0x129B0] =	vst v63  }
0x22: {  	_ =	swait.ge [sflag:s17], $0x80  }
0x23: {  	[sflag:s17] =	ssyncset.done $0x0  }
0x24: {  	s8 =	rddreg [dreg:$0xb];
	[sflag:s17] =	ssyncadd.s32 $0xFFFFFF80  }
0x25: {  	[hbm4b:s8+s21] =	stream.linear.scatter [tilespmem:s24], [sflag:$0x1], $0x80, $0x38;
	[tilespmem:$0x129B0] =	vst v63  }
0x26: {  	_ =	swait.ge [sflag:s17], $0x80  }
0x27: {  	[sflag:s17] =	ssyncset.done $0x0  }
0x28: {  	s9 =	rddreg [dreg:$0xc];
	[sflag:s17] =	ssyncadd.s32 $0xFFFFFF80  }
0x29: {  	[hbm4b:s9+s21] =	stream.linear.scatter [tilespmem:s23], [sflag:$0x1], $0x80, $0x38;
	[tilespmem:$0x129B0] =	vst v63  }
0x2a: {  	_ =	swait.ge [sflag:s17], $0x80  }
0x2b: {  	[sflag:s17] =	ssyncset.done $0x0  }
0x2c: {  	s1 =	simm.s32 $0x12530;
	s10 =	rddreg [dreg:$0xd];
	[sflag:s17] =	ssyncadd.s32 $0xFFFFFF80  }
0x2d: {  	[hbm4b:s10+s21] =	stream.linear.scatter [tilespmem:s1], [sflag:$0x1], $0x80, $0x38;
	[tilespmem:$0x129B0] =	vst v63  }
0x2e: {  	_ =	swait.ge [sflag:s17], $0x80  }
0x2f: {  	[sflag:s17] =	ssyncset.done $0x0  }
0x30: {  	s19 =	simm.s32 $0x125B0;
	s18 =	rddreg [dreg:$0xe];
	[sflag:s17] =	ssyncadd.s32 $0xFFFFFF80  }
0x31: {  	[hbm4b:s18+s21] =	stream.linear.scatter [tilespmem:s19], [sflag:$0x1], $0x80, $0x38;
	[tilespmem:$0x129B0] =	vst v63  }
0x32: {  	_ =	swait.ge [sflag:s17], $0x80  }
0x33: {  	[sflag:s17] =	ssyncset.done $0x0  }
0x34: {  	s30 =	simm.s32 $0x12630;
	s20 =	rddreg [dreg:$0xf];
	[sflag:s17] =	ssyncadd.s32 $0xFFFFFF80  }
0x35: {  	[hbm4b:s20+s21] =	stream.linear.scatter [tilespmem:s30], [sflag:$0x1], $0x80, $0x38;
	[tilespmem:$0x129B0] =	vst v63  }
0x36: {  	_ =	swait.ge [sflag:s17], $0x80  }
0x37: {  	s8 =	rddreg [dreg:$0x3]  }
0x38: {  	s3 =	rddreg [dreg:$0x10]  }
0x39: {  	s4 =	rddreg [dreg:$0x11]  }
0x3a: {  	s2 =	rddreg [dreg:$0x12]  }
0x3b: {  	s7 =	simm.s32 $0x86A0;
	[sflag:s17] =	ssyncset.done $0x0;
	s6 =	rddreg [dreg:$0x13]  }
0x3c: {  	s9 =	simm.s32 $0x9A30;
	s5 =	rddreg [dreg:$0x14];
	[sflag:s17] =	ssyncadd.s32 $0xFFFFFF80  }
0x3d: {  	s18 =	simm.s32 $0x85A0;
	s19 =	simm.s32 $0x75A0;
	s10 =	rddreg [dreg:$0x1]  }
.LBB2_47:
0x3e: {  	s5 =	sadd.s32 $0x1, s5  }
0x3f: {  	p1 =	sne.s32 s5, s3  }
.Ltmp1:
0x40: {  	_ = 	snop;
	(pc) =	sbr.rel @!p1 .LBB2_48-.Ltmp1, $1  }
0x41: {  	_ =	sdelay $0x3  }
.LBB2_1:
0x42: {  	[tilespmem:s7], [sflag:$0x1] =	stream.linear.gather [hbm4b:s4+s21], $0x1390, $0x38;
	[tilespmem:$0x129B0] =	vst v63  }
0x43: {  	_ =	swait.ge [sflag:s17], $0x1390  }
0x44: {  	[sflag:s17] =	ssyncset.done $0x0  }
0x45: {  	s1 =	simm.s32 $0x0;
	[sflag:s17] =	ssyncadd.s32 $0xFFFFEC70  }
0x46: {  	v6 =	vimm.f32 $-1.000000020e+30;
	s0 =	simm.s32 $0x40;
	v7 =	vld [tilespmem:s1+$0x86A0]  }
.LBB2_2:
0x47: {  	p1 =	sne.s32 s0, $0x4E00  }
.Ltmp2:
0x48: {  	_ = 	snop;
	(pc) =	sbr.rel @p1 .LBB2_2-.Ltmp2, $3  }
0x49: {  	_ =	sdelay $0x1  }
0x4a: {  	s1 =	sshra.s32 s0, $0x2;
	s0 =	sadd.s32 $0x40, s0;
	v6 =	vmax.f32 v6, v7  }
0x4b: {  	v7 =	vld [tilespmem:s1+$0x86A0]  }
0x4c: {  	s0 =	simm.s32 $0x0  }
0x4d: {  	[tilespmem:s7], [sflag:$0x1] =	stream.linear.gather [hbm4b:s2+s0], $0x1390, $0x38;
	[tilespmem:$0x129B0] =	vst v63  }
0x4e: {  	_ =	swait.ge [sflag:s17], $0x1390  }
0x4f: {  	[sflag:s17] =	ssyncset.done $0x0  }
0x50: {  	s1 =	simm.s32 $0x0;
	[sflag:s17] =	ssyncadd.s32 $0xFFFFEC70  }
0x51: {  	s0 =	simm.s32 $0x40;
	v6 =	vmax.f32 v6, v7;
	v7 =	vld [tilespmem:s1+$0x86A0]  }
.LBB2_4:
0x52: {  	p1 =	sne.s32 s0, $0x4E00  }
.Ltmp3:
0x53: {  	_ = 	snop;
	(pc) =	sbr.rel @p1 .LBB2_4-.Ltmp3, $3  }
0x54: {  	_ =	sdelay $0x1  }
0x55: {  	s1 =	sshra.s32 s0, $0x2;
	s0 =	sadd.s32 $0x40, s0;
	v6 =	vmax.f32 v6, v7  }
0x56: {  	v7 =	vld [tilespmem:s1+$0x86A0]  }
0x57: {  	s0 =	simm.s32 $0x0  }
0x58: {  	[tilespmem:s7], [sflag:$0x1] =	stream.linear.gather [hbm4b:s6+s0], $0x1390, $0x38;
	[tilespmem:$0x129B0] =	vst v63  }
0x59: {  	_ =	swait.ge [sflag:s17], $0x1390  }
0x5a: {  	[sflag:s17] =	ssyncset.done $0x0  }
0x5b: {  	s1 =	simm.s32 $0x0;
	[sflag:s17] =	ssyncadd.s32 $0xFFFFEC70  }
0x5c: {  	s0 =	simm.s32 $0x40;
	v6 =	vmax.f32 v6, v7;
	v7 =	vld [tilespmem:s1+$0x86A0]  }
.LBB2_6:
0x5d: {  	p1 =	sne.s32 s0, $0x4E00  }
.Ltmp4:
0x5e: {  	_ = 	snop;
	(pc) =	sbr.rel @p1 .LBB2_6-.Ltmp4, $3  }
0x5f: {  	_ =	sdelay $0x1  }
0x60: {  	s1 =	sshra.s32 s0, $0x2;
	s0 =	sadd.s32 $0x40, s0;
	v6 =	vmax.f32 v6, v7  }
0x61: {  	v7 =	vld [tilespmem:s1+$0x86A0]  }
0x62: {  	_ =	sdelay $0x3  }
0x63: {  	v6 =	vmax.f32 v6, v7  }
0x64: {  	[tilespmem:$0x9A30] =	vst v6  }
0x65: {  	[spmem:s8] =	stream.linear.scatter [tilespmem:s9], [sflag:$0x1], $0x10, $0x38;
	[tilespmem:$0x129B0] =	vst v63  }
0x66: {  	_ =	swait.ge [sflag:s17], $0x10  }
0x67: {  	[sflag:s17] =	ssyncset.done $0x0  }
0x68: {  	[sflag:s17] =	ssyncadd.s32 $0xFFFFFFF0  }
.Ltmp5:
0x69: {  	[bflag:$0x0] =	sbarrier.arrive $0xFFFF;
	(pc) =	sbr.rel @p0 .LBB2_47-.Ltmp5, $4  }
0x6a: {  	[tilespmem:s18], [sflag:$0x1] =	stream.linear.gather [spmem:s10], $0x100, $0x38;
	[tilespmem:$0x129B0] =	vst v63  }
0x6b: {  	_ =	swait.ge [sflag:s17], $0x100  }
0x6c: {  	[sflag:s17] =	ssyncset.done $0x0  }
0x6d: {  	[sflag:s17] =	ssyncadd.s32 $0xFFFFFF00  }
0x6e: {  	v6 =	vld [tilespmem:$0x85A0]  }
0x6f: {  	v7 =	vld [tilespmem:$0x85B0]  }
0x70: {  	v8 =	vld [tilespmem:$0x85C0]  }
0x71: {  	v9 =	vld [tilespmem:$0x85D0]  }
0x72: {  	v10 =	vld [tilespmem:$0x85E0]  }
0x73: {  	v11 =	vld [tilespmem:$0x85F0]  }
0x74: {  	v12 =	vld [tilespmem:$0x8600]  }
0x75: {  	v13 =	vld [tilespmem:$0x8610]  }
0x76: {  	v14 =	vld [tilespmem:$0x8620]  }
0x77: {  	v15 =	vld [tilespmem:$0x8630]  }
0x78: {  	v16 =	vld [tilespmem:$0x8640]  }
0x79: {  	v17 =	vld [tilespmem:$0x8650]  }
0x7a: {  	v18 =	vld [tilespmem:$0x8660]  }
0x7b: {  	v19 =	vld [tilespmem:$0x8670]  }
0x7c: {  	v20 =	vld [tilespmem:$0x8680];
	s1 =	simm.s32 $0x0;
	s0 =	rddreg [dreg:$0x5]  }
0x7d: {  	v21 =	vld [tilespmem:$0x8690];
	[tilespmem:s1], [sflag:$0x1] =	stream.linear.gather [hbm4b:s0+s1], $0x1390, $0x38  }
0x7e: {  	_ =	swait.ge [sflag:s17], $0x1390  }
0x7f: {  	[sflag:s17] =	ssyncset.done $0x0  }
0x80: {  	s10 =	rddreg [dreg:$0x4];
	[sflag:s17] =	ssyncadd.s32 $0xFFFFEC70  }
0x81: {  	v6 =	vmax.f32 v6, $-1.000000020e+30;
	[tilespmem:s25], [sflag:$0x1] =	stream.linear.gather [hbm4b:s10+s1], $0x1390, $0x38;
	[tilespmem:$0x129B0] =	vst v63  }
0x82: {  	v6 =	vmax.f32 v6, v7;
	_ =	swait.ge [sflag:s17], $0x1390  }
0x83: {  	v6 =	vmax.f32 v6, v8;
	[sflag:s17] =	ssyncset.done $0x0  }
0x84: {  	s18 =	rddreg [dreg:$0x6];
	v6 =	vmax.f32 v6, v9;
	[sflag:s17] =	ssyncadd.s32 $0xFFFFEC70  }
0x85: {  	v6 =	vmax.f32 v6, v10;
	[tilespmem:s26], [sflag:$0x1] =	stream.linear.gather [hbm4b:s18+s1], $0x1390, $0x38;
	[tilespmem:$0x129B0] =	vst v63  }
0x86: {  	v6 =	vmax.f32 v6, v11;
	_ =	swait.ge [sflag:s17], $0x1390  }
0x87: {  	v6 =	vmax.f32 v6, v12;
	[sflag:s17] =	ssyncset.done $0x0  }
0x88: {  	s20 =	rddreg [dreg:$0x7];
	v6 =	vmax.f32 v6, v13;
	[sflag:s17] =	ssyncadd.s32 $0xFFFFEC70  }
0x89: {  	v6 =	vmax.f32 v6, v14;
	[tilespmem:s28], [sflag:$0x1] =	stream.linear.gather [hbm4b:s20+s1], $0x1390, $0x38;
	[tilespmem:$0x129B0] =	vst v63  }
0x8a: {  	v6 =	vmax.f32 v6, v15;
	_ =	swait.ge [sflag:s17], $0x1390  }
0x8b: {  	v6 =	vmax.f32 v6, v16;
	[sflag:s17] =	ssyncset.done $0x0  }
0x8c: {  	s30 =	rddreg [dreg:$0x8];
	v6 =	vmax.f32 v6, v17;
	[sflag:s17] =	ssyncadd.s32 $0xFFFFEC70  }
0x8d: {  	v6 =	vmax.f32 v6, v18;
	[tilespmem:s29], [sflag:$0x1] =	stream.linear.gather [hbm4b:s30+s1], $0x1390, $0x38;
	[tilespmem:$0x129B0] =	vst v63  }
0x8e: {  	v6 =	vmax.f32 v6, v19;
	_ =	swait.ge [sflag:s17], $0x1390  }
0x8f: {  	v6 =	vmax.f32 v6, v20;
	[sflag:s17] =	ssyncset.done $0x0  }
0x90: {  	s2 =	simm.s32 $0x0;
	s0 =	simm.s32 $0x40;
	v6 =	vmax.f32 v6, v21;
	[sflag:s17] =	ssyncadd.s32 $0xFFFFEC70  }
.LBB2_9:
0x91: {  	p1 =	seq.s32 s0, $0x3FC0;
	[tilespmem:s2+$0x75A0] =	vst v0;
	s2 =	smov.u32 s0;
	s0 =	sadd.s32 $0x40, s0  }
.Ltmp6:
0x92: {  	(pc) =	sbr.rel @!p1 .LBB2_9-.Ltmp6, $2  }
0x93: {  	_ =	sdelay $0x2  }
0x94: {  	s2 =	sshra.s32 s2, $0x2  }
0x95: {  	[tilespmem:s2+$0x75A0] =	vst v0;
	s0 =	simm.s32 $0x0  }
0x96: {  	v7 =	vld [tilespmem:s0+$0x0];
	_ =	sdelay $0x4  }
0x97: {  	vm0 =	vgt.f32 v7, $5.000000070e-02  }
0x98: {  	v8 =	vnsel vm0, $0xBF800000, v7  }
0x99: {  	v7 =	vmul.f32 $2.560000000e+02, v8;
	_ =	sdelay $0x1  }
0x9a: {  	v7 =	vtrunc.f32 v7  }
0x9b: {  	v7 =	vcvt.f32.s32 v7;
	_ =	sdelay $0x1  }
0x9c: {  	vm0 =	vgt.s32 v7, $0x0  }
0x9d: {  	v7 =	vnsel vm0, $0x0, v7  }
0x9e: {  	v7 =	vmin.u32 v7, $0xFF  }
0x9f: {  	vm0 =	vgt.f32 v8, $0.0e+00;
	v9 =	vshll.u32 v7, $0x4  }
0xa0: {  	[dreg:$0x14] =	wrdreg s5;
	s2 =	simm.s32 $0x40;
	s3 =	simm.s32 $0x80;
	[tilespmem:s0+$0x0] =	vst v8;
	v8 =	vor.u32 v1, v9;
	v9 =	vmpcnt.ones.xlane vm0  }
.LBB2_11:
0xa1: {  	p1 =	seq.s32 s3, $0x4E00  }
0xa2: {  	(v2sf) =	vpush v9, $0x0  }
0xa3: {  	v7 =	vnsel vm0, $0xFFFFFFFF, v7  }
0xa4: {  	[tilespmem:s0+$0x6210] =	vst v7  }
0xa5: {  	s0 =	sshra.s32 s2, $0x2;
	s2 =	smov.u32 s3;
	[tilespmem:v8+s19+$0x0] =	vst.idx.add.s32.msk vm0, v2  }
0xa6: {  	v7 =	vld [tilespmem:s0+$0x0];
	_ =	sdelay $0x4  }
0xa7: {  	vm0 =	vgt.f32 v7, $5.000000070e-02  }
0xa8: {  	v8 =	vnsel vm0, $0xBF800000, v7  }
0xa9: {  	[tilespmem:s0+$0x0] =	vst v8;
	v7 =	vmul.f32 $2.560000000e+02, v8;
	_ =	sdelay $0x1  }
0xaa: {  	v7 =	vtrunc.f32 v7  }
0xab: {  	v7 =	vcvt.f32.s32 v7  }
0xac: {  	s4 =	spop (v2sf)  }
.Ltmp7:
0xad: {  	vm0 =	vgt.s32 v7, $0x0;
	s1 =	sadd.s32 s1, s4;
	(pc) =	sbr.rel @!p1 .LBB2_11-.Ltmp7, $4  }
0xae: {  	v7 =	vnsel vm0, $0x0, v7  }
0xaf: {  	v7 =	vmin.u32 v7, $0xFF  }
0xb0: {  	vm0 =	vgt.f32 v8, $0.0e+00;
	v8 =	vshll.u32 v7, $0x4  }
0xb1: {  	s3 =	sadd.s32 $0x40, s3;
	v9 =	vmpcnt.ones.xlane vm0;
	v8 =	vor.u32 v1, v8  }
0xb2: {  	_ =	sdelay $0x2  }
0xb3: {  	v7 =	vnsel vm0, $0xFFFFFFFF, v7  }
0xb4: {  	[tilespmem:s0+$0x6210] =	vst v7  }
0xb5: {  	s18 =	sshra.s32 s2, $0x2;
	[tilespmem:v8+s19+$0x0] =	vst.idx.add.s32.msk vm0, v2  }
0xb6: {  	v7 =	vld [tilespmem:s18+$0x0];
	_ =	sdelay $0x4  }
0xb7: {  	vm15 =	vgt.f32 v7, $5.000000070e-02  }
0xb8: {  	v7 =	vnsel vm15, $0xBF800000, v7  }
0xb9: {  	vm0 =	vgt.f32 v7, $0.0e+00  }
0xba: {  	v8 =	vmpcnt.ones.xlane vm0  }
0xbb: {  	(v2sf) =	vpush v9, $0x0  }
0xbc: {  	(v2sf) =	vpush v8, $0x0;
	v8 =	vmul.f32 $2.560000000e+02, v7;
	_ =	sdelay $0x1  }
0xbd: {  	v8 =	vtrunc.f32 v8  }
0xbe: {  	v8 =	vcvt.f32.s32 v8;
	_ =	sdelay $0x1  }
0xbf: {  	vm1 =	vgt.s32 v8, $0x0  }
0xc0: {  	v8 =	vnsel vm1, $0x0, v8  }
0xc1: {  	v8 =	vmin.u32 v8, $0xFF  }
0xc2: {  	v63 =	vshll.u32 v8, $0x4  }
0xc3: {  	v9 =	vor.u32 v1, v63;
	_ =	sdelay $0x2  }
0xc4: {  	[tilespmem:s18+$0x0] =	vst v7;
	v7 =	vnsel vm0, $0xFFFFFFFF, v8  }
0xc5: {  	[tilespmem:s18+$0x6210] =	vst v7  }
0xc6: {  	[tilespmem:v9+s19+$0x0] =	vst.idx.add.s32.msk vm0, v2  }
0xc7: {  	[tilespmem:$0x123B0] =	vst v3  }
0xc8: {  	[tilespmem:$0x12430] =	vst v4  }
0xc9: {  	[tilespmem:$0x124B0] =	vst v4  }
0xca: {  	[tilespmem:$0x12530] =	vst v4  }
0xcb: {  	[tilespmem:$0x125B0] =	vst v4  }
0xcc: {  	[tilespmem:$0x12630] =	vst v0  }
0xcd: {  	[tilespmem:$0x123C0] =	vst v3  }
0xce: {  	[tilespmem:$0x12440] =	vst v4  }
0xcf: {  	[tilespmem:$0x124C0] =	vst v4  }
0xd0: {  	[tilespmem:$0x12540] =	vst v4  }
0xd1: {  	[tilespmem:$0x125C0] =	vst v4  }
0xd2: {  	[tilespmem:$0x12640] =	vst v0  }
0xd3: {  	[tilespmem:$0x123D0] =	vst v3  }
0xd4: {  	[tilespmem:$0x12450] =	vst v4  }
0xd5: {  	[tilespmem:$0x124D0] =	vst v4  }
0xd6: {  	[tilespmem:$0x12550] =	vst v4  }
0xd7: {  	[tilespmem:$0x125D0] =	vst v4  }
0xd8: {  	[tilespmem:$0x12650] =	vst v0  }
0xd9: {  	[tilespmem:$0x123E0] =	vst v3  }
0xda: {  	[tilespmem:$0x12460] =	vst v4  }
0xdb: {  	[tilespmem:$0x124E0] =	vst v4  }
0xdc: {  	[tilespmem:$0x12560] =	vst v4  }
0xdd: {  	[tilespmem:$0x125E0] =	vst v4  }
0xde: {  	[tilespmem:$0x12660] =	vst v0  }
0xdf: {  	[tilespmem:$0x123F0] =	vst v3  }
0xe0: {  	[tilespmem:$0x12470] =	vst v4  }
0xe1: {  	[tilespmem:$0x124F0] =	vst v4  }
0xe2: {  	[tilespmem:$0x12570] =	vst v4  }
0xe3: {  	[tilespmem:$0x125F0] =	vst v4  }
0xe4: {  	[tilespmem:$0x12670] =	vst v0  }
0xe5: {  	[tilespmem:$0x12400] =	vst v3  }
0xe6: {  	[tilespmem:$0x12480] =	vst v4  }
0xe7: {  	[tilespmem:$0x12500] =	vst v4  }
0xe8: {  	[tilespmem:$0x12580] =	vst v4  }
0xe9: {  	[tilespmem:$0x12600] =	vst v4  }
0xea: {  	[tilespmem:$0x12680] =	vst v0  }
0xeb: {  	[tilespmem:$0x12410] =	vst v3  }
0xec: {  	[tilespmem:$0x12490] =	vst v4  }
0xed: {  	[tilespmem:$0x12510] =	vst v4  }
0xee: {  	s20 =	spop (v2sf);
	[tilespmem:$0x12590] =	vst v4  }
0xef: {  	s1 =	sadd.s32 s1, s20;
	s30 =	spop (v2sf);
	[tilespmem:$0x12610] =	vst v4  }
0xf0: {  	[tilespmem:$0x12690] =	vst v0;
	s2 =	sadd.s32 s1, s30  }
0xf1: {  	[tilespmem:$0x12420] =	vst v3;
	p1 =	sgt.s32 s2, $0x0  }
.Ltmp8:
0xf2: {  	[tilespmem:$0x124A0] =	vst v4;
	(pc) =	sbr.rel @!p1 .LBB2_46-.Ltmp8, $4  }
0xf3: {  	[tilespmem:$0x12520] =	vst v4  }
0xf4: {  	[tilespmem:$0x125A0] =	vst v4  }
0xf5: {  	[tilespmem:$0x12620] =	vst v4  }
0xf6: {  	[tilespmem:$0x126A0] =	vst v0  }
0xf7: {  	(xrf0) =	vmax.scan.msk.f32 $0xffff, v6;
	_ =	sdelay $0x5  }
0xf8: {  	v6, _, _ =	vpop (xrf0)  }
0xf9: {  	(v2sf) =	vpush v6, $0xF;
	_ =	sdelay $0xe  }
0xfa: {  	s0 =	spop (v2sf)  }
.Ltmp9:
0xfb: {  	s0 =	sadd.f32 $1.000000000e+00, s0;
	(pc) =	sbr.rel .LBB2_15-.Ltmp9, $3  }
0xfc: {  	s1 =	rddreg [dreg:$0x9]  }
0xfd: {  	s0 =	smul.f32 s1, s0;
	_ =	sdelay $0x1  }
0xfe: {  	s20 =	simm.s32 $0xFF;
	v6 =	vmov s0;
	s0 =	simm.s32 $0x0  }
.LBB2_14:
0xff: {  	p1 =	seq.s32 s18, $0x0  }
0x100: {  	s2 =	rddreg [dreg:$0x15];
	p2 =	sgt.s32 @!p1 s0, $0x63  }
0x101: {  	s2 =	ssub.s32 s2, s19;
	p1 =	por p1, p2  }
0x102: {  	p2 =	slt.s32 @!p1 s2, $0x1  }
0x103: {  	p1 =	por p1, p2  }
.Ltmp10:
0x104: {  	_ = 	snop;
	(pc) =	sbr.rel @p1 .LBB2_46-.Ltmp10, $1  }
0x105: {  	_ =	sdelay $0x3  }
.LBB2_15:
0x106: {  	s22 =	sshll.u32 s20, $0x6  }
0x107: {  	[dreg:$0x15] =	wrdreg s2;
	s1 =	smov.u32 s20;
	s2 =	sshra.s32 s22, $0x2  }
0x108: {  	s30 =	smov.u32 s0;
	s19 =	simm.s32 $0x0;
	s0 =	sadd.s32 $0x75A0, s2  }
.LBB2_16:
0x109: {  	v7 =	vld [tilespmem:s0+$0x0];
	_ =	sdelay $0x4  }
0x10a: {  	(xrf0) =	vadd.scan.msk.s32 $0xffff, v7;
	_ =	sdelay $0x5  }
0x10b: {  	v7, _, _ =	vpop (xrf0)  }
0x10c: {  	(v2sf) =	vpush v7, $0xF;
	_ =	sdelay $0xe  }
0x10d: {  	s2 =	spop (v2sf)  }
0x10e: {  	s19 =	sadd.s32 s19, s2  }
0x10f: {  	p1 =	sne.s32 s20, $0x0;
	p2 =	sgt.s32 s19, $0x6F  }
0x110: {  	p1 =	por p2, !p1  }
.Ltmp11:
0x111: {  	_ = 	snop;
	(pc) =	sbr.rel @!p1 .LBB2_16-.Ltmp11, $2  }
0x112: {  	_ =	sdelay $0x2  }
0x113: {  	s18 =	smov.u32 s20;
	s20 =	sadd.s32 $0xFFFFFFFF, s20;
	s0 =	sadd.s32 $0xFFFFFFF0, s0  }
0x114: {  	s0 =	simm.s32 $0x6210  }
0x115: {  	v9 =	vld [tilespmem:s0+$0x0];
	_ =	sdelay $0x2  }
0x116: {  	s2 =	sadd.s32 $0x1, s20  }
0x117: {  	v8 =	vmov s1;
	v7 =	vmov s2  }
0x118: {  	vm0 =	vge.s32 v9, v7;
	vm1 =	vle.s32 v9, v8  }
0x119: {  	vm0 =	vmand vm0, vm1  }
0x11a: {  	v9 =	vmpcnt.ones.xlane vm0  }
0x11b: {  	s0 =	simm.s32 $0x0  }
0x11c: {  	v10 =	vld [tilespmem:s0+$0x0];
	(v2sf) =	vpush v9, $0x0;
	_ =	sdelay $0x4  }
0x11d: {  	[tilespmem:s0+$0x9A50] =	vst.msk vm0, v10;
	v10 =	vor.u32 s0, v1  }
0x11e: {  	s3 =	simm.s32 $0x6220;
	[tilespmem:s0+$0xADF0] =	vst.msk vm0, v10  }
0x11f: {  	s1 =	simm.s32 $0x10;
	s4 =	simm.s32 $0x20;
	s2 =	simm.s32 $0x0;
	v9 =	vld [tilespmem:s3+$0x0]  }
.LBB2_18:
0x120: {  	p1 =	sne.s32 s4, $0x1380;
	_ =	sdelay $0x2  }
0x121: {  	s0 =	sadd.s32 $0x10, s0  }
0x122: {  	vm0 =	vge.s32 v9, v7;
	vm1 =	vle.s32 v9, v8;
	v9 =	vld [tilespmem:s0+$0x0]  }
0x123: {  	vm0 =	vmand vm0, vm1  }
0x124: {  	v10 =	vmpcnt.ones.xlane vm0  }
0x125: {  	s6 =	spop (v2sf)  }
0x126: {  	(v2sf) =	vpush v10, $0x0;
	s2 =	sadd.s32 s2, s6  }
0x127: {  	[tilespmem:s2+$0x9A50] =	vst.msk vm0, v9;
	v9 =	vor.u32 s1, v1;
	s1 =	smov.u32 s4  }
0x128: {  	[tilespmem:s2+$0xADF0] =	vst.msk vm0, v9  }
.Ltmp12:
0x129: {  	(pc) =	sbr.rel @p1 .LBB2_18-.Ltmp12, $3  }
0x12a: {  	_ =	sdelay $0x1  }
0x12b: {  	s3 =	sadd.s32 $0x10, s3  }
0x12c: {  	s4 =	sadd.s32 $0x10, s4;
	v9 =	vld [tilespmem:s3+$0x0]  }
0x12d: {  	_ =	sdelay $0x3  }
0x12e: {  	vm0 =	vge.s32 v9, v7;
	vm1 =	vle.s32 v9, v8  }
0x12f: {  	vm0 =	vmand vm0, vm1  }
0x130: {  	v7 =	vmpcnt.ones.xlane vm0;
	_ =	sdelay $0x1  }
0x131: {  	(v2sf) =	vpush v7, $0x0;
	_ =	sdelay $0xd  }
0x132: {  	s0 =	sadd.s32 $0x10, s0;
	s10 =	spop (v2sf)  }
0x133: {  	v7 =	vld [tilespmem:s0+$0x0];
	s0 =	sadd.s32 s2, s10;
	s17 =	spop (v2sf)  }
0x134: {  	s2 =	sadd.s32 s0, s17  }
0x135: {  	s4 =	sadd.s32 $0xF, s2  }
0x136: {  	p1 =	sgt.s32 s4, $0xF  }
.Ltmp13:
0x137: {  	_ = 	snop;
	(pc) =	sbr.rel @!p1 .LBB2_32-.Ltmp13, $4  }
0x138: {  	[tilespmem:s0+$0x9A50] =	vst.msk vm0, v7;
	v7 =	vor.u32 s1, v1;
	s21 =	sshra.s32 s4, $0x1F  }
0x139: {  	[tilespmem:s0+$0xADF0] =	vst.msk vm0, v7;
	s22 =	sshrl.u32 s21, $0x1C  }
0x13a: {  	v7 =	vimm.s32 $0x0;
	[tilespmem:s2+$0x9A50] =	vst v3;
	s0 =	sadd.s32 s22, s4  }
0x13b: {  	v8 =	vimm.f32 $-2.000000000e+00;
	[tilespmem:s2+$0xADF0] =	vst v7;
	s22 =	sshra.s32 s0, $0x4  }
0x13c: {  	s0 =	simm.s32 $0xADF0  }
0x13d: {  	v7 =	vld [tilespmem:s0+$0x0];
	_ =	sdelay $0x7  }
0x13e: {  	v8 =	vld.idx.msk [tilespmem:v7+s29+$0x0], $0xffff  }
0x13f: {  	v9 =	vld.idx.msk [tilespmem:v7+s28+$0x0], $0xffff  }
0x140: {  	v10 =	vld.idx.msk [tilespmem:v7+s25+$0x0], $0xffff  }
0x141: {  	v11 =	vld.idx.msk [tilespmem:v7+s26+$0x0], $0xffff;
	_ =	sdelay $0x1  }
0x142: {  	p1 =	seq.s32 s22, $0x1  }
.Ltmp14:
0x143: {  	_ = 	snop;
	(pc) =	sbr.rel @p1 .LBB2_22-.Ltmp14, $4  }
0x144: {  	v7 =	vadd.f32 v8, v6;
	v10 =	vadd.f32 v10, v6  }
0x145: {  	s1 =	simm.s32 $0xC190;
	s3 =	simm.s32 $0xD530;
	s7 =	simm.s32 $0xE8D0;
	v8 =	vadd.f32 v9, v6;
	v11 =	vadd.f32 v11, v6  }
0x146: {  	s6 =	simm.s32 $0xFC70;
	s2 =	simm.s32 $0x11010;
	s8 =	sadd.s32 $0xFFFFFFFF, s22;
	[tilespmem:s1+$0x0] =	vst v10  }
0x147: {  	s9 =	simm.s32 $0xE8E0;
	s10 =	simm.s32 $0xFC80;
	s21 =	simm.s32 $0x11020;
	v9 =	vsub.f32 v8, v10;
	v10 =	vsub.f32 v7, v11;
	[tilespmem:s3+$0x0] =	vst v11  }
.LBB2_21:
0x148: {  	[tilespmem:s7+$0x0] =	vst v8;
	s0 =	sadd.s32 $0x10, s0;
	s1 =	sadd.s32 $0x10, s1;
	s3 =	sadd.s32 $0x10, s3  }
0x149: {  	p1 =	seq.s32 s8, $0x1;
	s8 =	sadd.s32 $0xFFFFFFFF, s8;
	s7 =	smov.u32 s9;
	[tilespmem:s6+$0x0] =	vst v7;
	v7 =	vmul.f32 v10, v9  }
0x14a: {  	s6 =	smov.u32 s10  }
0x14b: {  	[tilespmem:s2+$0x0] =	vst v7;
	s2 =	smov.u32 s21  }
0x14c: {  	v7 =	vld [tilespmem:s0+$0x0];
	_ =	sdelay $0x7  }
0x14d: {  	v8 =	vld.idx.msk [tilespmem:v7+s29+$0x0], $0xffff  }
0x14e: {  	v9 =	vld.idx.msk [tilespmem:v7+s28+$0x0], $0xffff  }
0x14f: {  	v10 =	vld.idx.msk [tilespmem:v7+s25+$0x0], $0xffff  }
0x150: {  	v11 =	vld.idx.msk [tilespmem:v7+s26+$0x0], $0xffff;
	_ =	sdelay $0x3  }
.Ltmp15:
0x151: {  	v7 =	vadd.f32 v8, v6;
	(pc) =	sbr.rel @!p1 .LBB2_21-.Ltmp15, $4  }
0x152: {  	v8 =	vadd.f32 v9, v6;
	v10 =	vadd.f32 v10, v6  }
0x153: {  	v11 =	vadd.f32 v11, v6  }
0x154: {  	v9 =	vsub.f32 v8, v10;
	[tilespmem:s1+$0x0] =	vst v10  }
0x155: {  	s9 =	sadd.s32 $0x10, s9;
	s10 =	sadd.s32 $0x10, s10;
	s21 =	sadd.s32 $0x10, s21;
	v10 =	vsub.f32 v7, v11;
	[tilespmem:s3+$0x0] =	vst v11  }
.LBB2_22:
0x156: {  	p1 =	sgt.s32 s30, $0x0  }
.Ltmp16:
0x157: {  	_ = 	snop;
	(pc) =	sbr.rel @p1 .LBB2_23-.Ltmp16, $4  }
.Ltmp17:
0x158: {  	_ = 	snop;
	(pc) =	sbr.rel @!p1 .LBB2_29-.Ltmp17, $4  }
0x159: {  	[tilespmem:s7+$0x0] =	vst v8;
	v8 =	vmul.f32 v10, v9  }
0x15a: {  	[tilespmem:s6+$0x0] =	vst v7  }
0x15b: {  	s21 =	simm.s32 $0x0;
	[tilespmem:s2+$0x0] =	vst v8  }
0x15c: {  	_ = 	snop  }
.LBB2_24:
.Ltmp18:
0x15d: {  	(pc) =	sbr.rel .LBB2_28-.Ltmp18, $2  }
0x15e: {  	_ =	sdelay $0x2  }
0x15f: {  	s7 =	simm.s32 $0x11010;
	s2 =	simm.s32 $0x9A50  }
.LBB2_26:
.Ltmp19:
0x160: {  	(pc) =	sbr.rel .LBB2_28-.Ltmp19, $2  }
0x161: {  	_ =	sdelay $0x2  }
0x162: {  	s7 =	simm.s32 $0x11010;
	s2 =	simm.s32 $0x9A50  }
.LBB2_23:
0x163: {  	v11 =	vld.msk [tilespmem:s21+$0x127B0 ss:$0x0], $0xffff  }
0x164: {  	v8 =	vld.msk [tilespmem:s21+$0x126B0 ss:$0x0], $0xffff  }
0x165: {  	v9 =	vld.msk [tilespmem:s21+$0x12830 ss:$0x0], $0xffff  }
0x166: {  	v10 =	vld.msk [tilespmem:s21+$0x12730 ss:$0x0], $0xffff;
	p2 =	sne.s32 s22, $0x1  }
.Ltmp20:
0x167: {  	v7 =	vld.msk [tilespmem:s21+$0x128B0 ss:$0x0], $0xffff;
	s0 =	simm.s32 $0xE8D0;
	(pc) =	sbr.rel @!p2 .LBB2_24-.Ltmp20, $4  }
0x168: {  	s1 =	simm.s32 $0xC190;
	v12 =	vld [tilespmem:s0+$0x0]  }
0x169: {  	s2 =	simm.s32 $0xFC70;
	v13 =	vld [tilespmem:s1+$0x0]  }
0x16a: {  	s3 =	simm.s32 $0xD530;
	p1 =	por $0x0, $0x0;
	v14 =	vld [tilespmem:s2+$0x0]  }
0x16b: {  	s0 =	simm.s32 $0x11010;
	s1 =	simm.s32 $0x9A50;
	v15 =	vld [tilespmem:s3+$0x0];
	s2 =	sadd.s32 $0xFFFFFFFF, s22  }
0x16c: {  	_ =	sdelay $0x2  }
0x16d: {  	v16 =	vld [tilespmem:s0+$0x0];
	v12 =	vmin.f32 v11, v12  }
0x16e: {  	v13 =	vmax.f32 v8, v13;
	v14 =	vmin.f32 v9, v14;
	v15 =	vmax.f32 v10, v15  }
0x16f: {  	v12 =	vsub.f32 v12, v13;
	v13 =	vsub.f32 v14, v15;
	_ =	sdelay $0x1  }
0x170: {  	v12 =	vmax.f32 v12, $0.0e+00;
	v13 =	vmax.f32 v13, $0.0e+00  }
0x171: {  	v12 =	vmul.f32 v13, v12;
	v13 =	vadd.f32 v16, v7;
	_ =	sdelay $0x1  }
0x172: {  	v13 =	vsub.f32 v13, v12;
	_ =	sdelay $0x1  }
0x173: {  	v13 =	vadd.f32 $9.999999710e-10, v13;
	_ =	sdelay $0x1  }
0x174: {  	(erf) = vrcp.f32 v13;
	_ =	sdelay $0x7  }
0x175: {  	v13 =	vld [tilespmem:s1+$0x0]  }
0x176: {  	v14 =	vpop (erf)  }
0x177: {  	v12 =	vmul.f32 v14, v12;
	_ =	sdelay $0x1  }
0x178: {  	vm0 =	vgt.f32 v12, $5.000000000e-01  }
0x179: {  	p2 =	sne.s32 s2, $0x1;
	v12 =	vsel vm0, $0xBF800000, v13  }
.Ltmp21:
0x17a: {  	s3 =	simm.s32 $0xE8E0;
	[tilespmem:s1+$0x0] =	vst v12;
	(pc) =	sbr.rel @!p2 .LBB2_26-.Ltmp21, $4  }
0x17b: {  	s6 =	simm.s32 $0xC1A0;
	v12 =	vld [tilespmem:s3+$0x0]  }
0x17c: {  	s8 =	simm.s32 $0xFC80;
	v13 =	vld [tilespmem:s6+$0x0]  }
0x17d: {  	s9 =	simm.s32 $0xD540;
	s10 =	sadd.s32 $0xFFFFFFFF, s2;
	v14 =	vld [tilespmem:s8+$0x0]  }
0x17e: {  	p1 =	por $0x1, $0x1;
	s7 =	simm.s32 $0x11010;
	s2 =	simm.s32 $0x9A50;
	v15 =	vld [tilespmem:s9+$0x0]  }
.LBB2_27:
0x17f: {  	p2 =	sne.s32 s10, $0x1;
	_ =	sdelay $0x1  }
0x180: {  	s7 =	sadd.s32 $0x10, s7  }
0x181: {  	v12 =	vmin.f32 v11, v12;
	v16 =	vld [tilespmem:s7+$0x0]  }
0x182: {  	v13 =	vmax.f32 v8, v13;
	v14 =	vmin.f32 v9, v14;
	v15 =	vmax.f32 v10, v15  }
0x183: {  	v12 =	vsub.f32 v12, v13;
	v13 =	vsub.f32 v14, v15;
	_ =	sdelay $0x1  }
0x184: {  	v12 =	vmax.f32 v12, $0.0e+00;
	v13 =	vmax.f32 v13, $0.0e+00  }
0x185: {  	v12 =	vmul.f32 v13, v12;
	v13 =	vadd.f32 v16, v7;
	_ =	sdelay $0x1  }
0x186: {  	v13 =	vsub.f32 v13, v12;
	_ =	sdelay $0x1  }
0x187: {  	v13 =	vadd.f32 $9.999999710e-10, v13;
	_ =	sdelay $0x1  }
0x188: {  	(erf) = vrcp.f32 v13;
	_ =	sdelay $0x6  }
0x189: {  	s2 =	sadd.s32 $0x10, s2  }
0x18a: {  	v13 =	vld [tilespmem:s2+$0x0]  }
0x18b: {  	v14 =	vpop (erf)  }
0x18c: {  	v12 =	vmul.f32 v14, v12;
	_ =	sdelay $0x1  }
0x18d: {  	vm0 =	vgt.f32 v12, $5.000000000e-01  }
0x18e: {  	v12 =	vsel vm0, $0xBF800000, v13  }
.Ltmp22:
0x18f: {  	s3 =	sadd.s32 $0x10, s3;
	[tilespmem:s2+$0x0] =	vst v12;
	(pc) =	sbr.rel @p2 .LBB2_27-.Ltmp22, $4  }
0x190: {  	s6 =	sadd.s32 $0x10, s6;
	v12 =	vld [tilespmem:s3+$0x0]  }
0x191: {  	s8 =	sadd.s32 $0x10, s8;
	v13 =	vld [tilespmem:s6+$0x0]  }
0x192: {  	s9 =	sadd.s32 $0x10, s9;
	v14 =	vld [tilespmem:s8+$0x0]  }
0x193: {  	s10 =	sadd.s32 $0xFFFFFFFF, s10;
	v15 =	vld [tilespmem:s9+$0x0]  }
.LBB2_28:
0x194: {  	_ = 	snop  }
0x195: {  	s3 =	sadd.s32 @p1 $0x10, s7  }
0x196: {  	s0 =	smov.u32 @p1 s3  }
0x197: {  	v11 =	vmin.f32 v11, v12;
	v62 =	vld [tilespmem:s0+$0x0]  }
0x198: {  	v8 =	vmax.f32 v8, v13;
	v9 =	vmin.f32 v9, v14;
	v10 =	vmax.f32 v10, v15  }
0x199: {  	v8 =	vsub.f32 v11, v8;
	v9 =	vsub.f32 v9, v10;
	_ =	sdelay $0x1  }
0x19a: {  	v8 =	vmax.f32 v8, $0.0e+00;
	v9 =	vmax.f32 v9, $0.0e+00  }
0x19b: {  	v7 =	vadd.f32 v62, v7;
	v8 =	vmul.f32 v9, v8;
	_ =	sdelay $0x1  }
0x19c: {  	v7 =	vsub.f32 v7, v8;
	_ =	sdelay $0x1  }
0x19d: {  	v7 =	vadd.f32 $9.999999710e-10, v7;
	_ =	sdelay $0x1  }
0x19e: {  	(erf) = vrcp.f32 v7;
	_ =	sdelay $0x5  }
0x19f: {  	s0 =	sadd.s32 @p1 $0x10, s2  }
0x1a0: {  	s1 =	smov.u32 @p1 s0  }
0x1a1: {  	s21 =	sadd.s32 $0x1, s21;
	v7 =	vld [tilespmem:s1+$0x0]  }
0x1a2: {  	p1 =	sne.s32 s21, s30;
	v63 =	vpop (erf)  }
.Ltmp23:
0x1a3: {  	v8 =	vmul.f32 v63, v8;
	(pc) =	sbr.rel @p1 .LBB2_23-.Ltmp23, $4  }
0x1a4: {  	_ = 	snop  }
0x1a5: {  	vm0 =	vgt.f32 v8, $5.000000000e-01  }
0x1a6: {  	v7 =	vsel vm0, $0xBF800000, v7  }
0x1a7: {  	[tilespmem:s1+$0x0] =	vst v7  }
.LBB2_29:
0x1a8: {  	s0 =	simm.s32 $0x9A50  }
0x1a9: {  	p1 =	sne.s32 s22, $0x1;
	v7 =	vld [tilespmem:s0+$0x0]  }
.Ltmp24:
0x1aa: {  	_ = 	snop;
	(pc) =	sbr.rel @!p1 .LBB2_31-.Ltmp24, $3  }
0x1ab: {  	_ =	sdelay $0x1  }
0x1ac: {  	v8 =	vimm.f32 $-2.000000000e+00;
	s0 =	simm.s32 $0x0  }
0x1ad: {  	v9 =	vimm.s32 $0x0;
	s1 =	sadd.s32 $0xFFFFFFFF, s22;
	s2 =	simm.s32 $0x9A60;
	v10 =	vor.u32 s0, v1;
	vm0 =	vgt.f32 v7, v8  }
.LBB2_30:
0x1ae: {  	p1 =	sne.s32 s1, $0x1;
	s1 =	sadd.s32 $0xFFFFFFFF, s1;
	v8 =	vsel vm0, v7, v8;
	v7 =	vld [tilespmem:s2+$0x0];
	v9 =	vsel vm0, v10, v9  }
.Ltmp25:
0x1af: {  	(pc) =	sbr.rel @p1 .LBB2_30-.Ltmp25, $3  }
0x1b0: {  	_ =	sdelay $0x1  }
0x1b1: {  	s0 =	sadd.s32 $0x10, s0  }
0x1b2: {  	s2 =	sadd.s32 $0x10, s2;
	v10 =	vor.u32 s0, v1;
	vm0 =	vgt.f32 v7, v8  }
.LBB2_31:
0x1b3: {  	v8 =	vsel vm0, v7, v8;
	v7 =	vsel vm0, v10, v9  }
.LBB2_32:
0x1b4: {  	(xrf0) =	vmax.scan.msk.f32 $0xffff, v8;
	_ =	sdelay $0x5  }
0x1b5: {  	v9, _, _ =	vpop (xrf0)  }
0x1b6: {  	(v2sf) =	vpush v9, $0xF;
	_ =	sdelay $0xe  }
0x1b7: {  	s1 =	spop (v2sf)  }
0x1b8: {  	p1 =	sgt.f32 s1, $0.0e+00  }
.Ltmp26:
0x1b9: {  	_ = 	snop;
	(pc) =	sbr.rel @!p1 .LBB2_43-.Ltmp26, $4  }
.Ltmp27:
0x1ba: {  	_ = 	snop;
	(pc) =	sbr.rel @p1 .LBB2_33-.Ltmp27, $4  }
0x1bb: {  	_ = 	snop  }
0x1bc: {  	_ = 	snop  }
0x1bd: {  	s21 =	smov.u32 s30;
	s0 =	smov.u32 s30  }
0x1be: {  	_ = 	snop  }
.LBB2_35:
0x1bf: {  	s7 =	simm.s32 $0x11010;
	s23 =	simm.s32 $0x9A50;
	s2 =	simm.s32 $0x0  }
.LBB2_40:
0x1c0: {  	v17 =	vld [tilespmem:s10+$0x0];
	_ =	sdelay $0x1  }
0x1c1: {  	s6 =	sadd.s32 @p1 $0x10, s7  }
0x1c2: {  	s0 =	smov.u32 @p1 s6  }
0x1c3: {  	v13 =	vmin.f32 v13, v14;
	v63 =	vld [tilespmem:s0+$0x0]  }
0x1c4: {  	v9 =	vmax.f32 v9, v15;
	v12 =	vmin.f32 v12, v16;
	v10 =	vmax.f32 v10, v17  }
0x1c5: {  	v9 =	vsub.f32 v13, v9;
	v10 =	vsub.f32 v12, v10;
	_ =	sdelay $0x1  }
0x1c6: {  	v9 =	vmax.f32 v9, $0.0e+00;
	v10 =	vmax.f32 v10, $0.0e+00  }
0x1c7: {  	v9 =	vmul.f32 v10, v9;
	v10 =	vadd.f32 v63, v11;
	_ =	sdelay $0x1  }
0x1c8: {  	v10 =	vsub.f32 v10, v9;
	_ =	sdelay $0x1  }
0x1c9: {  	v10 =	vadd.f32 $9.999999710e-10, v10;
	_ =	sdelay $0x1  }
0x1ca: {  	(erf) = vrcp.f32 v10;
	_ =	sdelay $0x5  }
0x1cb: {  	s0 =	sadd.s32 @p1 $0x10, s23  }
0x1cc: {  	s3 =	smov.u32 @p1 s0  }
0x1cd: {  	v10 =	vld [tilespmem:s3+$0x0]  }
0x1ce: {  	v11 =	vpop (erf)  }
0x1cf: {  	v9 =	vmul.f32 v11, v9;
	_ =	sdelay $0x1  }
0x1d0: {  	s0 =	sadd.s32 @p1 $0x10, s2;
	vm0 =	vgt.f32 v9, $5.000000000e-01  }
0x1d1: {  	s1 =	smov.u32 @p1 s0;
	v9 =	vsel vm0, $0xBF800000, v10  }
0x1d2: {  	v10 =	vor.u32 s1, v1;
	vm0 =	vgt.f32 v9, v8  }
0x1d3: {  	s23 =	simm.s32 $0x124B0;
	[tilespmem:s3+$0x0] =	vst v9;
	v8 =	vsel vm0, v9, v8;
	v7 =	vsel vm0, v10, v7  }
.LBB2_41:
0x1d4: {  	(xrf0) =	vmax.scan.msk.f32 $0xffff, v8;
	_ =	sdelay $0x5  }
0x1d5: {  	v9, _, _ =	vpop (xrf0)  }
0x1d6: {  	(v2sf) =	vpush v9, $0xF;
	_ =	sdelay $0xe  }
0x1d7: {  	p1 =	sgt.s32 s21, $0x62;
	s1 =	spop (v2sf)  }
0x1d8: {  	p2 =	sgt.f32 @!p1 s1, $0.0e+00;
	_ =	sdelay $0x1  }
0x1d9: {  	p2 =	por p1, !p2  }
.Ltmp28:
0x1da: {  	_ = 	snop;
	(pc) =	sbr.rel @p2 .LBB2_42-.Ltmp28, $3  }
0x1db: {  	_ =	sdelay $0x1  }
0x1dc: {  	s0 =	sadd.s32 $0x1, s21  }
0x1dd: {  	s21 =	smov.u32 s0  }
.LBB2_33:
0x1de: {  	vm0 =	veq.f32 v8, s1;
	v7 =	vxor.u32 $0x80000000, v7  }
0x1df: {  	v7 =	vnsel vm0, $0xC0000000, v7  }
0x1e0: {  	(xrf0) =	vmin.scan.msk.u32 $0xffff, v7;
	_ =	sdelay $0x5  }
0x1e1: {  	v7, _, _ =	vpop (xrf0)  }
0x1e2: {  	(v2sf) =	vpush v7, $0xF;
	_ =	sdelay $0xc  }
0x1e3: {  	p1 =	slt.s32 s4, $0x10;
	v7 =	vmov s21  }
.Ltmp29:
0x1e4: {  	_ = 	snop;
	(pc) =	sbr.rel @p1 .LBB2_41-.Ltmp29, $4  }
0x1e5: {  	s0 =	spop (v2sf)  }
0x1e6: {  	s0 =	sxor.u32 $0x80000000, s0  }
0x1e7: {  	v11 =	vmov s0  }
0x1e8: {  	v8 =	vimm.f32 $-2.000000000e+00;
	[tilespmem:v7+s31+$0x0] =	vst.idx.msk $0x1, v11;
	v7 =	vimm.s32 $0x0  }
0x1e9: {  	_ =	sdelay $0x2  }
0x1ea: {  	s1 =	simm.s32 $0xC190  }
0x1eb: {  	s10 =	simm.s32 $0xD530;
	v9 =	vld.idx.msk [tilespmem:v11+s1+$0x0], $0xffff  }
0x1ec: {  	s2 =	simm.s32 $0xE8D0;
	v10 =	vld.idx.msk [tilespmem:v11+s10+$0x0], $0xffff  }
0x1ed: {  	s6 =	simm.s32 $0xFC70;
	p2 =	sne.s32 s22, $0x1;
	v13 =	vld.idx.msk [tilespmem:v11+s2+$0x0], $0xffff  }
.Ltmp30:
0x1ee: {  	s0 =	simm.s32 $0x11010;
	v12 =	vld.idx.msk [tilespmem:v11+s6+$0x0], $0xffff;
	(pc) =	sbr.rel @!p2 .LBB2_35-.Ltmp30, $4  }
0x1ef: {  	v11 =	vld.idx.msk [tilespmem:v11+s0+$0x0], $0xffff  }
0x1f0: {  	v14 =	vld [tilespmem:s2+$0x0]  }
0x1f1: {  	s3 =	simm.s32 $0x9A50;
	v15 =	vld [tilespmem:s1+$0x0]  }
0x1f2: {  	p1 =	por $0x0, $0x0;
	s1 =	simm.s32 $0x0;
	v16 =	vld [tilespmem:s6+$0x0];
	s2 =	sadd.s32 $0xFFFFFFFF, s22  }
0x1f3: {  	v17 =	vld [tilespmem:s10+$0x0];
	_ =	sdelay $0x3  }
0x1f4: {  	v18 =	vld [tilespmem:s0+$0x0];
	v14 =	vmin.f32 v13, v14  }
0x1f5: {  	v15 =	vmax.f32 v9, v15;
	v16 =	vmin.f32 v12, v16;
	v17 =	vmax.f32 v10, v17  }
0x1f6: {  	v14 =	vsub.f32 v14, v15;
	v15 =	vsub.f32 v16, v17;
	_ =	sdelay $0x1  }
0x1f7: {  	v14 =	vmax.f32 v14, $0.0e+00;
	v15 =	vmax.f32 v15, $0.0e+00  }
0x1f8: {  	v14 =	vmul.f32 v15, v14;
	v15 =	vadd.f32 v18, v11;
	_ =	sdelay $0x1  }
0x1f9: {  	v15 =	vsub.f32 v15, v14;
	_ =	sdelay $0x1  }
0x1fa: {  	v15 =	vadd.f32 $9.999999710e-10, v15;
	_ =	sdelay $0x1  }
0x1fb: {  	(erf) = vrcp.f32 v15;
	_ =	sdelay $0x7  }
0x1fc: {  	v15 =	vld [tilespmem:s3+$0x0]  }
0x1fd: {  	v16 =	vpop (erf)  }
0x1fe: {  	v14 =	vmul.f32 v16, v14;
	_ =	sdelay $0x1  }
0x1ff: {  	p2 =	sne.s32 s2, $0x1;
	vm0 =	vgt.f32 v14, $5.000000000e-01  }
.Ltmp31:
0x200: {  	v16 =	vsel vm0, $0xBF800000, v15;
	(pc) =	sbr.rel @!p2 .LBB2_37-.Ltmp31, $4  }
0x201: {  	s24 =	simm.s32 $0xE8E0;
	[tilespmem:s3+$0x0] =	vst v16  }
0x202: {  	s6 =	simm.s32 $0xC1A0;
	s8 =	simm.s32 $0xFC80;
	v14 =	vld [tilespmem:s24+$0x0]  }
0x203: {  	s9 =	sadd.s32 $0xFFFFFFFF, s2;
	s10 =	simm.s32 $0xD540;
	p1 =	por $0x1, $0x1;
	v17 =	vor.u32 s1, v1;
	vm0 =	vgt.f32 v16, v8;
	v15 =	vld [tilespmem:s6+$0x0]  }
0x204: {  	s7 =	simm.s32 $0x11010;
	s23 =	simm.s32 $0x9A50;
	s2 =	simm.s32 $0x0;
	v8 =	vsel vm0, v16, v8;
	v7 =	vsel vm0, v17, v7;
	v16 =	vld [tilespmem:s8+$0x0]  }
.LBB2_38:
0x205: {  	p2 =	sne.s32 s9, $0x1;
	v17 =	vld [tilespmem:s10+$0x0];
	_ =	sdelay $0x2  }
0x206: {  	s7 =	sadd.s32 $0x10, s7  }
0x207: {  	v14 =	vmin.f32 v13, v14;
	v18 =	vld [tilespmem:s7+$0x0]  }
0x208: {  	v15 =	vmax.f32 v9, v15;
	v16 =	vmin.f32 v12, v16;
	v17 =	vmax.f32 v10, v17  }
0x209: {  	v14 =	vsub.f32 v14, v15;
	v15 =	vsub.f32 v16, v17;
	_ =	sdelay $0x1  }
0x20a: {  	v14 =	vmax.f32 v14, $0.0e+00;
	v15 =	vmax.f32 v15, $0.0e+00  }
0x20b: {  	v14 =	vmul.f32 v15, v14;
	v15 =	vadd.f32 v18, v11;
	_ =	sdelay $0x1  }
0x20c: {  	v15 =	vsub.f32 v15, v14;
	_ =	sdelay $0x1  }
0x20d: {  	v15 =	vadd.f32 $9.999999710e-10, v15;
	_ =	sdelay $0x1  }
0x20e: {  	(erf) = vrcp.f32 v15;
	_ =	sdelay $0x6  }
0x20f: {  	s23 =	sadd.s32 $0x10, s23  }
0x210: {  	v15 =	vld [tilespmem:s23+$0x0]  }
0x211: {  	v16 =	vpop (erf)  }
0x212: {  	v14 =	vmul.f32 v16, v14;
	_ =	sdelay $0x1  }
0x213: {  	vm0 =	vgt.f32 v14, $5.000000000e-01  }
.Ltmp32:
0x214: {  	s2 =	sadd.s32 $0x10, s2;
	v15 =	vsel vm0, $0xBF800000, v15;
	(pc) =	sbr.rel @p2 .LBB2_38-.Ltmp32, $4  }
0x215: {  	s24 =	sadd.s32 $0x10, s24;
	v16 =	vor.u32 s2, v1;
	[tilespmem:s23+$0x0] =	vst v15;
	vm0 =	vgt.f32 v15, v8  }
0x216: {  	s6 =	sadd.s32 $0x10, s6;
	v14 =	vld [tilespmem:s24+$0x0];
	v8 =	vsel vm0, v15, v8;
	v7 =	vsel vm0, v16, v7  }
0x217: {  	s8 =	sadd.s32 $0x10, s8;
	v15 =	vld [tilespmem:s6+$0x0]  }
0x218: {  	s9 =	sadd.s32 $0xFFFFFFFF, s9;
	s10 =	sadd.s32 $0x10, s10;
	v16 =	vld [tilespmem:s8+$0x0]  }
.Ltmp33:
0x219: {  	(pc) =	sbr.rel .LBB2_40-.Ltmp33, $2  }
0x21a: {  	_ =	sdelay $0x2  }
0x21b: {  	s24 =	simm.s32 $0x12430  }
.LBB2_37:
.Ltmp34:
0x21c: {  	(pc) =	sbr.rel .LBB2_40-.Ltmp34, $3  }
0x21d: {  	_ =	sdelay $0x1  }
0x21e: {  	s7 =	simm.s32 $0x11010  }
0x21f: {  	s23 =	simm.s32 $0x9A50;
	s2 =	simm.s32 $0x0;
	s24 =	simm.s32 $0x12430  }
.LBB2_42:
0x220: {  	s0 =	smov.u32 @p1 s0  }
.LBB2_43:
0x221: {  	s1 =	sadd.s32 $0xF, s0  }
0x222: {  	s2 =	sshra.s32 s30, $0x1F;
	s3 =	sshra.s32 s1, $0x1F  }
0x223: {  	s2 =	sshrl.u32 s2, $0x1C;
	s3 =	sshrl.u32 s3, $0x1C  }
0x224: {  	s2 =	sadd.s32 s2, s30;
	s1 =	sadd.s32 s3, s1  }
0x225: {  	s3 =	sshra.s32 s2, $0x4;
	s1 =	sshra.s32 s1, $0x4  }
0x226: {  	p1 =	sle.s32 s1, s3  }
.Ltmp35:
0x227: {  	_ = 	snop;
	(pc) =	sbr.rel @p1 .LBB2_14-.Ltmp35, $4  }
0x228: {  	s21 =	simm.s32 $0x0  }
0x229: {  	s4 =	simm.s32 $0xADF0;
	s22 =	simm.s32 $0x123B0;
	s6 =	simm.s32 $0x12530  }
0x22a: {  	s7 =	simm.s32 $0x125B0;
	s8 =	simm.s32 $0x12630;
	s9 =	simm.s32 $0xC190  }
0x22b: {  	s10 =	simm.s32 $0x126B0;
	s5 =	simm.s32 $0x11010;
	s17 =	simm.s32 $0x128B0  }
0x22c: {  	s2 =	sshll.u32 s3, $0x6  }
0x22d: {  	s2 =	sshra.s32 s2, $0x2  }
0x22e: {  	v7 =	vmov s30;
	v8 =	vmov s0;
	s1 =	ssub.s32 s1, s3;
	s3 =	sshll.u32 s3, $0x4;
	s2 =	sadd.s32 $0x12930, s2  }
.LBB2_45:
0x22f: {  	v9 =	vld [tilespmem:s2+$0x0];
	_ =	sdelay $0x1  }
0x230: {  	v10 =	vor.u32 s3, v1  }
0x231: {  	vm0 =	vge.s32 v10, v7;
	vm1 =	vlt.s32 v10, v8  }
0x232: {  	vm0 =	vmand vm0, vm1  }
0x233: {  	v9 =	vnsel vm0, $0x0, v9;
	_ =	sdelay $0x4  }
0x234: {  	v11 =	vld.idx.msk [tilespmem:v9+s4+$0x0], $0xffff;
	_ =	sdelay $0x7  }
0x235: {  	v10 =	vand.u32 v5, v10;
	v12 =	vld.idx.msk [tilespmem:v11+s21+$0x0], $0xffff;
	_ =	sdelay $0x4  }
0x236: {  	[tilespmem:v10+s22+$0x0] =	vst.idx.msk vm0, v12  }
0x237: {  	v12 =	vld.idx.msk [tilespmem:v11+s25+$0x0], $0xffff;
	_ =	sdelay $0x4  }
0x238: {  	[tilespmem:v10+s24+$0x0] =	vst.idx.msk vm0, v12  }
0x239: {  	v12 =	vld.idx.msk [tilespmem:v11+s26+$0x0], $0xffff;
	_ =	sdelay $0x4  }
0x23a: {  	[tilespmem:v10+s23+$0x0] =	vst.idx.msk vm0, v12  }
0x23b: {  	v12 =	vld.idx.msk [tilespmem:v11+s28+$0x0], $0xffff;
	_ =	sdelay $0x4  }
0x23c: {  	[tilespmem:v10+s6+$0x0] =	vst.idx.msk vm0, v12  }
0x23d: {  	v12 =	vld.idx.msk [tilespmem:v11+s29+$0x0], $0xffff;
	_ =	sdelay $0x4  }
0x23e: {  	[tilespmem:v10+s7+$0x0] =	vst.idx.msk vm0, v12  }
0x23f: {  	[tilespmem:v10+s8+$0x0] =	vst.idx.msk vm0, v11  }
0x240: {  	v11 =	vld.idx.msk [tilespmem:v9+s9+$0x0], $0xffff;
	_ =	sdelay $0x4  }
0x241: {  	[tilespmem:v10+s10+$0x0] =	vst.idx.msk vm0, v11  }
0x242: {  	v11 =	vld.idx.msk [tilespmem:v9+s11+$0x0], $0xffff;
	_ =	sdelay $0x4  }
0x243: {  	[tilespmem:v10+s12+$0x0] =	vst.idx.msk vm0, v11  }
0x244: {  	v11 =	vld.idx.msk [tilespmem:v9+s13+$0x0], $0xffff;
	_ =	sdelay $0x4  }
0x245: {  	[tilespmem:v10+s14+$0x0] =	vst.idx.msk vm0, v11  }
0x246: {  	v11 =	vld.idx.msk [tilespmem:v9+s15+$0x0], $0xffff;
	_ =	sdelay $0x4  }
0x247: {  	[tilespmem:v10+s16+$0x0] =	vst.idx.msk vm0, v11  }
0x248: {  	p1 =	seq.s32 s1, $0x1;
	v9 =	vld.idx.msk [tilespmem:v9+s5+$0x0], $0xffff  }
.Ltmp36:
0x249: {  	_ = 	snop;
	(pc) =	sbr.rel @!p1 .LBB2_45-.Ltmp36, $2  }
0x24a: {  	_ =	sdelay $0x2  }
0x24b: {  	s2 =	sadd.s32 $0x10, s2;
	s3 =	sadd.s32 $0x10, s3;
	s1 =	sadd.s32 $0xFFFFFFFF, s1;
	[tilespmem:v10+s17+$0x0] =	vst.idx.msk vm0, v9  }
.Ltmp37:
0x24c: {  	_ = 	snop;
	(pc) =	sbr.rel .LBB2_14-.Ltmp37, $1  }
0x24d: {  	_ =	sdelay $0x3  }
.LBB2_48:
0x24e: {  	_ =	sfence.sel $0x180000  }
0x24f: {  	[bflag:$0x0] =	sbarrier.arrive $0xFFFF  }
0x250: {  	_ =	strace $0x90000047  }
0x251: {  	s0 =	stileid.u32;
	[bflag:$0x2] =	sbarrier.arrive $0xFFFF  }
0x252: {  	p0 =	sne.s32 s0, $0x0;
	s0 =	rddreg [dreg:$0x2]  }
0x253: {  	s0 =	sadd.s32 @!p0 $0x100000, s0  }
0x254: {  	[sflag:s0] =	ssyncadd.tile.s32 @!p0 $0x1;
	_ =	shalt  }
.Lfunc_end2:
_tile_overlayer_lowered:
.L_overlay_start_2:
0x255: {  	(tag) =	ssettag $0x2  }
0x256: {  	s0 =	rddreg [dreg:$0x0];
	s2 =	stileid.u32  }
0x257: {  	s1 =	rddreg [dreg:$0x1];
	p0 =	sne.s32 s2, $0x0  }
0x258: {  	s3 =	rddreg [dreg:$0x2];
	[bflag:$0x3] =	sbarrier.arrive $0xFFFF;
	s2 =	simm.s32 @!p0 $0x1C01  }
0x259: {  	[timem:s3], [sflag:s2] =	dma.local @!p0 [hbm:s0], s1  }
0x25a: {  	s0 =	simm.s32 @!p0 $0x1  }
0x25b: {  	_ =	swait.ge @!p0 [sflag:s0], s1  }
0x25c: {  	s1 =	ssub.s32 @!p0 $0x0, s1;
	[sflag:s0] =	ssyncset.done @!p0 $0x0  }
0x25d: {  	[sflag:s0] =	ssyncadd.s32 @!p0 s1  }
0x25e: {  	[bflag:$0x3] =	sbarrier.arrive $0xFFFF  }
0x25f: {  	_ =	shalt  }

// kernel: kernel.7.cloned.1.call-start
scs
__scs_entry_jumppad:
0x0: {  	(pc) =	sbr.rel $0x88, $3  }
0x1: {  	(tag) =	ssettag $0x0;
	lr =	simm.s32 $0x1  }
0x2: {  	[smem:$0x3F9F] =	sst lr;
	_ =	strace $0xD0000000  }
0x3: {  	_ = 	snop  }
0x4: {  	_ = 	snop  }
0x5: {  	_ = 	snop  }
0x6: {  	_ = 	snop  }
0x7: {  	_ = 	snop  }
__scs_overlays_trampoline_lowered:
0x8: {  	[smem:$0x3FAE] =	sst s0  }
0x9: {  	[smem:$0x3FAF] =	sst s1  }
0xa: {  	[smem:$0x3FB0] =	sst s2  }
0xb: {  	[smem:$0x3FB1] =	sst s3  }
0xc: {  	[smem:$0x3FB2] =	sst s4  }
0xd: {  	[smem:$0x3FB3] =	sst s5  }
0xe: {  	[smem:$0x3FB4] =	sst s6  }
0xf: {  	[smem:$0x3FB5] =	sst s7  }
0x10: {  	[smem:$0x3FB6] =	sst s8  }
0x11: {  	[smem:$0x3FB7] =	sst s9;
	s0 =	simm.s32 @!p0 $0x0  }
0x12: {  	s1 =	sld [smem:$0x3F9D];
	s0 =	simm.s32 @p0 $0x1  }
0x13: {  	[smem:$0x3FB8] =	sst s0;
	s0 =	simm.s32 @!p1 $0x0  }
0x14: {  	s2 =	sld [smem:$0x3F9C];
	s0 =	simm.s32 @p1 $0x1  }
0x15: {  	[smem:$0x3FB9] =	sst s0;
	s0 =	simm.s32 @!p2 $0x0  }
0x16: {  	s3 =	sld [smem:$0x3FDB];
	s0 =	simm.s32 @p2 $0x1  }
0x17: {  	s4 =	simm.s32 $0x1BF5;
	[smem:$0x3FBB] =	sst s0  }
0x18: {  	s0 =	sld [smem:$0x3F9E];
	_ =	swait.ge [sflag:s4], $0x0  }
0x19: {  	s7 =	sld [smem:$0x3F9F]  }
0x1a: {  	s8 =	sadd.s32 $0xFFFFE003, lr  }
0x1b: {  	s9 =	sadd.s32 $0xFFFFFEF7, lr;
	s5 =	simm.s32 $0xFFFFFFFF;
	p2 =	slt.u32 s8, $0xFFFFF086  }
0x1c: {  	p1 =	slt.u32 s9, $0xF7A;
	s5 =	simm.s32 @!p2 $0x0  }
0x1d: {  	s5 =	simm.s32 @p1 $0x1;
	p0 =	seq.s32 s7, s2  }
0x1e: {  	s7 =	smul.u32 @!p0 $0xF7A, s2;
	p2 =	seq.s32 @!p0 s5, $0x0  }
0x1f: {  	s9 =	smul.u32 $0xF7A, s1;
	s8 =	simm.s32 @!p0 $0x1BF5;
	p2 =	por !p2, p0  }
0x20: {  	[sflag:s8] =	ssyncset.s32 @!p0 $0xFFFFF086;
	s6 =	sadd.s32 @!p0 s3, s7;
	s7 =	simm.s32 @!p0 $0x108  }
0x21: {  	s3 =	sadd.s32 s3, s9;
	s6 =	sadd.s32 @!p0 $0x88, s6;
	s7 =	simm.s32 @p2 $0x1082  }
0x22: {  	[simem:s7], [sflag:s8] =	dma.local @!p0 [hbm:s6], $0xF7A  }
0x23: {  	s9 =	sor.u32 $0xD0000000, s2;
	s6 =	simm.s32 $0x108;
	_ =	swait.ge @!p0 [sflag:s8], $0x0  }
0x24: {  	s3 =	sadd.s32 $0x88, s3;
	s6 =	simm.s32 @!p1 $0x1082;
	[sflag:s4] =	ssyncset.s32 $0xFFFFF086  }
0x25: {  	[simem:s6], [sflag:s4] =	dma.local [hbm:s3], $0xF7A  }
0x26: {  	[smem:$0x3F9F] =	sst s1;
	(tag) =	ssettag s2;
	_ =	strace s9  }
0x27: {  	s1 =	sld [smem:$0x3FAF]  }
0x28: {  	s2 =	sld [smem:$0x3FB0]  }
0x29: {  	s4 =	sld [smem:$0x3FB2]  }
0x2a: {  	p0 =	seq.s32 s5, $0x0;
	s5 =	sld [smem:$0x3FB3]  }
0x2b: {  	s6 =	sld [smem:$0x3FB4]  }
0x2c: {  	s7 =	sld [smem:$0x3FB5]  }
0x2d: {  	s3 =	simm.s32 $0x108;
	s8 =	sld [smem:$0x3FB6]  }
0x2e: {  	s3 =	simm.s32 @!p0 $0x1082;
	s9 =	sld [smem:$0x3FB7]  }
0x2f: {  	lr =	sadd.s32 s0, s3;
	s0 =	sld [smem:$0x3FAE]  }
0x30: {  	s3 =	sld [smem:$0x3FB1]  }
0x31: {  	[smem:$0x3FBA] =	sst s10  }
0x32: {  	s10 =	sld [smem:$0x3FB8];
	_ =	sdelay $0x3  }
0x33: {  	p0 =	seq.s32 s10, $0x1;
	s10 =	sld [smem:$0x3FBA];
	_ =	sdelay $0x3  }
0x34: {  	[smem:$0x3FBA] =	sst s10  }
0x35: {  	s10 =	sld [smem:$0x3FB9];
	_ =	sdelay $0x3  }
0x36: {  	p1 =	seq.s32 s10, $0x1;
	s10 =	sld [smem:$0x3FBA];
	_ =	sdelay $0x3  }
0x37: {  	[smem:$0x3FBA] =	sst s10  }
0x38: {  	s10 =	sld [smem:$0x3FBB]  }
0x39: {  	_ = 	snop;
	(pc) =	sbr.ind lr, $3  }
0x3a: {  	_ = 	snop  }
0x3b: {  	_ = 	snop  }
0x3c: {  	p2 =	seq.s32 s10, $0x1;
	s10 =	sld [smem:$0x3FBA]  }
0x3d: {  	_ =	shalt  }
0x3e: {  	_ =	shalt  }
0x3f: {  	_ =	shalt  }
0x40: {  	_ =	shalt  }
0x41: {  	_ =	shalt  }
0x42: {  	_ =	shalt  }
0x43: {  	_ =	shalt  }
0x44: {  	_ =	shalt  }
0x45: {  	_ =	shalt  }
0x46: {  	_ =	shalt  }
0x47: {  	_ =	shalt  }
0x48: {  	_ =	shalt  }
0x49: {  	_ =	shalt  }
0x4a: {  	_ =	shalt  }
0x4b: {  	_ =	shalt  }
0x4c: {  	_ =	shalt  }
0x4d: {  	_ =	shalt  }
0x4e: {  	_ =	shalt  }
0x4f: {  	_ =	shalt  }
0x50: {  	_ =	shalt  }
0x51: {  	_ =	shalt  }
0x52: {  	_ =	shalt  }
0x53: {  	_ =	shalt  }
0x54: {  	_ =	shalt  }
0x55: {  	_ =	shalt  }
0x56: {  	_ =	shalt  }
0x57: {  	_ =	shalt  }
0x58: {  	_ =	shalt  }
0x59: {  	_ =	shalt  }
0x5a: {  	_ =	shalt  }
0x5b: {  	_ =	shalt  }
0x5c: {  	_ =	shalt  }
0x5d: {  	_ =	shalt  }
0x5e: {  	_ =	shalt  }
0x5f: {  	_ =	shalt  }
0x60: {  	_ =	shalt  }
0x61: {  	_ =	shalt  }
0x62: {  	_ =	shalt  }
0x63: {  	_ =	shalt  }
0x64: {  	_ =	shalt  }
0x65: {  	_ =	shalt  }
0x66: {  	_ =	shalt  }
0x67: {  	_ =	shalt  }
0x68: {  	_ =	shalt  }
0x69: {  	_ =	shalt  }
0x6a: {  	_ =	shalt  }
0x6b: {  	_ =	shalt  }
0x6c: {  	_ =	shalt  }
0x6d: {  	_ =	shalt  }
0x6e: {  	_ =	shalt  }
0x6f: {  	_ =	shalt  }
0x70: {  	_ =	shalt  }
0x71: {  	_ =	shalt  }
0x72: {  	_ =	shalt  }
0x73: {  	_ =	shalt  }
0x74: {  	_ =	shalt  }
0x75: {  	_ =	shalt  }
0x76: {  	_ =	shalt  }
0x77: {  	_ =	shalt  }
0x78: {  	_ =	shalt  }
0x79: {  	_ =	shalt  }
0x7a: {  	_ =	shalt  }
0x7b: {  	_ =	shalt  }
0x7c: {  	_ =	shalt  }
0x7d: {  	_ =	shalt  }
0x7e: {  	_ =	shalt  }
0x7f: {  	_ =	shalt  }
0x80: {  	_ =	shalt  }
0x81: {  	_ =	shalt  }
0x82: {  	_ =	shalt  }
0x83: {  	_ =	shalt  }
0x84: {  	_ =	shalt  }
0x85: {  	_ =	shalt  }
0x86: {  	_ =	shalt  }
0x87: {  	_ =	shalt  }
.Lfunc_end0:
.L_simem_size_0:
called_computation.1_lowered:
.L_overlay_start_0:
0x88: {  	s2 =	sld [smem:$0x3FD9]  }
0x89: {  	s3 =	sld [smem:$0x3FFE];
	_ =	sdelay $0x1  }
0x8a: {  	s1 =	srdreg.scid  }
0x8b: {  	s0 =	sand.u32 $0x1, s1  }
0x8c: {  	s14 =	sshll.u32 s0, $0xA;
	s2 =	sadd.s32 s3, s2  }
0x8d: {  	s2 =	sadd.s32 s2, s14  }
0x8e: {  	[smem:$0x3FC6] =	sst s2  }
0x8f: {  	_ = 	snop  }
0x90: {  	s2 =	sld [smem:$0x3FD0];
	_ =	sdelay $0x2  }
0x91: {  	s15 =	simm.s32 $0xA;
	s4 =	simm.s32 $0x10  }
0x92: {  	[smem:s4], [sflag:s15] =	dma.local [hbm:s2], $0x1  }
0x93: {  	_ =	swait.eq [sflag:s15], $0x1  }
0x94: {  	[sflag:s15] =	ssyncset.done $0x0  }
0x95: {  	s16 =	sld [smem:$0x10];
	[sflag:s15] =	ssyncadd.s32 $0xFFFFFFFF  }
0x96: {  	s17 =	sld [smem:$0x11];
	(tm) =	ssettm $0x1  }
0x97: {  	s18 =	sld [smem:$0x3FFB];
	_ =	sdelay $0x3  }
0x98: {  	_ =	strace s18  }
0x99: {  	s4 =	sld [smem:$0x3FFC];
	_ =	sdelay $0x3  }
0x9a: {  	_ =	strace s4  }
0x9b: {  	s4 =	sld [smem:$0x3FFD];
	_ =	sdelay $0x3  }
0x9c: {  	_ =	strace s4  }
0x9d: {  	_ =	strace $0x8FFFFFFF  }
0x9e: {  	s19 =	sld [smem:$0x3FDB];
	_ =	sdelay $0x1  }
0x9f: {  	s5 =	simm.s32 $_scs_section_size  }
0xa0: {  	s6 =	simm.s32 $_size__tile_overlayer_lowered;
	s7 =	simm.s32 $_tile_overlayer_lowered  }
0xa1: {  	s22 =	simm.s32 $0x1BFF;
	s21 =	sshll.u32 s7, $0x1;
	s4 =	sadd.s32 s5, s19  }
0xa2: {  	s8 =	simm.s32 $0x0;
	s20 =	sshll.u32 s6, $0x1;
	s6 =	sadd.s32 s21, s4  }
0xa3: {  	[timem:s8], [sflag:s22] =	dma.local [hbm:s6], s20  }
0xa4: {  	_ =	swait.ge [sflag:s22], s20  }
0xa5: {  	s5 =	ssub.s32 $0x0, s20;
	[sflag:s22] =	ssyncset.done $0x0  }
0xa6: {  	[sflag:s22] =	ssyncadd.s32 s5;
	_ =	sdelay $0x1  }
0xa7: {  	s23 =	simm.s32 $0x1B8B  }
0xa8: {  	_ =	swait.ge [sflag:s23], $0x1  }
0xa9: {  	[sflag:s23] =	ssyncset.done $0x0  }
0xaa: {  	s25 =	simm.s32 $0x1B8E;
	s24 =	sld [smem:$0x3FFE];
	[sflag:s23] =	ssyncadd.s32 $0xFFFFFFFF  }
0xab: {  	s26 =	simm.s32 $execute0_lowered;
	[smem:$0x3FD2] =	sst s25  }
0xac: {  	s6 =	sshll.u32 s26, $0x1;
	_ =	strace $0x80000049;
	[dreg:$0x1] =	wrdreg $0xFFFFFFFF  }
0xad: {  	s28 =	simm.s32 $_size_execute0_lowered;
	s4 =	sadd.s32 s4, s6;
	[dreg:$0x0] =	wrdreg $0x0  }
0xae: {  	s6 =	sshll.u32 s28, $0x1;
	[dreg:$0x2] =	wrdreg s4  }
0xaf: {  	[dreg:$0x3] =	wrdreg s6  }
0xb0: {  	[dreg:$0x4] =	wrdreg $0xC0  }
0xb1: {  	_ =	task [dreg:s8], $0x5FFFF  }
0xb2: {  	[dreg:$0x1] =	wrdreg $0xFFFFFFFF  }
0xb3: {  	[dreg:$0x0] =	wrdreg $0x60  }
0xb4: {  	[dreg:$0x2] =	wrdreg s24  }
0xb5: {  	[dreg:$0x3] =	wrdreg s16  }
0xb6: {  	[dreg:$0x4] =	wrdreg s17  }
0xb7: {  	[dreg:$0x5] =	wrdreg $0x9  }
0xb8: {  	_ =	task.clear_ibuf [dreg:s8], $0x6FFFF;
	_ =	strace $0x90000049  }
0xb9: {  	s29 =	simm.s32 $0x9;
	_ =	strace $0x8000004B  }
0xba: {  	_ =	swait.ge [sflag:s29], $0x1  }
0xbb: {  	[sflag:s29] =	ssyncadd.s32 $0xFFFFFFFF  }
0xbc: {  	_ =	strace $0x9000004B  }
0xbd: {  	_ =	sfence  }
0xbe: {  	s30 =	sld [smem:$0x0];
	_ =	sdelay $0x2  }
0xbf: {  	s31 =	sshll.u32 s1, $0xD;
	s1 =	sshrl.u32 s1, $0x2  }
0xc0: {  	s3 =	sand.u32 $0x4000, s31;
	s1 =	sadd.s32 s1, s30  }
0xc1: {  	s0 =	sor.u32 s3, s0;
	s1 =	sshll.u32 s1, $0x11  }
0xc2: {  	s0 =	sor.u32 s1, s0  }
0xc3: {  	s0 =	sadd.s32 $0x8F2B, s0  }
0xc4: {  	[sflag:s0] =	ssyncadd.remote.s32 $0x1  }
0xc5: {  	_ =	sfence.sel $0xFFFF  }
0xc6: {  	[dreg:$0x0] =	wrdreg $0xFFFFFFFF;
	(pc) =	sbr.abs _section_cstart, $3  }
0xc7: {  	[dreg:$0x1] =	wrdreg $0xFFFFFFFF  }
0xc8: {  	_ =	task.clear_ibuf [dreg:s8], $0x2FFFF;
	_ =	strace $0x9FFFFFFF  }
0xc9: {  	(tm) =	ssettm $0x7FFFFFFF  }
tec
execute0_lowered:
.L_overlay_start_1:
0x0: {  	(tag) =	ssettag $0x1  }
0x1: {  	s0 =	srdreg.scid  }
0x2: {  	s5 =	sand.u32 $0x1, s0;
	s0 =	stileid.u32  }
0x3: {  	s4 =	sshll.u32 s0, $0x1;
	s6 =	ssub.s32 $0x0, s5  }
0x4: {  	p0 =	sne.s32 s4, s6  }
.Ltmp0:
0x5: {  	_ = 	snop;
	(pc) =	sbr.rel @p0 .LBB2_7-.Ltmp0, $4  }
0x6: {  	s9 =	rddreg [dreg:$0x0]  }
0x7: {  	s2 =	rddreg [dreg:$0x1]  }
0x8: {  	s3 =	rddreg [dreg:$0x2]  }
0x9: {  	s1 =	rddreg [dreg:$0x3];
	_ =	strace $0x8000004A  }
0xa: {  	v2 =	vlaneseq.u32  }
0xb: {  	v1 =	vimm.s32 $0x980;
	vm0 =	vcmask $0x300;
	v3 =	vimm.s32 $0x36147250  }
0xc: {  	v6 =	vimm.s32 $0x47250361;
	v7 =	vimm.s32 $0x50361472;
	v9 =	vimm.s32 $0x72503614  }
0xd: {  	v0 =	vmul.u32 $0x80, v2;
	v1 =	vsel vm0, $0x800, v1;
	vm0 =	vcmask $0x704  }
0xe: {  	s4 =	sadd.s32 $0x10800, s9;
	s10 =	ssub.s32 $0x2, s5;
	v4 =	vunpack.c.l.s4.s8 v3;
	v2 =	vmul.u32 $0x5, v2;
	v3 =	vimm.s32 $0xFFFFFFFF  }
0xf: {  	s5 =	sadd.s32 $0x10A00, s9;
	s6 =	sadd.s32 $0x10C00, s9;
	s7 =	sadd.s32 $0x10E00, s9;
	v6 =	vunpack.c.l.s4.s8 v6;
	v8 =	vunpack.c.l.s4.s8 v7;
	v7 =	vimm.s32 $0x61472503  }
0x10: {  	s8 =	sadd.s32 $0x11000, s9;
	s9 =	sadd.s32 $0x11200, s9;
	s12 =	simm.s32 $0x1;
	v12 =	vunpack.c.l.s4.s8 v9;
	v1 =	vsel vm0, $0x880, v1;
	vm0 =	vcmask $0xB08  }
0x11: {  	s13 =	simm.s32 $0xA10;
	s14 =	simm.s32 $0x1420;
	s15 =	simm.s32 $0x1E30;
	v10 =	vunpack.c.l.s4.s8 v7;
	v1 =	vsel vm0, $0x900, v1;
	vm0 =	vmmov $0xf  }
0x12: {  	s16 =	simm.s32 $0x2840;
	s17 =	simm.s32 $0x3250;
	s11 =	sshrl.u32 s10, $0x1;
	v4 =	vunpack.c.0.s8.s32 v4;
	v5 =	vadd.s32 $0x1, v2;
	v6 =	vunpack.c.0.s8.s32 v6  }
0x13: {  	s18 =	simm.s32 $0x3CA0;
	s19 =	simm.s32 $0x3F20;
	s10 =	ssub.s32 s10, s11;
	v7 =	vadd.s32 $0x2, v2;
	v8 =	vunpack.c.0.s8.s32 v8;
	v9 =	vadd.s32 $0x3, v2  }
0x14: {  	s20 =	simm.s32 $0x0;
	s11 =	simm.s32 $0x0;
	s10 =	smax.u32 s10, $0x1;
	v11 =	vadd.s32 $0x4, v2;
	v12 =	vunpack.c.0.s8.s32 v12;
	v10 =	vunpack.c.0.s8.s32 v10  }
.LBB2_2:
0x15: {  	[tilespmem:s11], [sflag:$0x1] =	stream.linear.gather [hbm4b:s4+s11], $0xA00, $0x38;
	[tilespmem:$0x4020] =	vst v63  }
0x16: {  	_ =	swait.ge [sflag:s12], $0xA00  }
0x17: {  	[sflag:s12] =	ssyncset.done $0x0  }
0x18: {  	[sflag:s12] =	ssyncadd.s32 $0xFFFFF600  }
0x19: {  	[tilespmem:s13], [sflag:$0x1] =	stream.linear.gather [hbm4b:s5+s11], $0xA00, $0x38;
	[tilespmem:$0x4020] =	vst v63  }
0x1a: {  	_ =	swait.ge [sflag:s12], $0xA00  }
0x1b: {  	[sflag:s12] =	ssyncset.done $0x0  }
0x1c: {  	[sflag:s12] =	ssyncadd.s32 $0xFFFFF600  }
0x1d: {  	[tilespmem:s14], [sflag:$0x1] =	stream.linear.gather [hbm4b:s6+s11], $0xA00, $0x38;
	[tilespmem:$0x4020] =	vst v63  }
0x1e: {  	_ =	swait.ge [sflag:s12], $0xA00  }
0x1f: {  	[sflag:s12] =	ssyncset.done $0x0  }
0x20: {  	[sflag:s12] =	ssyncadd.s32 $0xFFFFF600  }
0x21: {  	[tilespmem:s15], [sflag:$0x1] =	stream.linear.gather [hbm4b:s7+s11], $0xA00, $0x38;
	[tilespmem:$0x4020] =	vst v63  }
0x22: {  	_ =	swait.ge [sflag:s12], $0xA00  }
0x23: {  	[sflag:s12] =	ssyncset.done $0x0  }
0x24: {  	[sflag:s12] =	ssyncadd.s32 $0xFFFFF600  }
0x25: {  	[tilespmem:s16], [sflag:$0x1] =	stream.linear.gather [hbm4b:s8+s11], $0xA00, $0x38;
	[tilespmem:$0x4020] =	vst v63  }
0x26: {  	_ =	swait.ge [sflag:s12], $0xA00  }
0x27: {  	[sflag:s12] =	ssyncset.done $0x0  }
0x28: {  	[sflag:s12] =	ssyncadd.s32 $0xFFFFF600  }
0x29: {  	[tilespmem:s17], [sflag:$0x1] =	stream.linear.gather [hbm4b:s9+s11], $0xA00, $0x38;
	[tilespmem:$0x4020] =	vst v63  }
0x2a: {  	_ =	swait.ge [sflag:s12], $0xA00  }
0x2b: {  	[sflag:s12] =	ssyncset.done $0x0  }
0x2c: {  	[sflag:s12] =	ssyncadd.s32 $0xFFFFF600  }
0x2d: {  	v13 =	vld.idx.msk [tilespmem:v0+s11+$0x0], $0xffff;
	_ =	sdelay $0x4  }
0x2e: {  	[tilespmem:$0x3C60] =	vst v13  }
0x2f: {  	v13 =	vld.idx.msk [tilespmem:v0+s17+$0x0], $0xffff;
	_ =	sdelay $0x4  }
0x30: {  	[tilespmem:$0x3C80] =	vst v13  }
0x31: {  	v13 =	vld.idx.msk [tilespmem:v1+s11+$0x0], $0xffff;
	_ =	sdelay $0x4  }
0x32: {  	v13 =	vnsel vm0, $0xBF800000, v13  }
0x33: {  	[tilespmem:$0x3C70] =	vst v13;
	v13 =	vld [tilespmem:$0x3C60]  }
0x34: {  	v14 =	vld [tilespmem:$0x3C70];
	_ =	sdelay $0x3  }
0x35: {  	(xrf0) =	vmax.scan.msk.f32 $0xffff, v13  }
0x36: {  	(xrf0) =	vmax.scan.msk.f32 $0xffff, v14;
	_ =	sdelay $0x4  }
0x37: {  	v15, _, _ =	vpop (xrf0)  }
0x38: {  	(v2sf) =	vpush v15, $0xF;
	v15, _, _ =	vpop (xrf0)  }
0x39: {  	(v2sf) =	vpush v15, $0xF;
	_ =	sdelay $0xb  }
0x3a: {  	v15 =	vld.idx.msk [tilespmem:v1+s17+$0x0], $0xffff;
	_ =	sdelay $0x1  }
0x3b: {  	s21 =	spop (v2sf)  }
0x3c: {  	s22 =	spop (v2sf)  }
0x3d: {  	s21 =	smax.f32 s21, s22  }
0x3e: {  	v15 =	vnsel vm0, $0x0, v15;
	p0 =	sgt.f32 s21, $0.0e+00  }
0x3f: {  	[tilespmem:$0x3C90] =	vst v15  }
0x40: {  	v15 =	vld @p0 [tilespmem:$0x3C90]  }
0x41: {  	v16 =	vld @p0 [tilespmem:$0x3C80];
	_ =	sdelay $0x3  }
0x42: {  	v17 =	vlaneseq.u32 @p0;
	v15 =	vmul.u32 @p0 $0x14, v15  }
0x43: {  	v18 =	vor.u32 @p0 $0x10, v17;
	v16 =	vmul.u32 @p0 $0x14, v16  }
0x44: {  	v15 =	vadd.s32 @p0 v18, v15  }
0x45: {  	vm1 =	veq.f32 @p0 v14, s21;
	v14 =	vadd.s32 @p0 v17, v16;
	v15 =	vxor.u32 @p0 $0x80000000, v15  }
0x46: {  	vm2 =	veq.f32 @p0 v13, s21;
	v13 =	vxor.u32 @p0 $0x80000000, v14;
	v14 =	vnsel @p0 vm1, $0xC0000000, v15  }
0x47: {  	v13 =	vnsel @p0 vm2, $0xC0000000, v13;
	(xrf0) =	vmin.scan.msk.u32 @p0 $0xffff, v14  }
0x48: {  	(xrf0) =	vmin.scan.msk.u32 @p0 $0xffff, v13;
	_ =	sdelay $0x4  }
0x49: {  	v13, _, _ =	vpop @p0 (xrf0)  }
0x4a: {  	v14, _, _ =	vpop @p0 (xrf0);
	(v2sf) =	vpush @p0 v13, $0xF  }
0x4b: {  	(v2sf) =	vpush @p0 v14, $0xF;
	_ =	sdelay $0x5  }
0x4c: {  	[smem:$0x0] =	sst s11  }
0x4d: {  	[smem:$0x1] =	sst s11  }
0x4e: {  	[smem:$0x2] =	sst s11  }
0x4f: {  	[smem:$0x3] =	sst s11  }
0x50: {  	[smem:$0x4] =	sst s11  }
0x51: {  	[smem:$0x5] =	sst s11  }
0x52: {  	[smem:$0x6] =	sst s11  }
0x53: {  	[smem:$0x7] =	sst s11  }
0x54: {  	[smem:$0x8] =	sst s11;
	s21 =	spop @p0 (v2sf)  }
0x55: {  	[smem:$0x9] =	sst s11;
	s22 =	spop @p0 (v2sf)  }
0x56: {  	[smem:$0xA] =	sst s11;
	s21 =	sxor.u32 @p0 $0x80000000, s21;
	s22 =	sxor.u32 @p0 $0x80000000, s22  }
0x57: {  	[smem:$0xB] =	sst s11;
	p1 =	slt.s32 @p0 s22, s21  }
0x58: {  	[smem:$0xC] =	sst s11;
	p1 =	por !p1, !p0  }
0x59: {  	[smem:$0xD] =	sst s11;
	s22 =	smov.u32 @p1 s21  }
0x5a: {  	[smem:$0xE] =	sst s11;
	s21 =	smulhi.u32 @p0 $0x66666667, s22;
	s23 =	sshra.s32 @p0 s22, $0x1F  }
0x5b: {  	[smem:$0xF] =	sst s11;
	s23 =	smul.u32 @p0 $0x66666667, s23  }
0x5c: {  	[smem:$0x10] =	sst s11  }
0x5d: {  	[smem:$0x11] =	sst s11;
	s21 =	sadd.s32 @p0 s23, s21  }
0x5e: {  	[smem:$0x12] =	sst s11;
	s23 =	sshrl.u32 @p0 s21, $0x1F;
	s21 =	sshra.s32 @p0 s21, $0x3  }
0x5f: {  	[smem:$0x13] =	sst s11;
	s21 =	sadd.s32 @p0 s23, s21  }
0x60: {  	[smem:$0x14] =	sst s11;
	s21 =	smul.u32 @p0 $0x14, s21  }
0x61: {  	[smem:$0x15] =	sst s11  }
0x62: {  	[smem:$0x16] =	sst s11;
	[tilespmem:$0x3FA0] =	vst v3;
	s21 =	ssub.s32 @p0 s22, s21  }
0x63: {  	[tilespmem:$0x3FB0] =	vst v3;
	s22 =	sld @p0 [smem:s21+$0x0]  }
0x64: {  	[tilespmem:$0x3FC0] =	vst v3  }
0x65: {  	[tilespmem:$0x3FD0] =	vst v3;
	v13 =	vmov @p0 s11  }
0x66: {  	[tilespmem:$0x3FE0] =	vst v3;
	s24 =	sadd.s32 @p0 $0x1, s22  }
0x67: {  	[tilespmem:$0x3FF0] =	vst v3;
	s23 =	sshll.u32 @p0 s21, $0x7;
	p2 =	slt.s32 @p0 s24, $0x7F  }
0x68: {  	[tilespmem:$0x4000] =	vst v3;
	s25 =	simm.s32 @p0 $0x3FA0;
	s22 =	sadd.s32 @p0 s22, s23;
	p2 =	por !p2, !p0  }
0x69: {  	[tilespmem:$0x4010] =	vst v3;
	[smem:s21] =	sst @p0 s24;
	p1 =	sgt.s32 @p0 s24, $0x7F;
	v14 =	vmov @p0 s22;
	s24 =	simm.s32 @p2 $0x7F  }
0x6a: {  	[tilespmem:v13+s25+$0x0] =	vst.idx.msk @p0 $0x1, v14;
	s22 =	sadd.s32 @p0 s24, s23  }
0x6b: {  	v13 =	vld @p0 [tilespmem:s22+$0x0];
	_ =	sdelay $0x4  }
0x6c: {  	(v2sf) =	vpush @p0 v13, $0x0;
	_ =	sdelay $0xc  }
0x6d: {  	v13 =	vmov @p0 s21  }
0x6e: {  	[smem:$0x17] =	sst s11  }
0x6f: {  	[smem:$0x18] =	sst s11;
	p1 =	por !p1, !p0;
	s21 =	spop @p0 (v2sf)  }
0x70: {  	[smem:$0x19] =	sst s11;
	s21 =	simm.s32 @!p1 $0xBF800000  }
0x71: {  	[smem:$0x1A] =	sst s11;
	s23 =	simm.s32 @p0 $0x3C60;
	v14 =	vmov @p0 s21  }
0x72: {  	[smem:$0x1B] =	sst s11;
	[tilespmem:v13+s23+$0x0] =	vst.idx.msk @p0 $0x1, v14  }
0x73: {  	[smem:$0x1C] =	sst s11;
	v14 =	vld.msk @p0 [tilespmem:s22+$0x3250 ss:$0x0], $0xffff  }
0x74: {  	[smem:$0x1D] =	sst s11  }
0x75: {  	[smem:$0x1E] =	sst s11  }
0x76: {  	[smem:$0x1F] =	sst s11;
	s21 =	simm.s32 $0x1;
	s23 =	simm.s32 @p0 $0x3C80  }
.LBB2_3:
0x77: {  	s22 =	smov.u32 s21;
	s21 =	sadd.s32 $0x1, s21  }
0x78: {  	p1 =	sne.s32 s21, $0x64;
	[tilespmem:v13+s23+$0x0] =	vst.idx.msk @p0 $0x1, v14  }
0x79: {  	v13 =	vld [tilespmem:$0x3C60]  }
0x7a: {  	v14 =	vld [tilespmem:$0x3C70];
	_ =	sdelay $0x3  }
0x7b: {  	(xrf0) =	vmax.scan.msk.f32 $0xffff, v13  }
0x7c: {  	(xrf0) =	vmax.scan.msk.f32 $0xffff, v14;
	_ =	sdelay $0x4  }
0x7d: {  	v15, _, _ =	vpop (xrf0)  }
0x7e: {  	(v2sf) =	vpush v15, $0xF;
	v15, _, _ =	vpop (xrf0)  }
0x7f: {  	(v2sf) =	vpush v15, $0xF;
	_ =	sdelay $0xd  }
0x80: {  	s23 =	spop (v2sf)  }
0x81: {  	s24 =	spop (v2sf)  }
0x82: {  	s23 =	smax.f32 s23, s24  }
0x83: {  	p0 =	sgt.f32 s23, $0.0e+00;
	_ =	sdelay $0x1  }
0x84: {  	v15 =	vld @p0 [tilespmem:$0x3C90];
	vm1 =	veq.f32 @p0 v13, s23;
	vm2 =	veq.f32 @p0 v14, s23  }
0x85: {  	v13 =	vld @p0 [tilespmem:$0x3C80];
	_ =	sdelay $0x3  }
0x86: {  	v14 =	vlaneseq.u32 @p0;
	v15 =	vmul.u32 @p0 $0x14, v15  }
0x87: {  	v16 =	vor.u32 @p0 $0x10, v14;
	v13 =	vmul.u32 @p0 $0x14, v13  }
0x88: {  	v15 =	vadd.s32 @p0 v16, v15  }
0x89: {  	v13 =	vadd.s32 @p0 v14, v13;
	v14 =	vxor.u32 @p0 $0x80000000, v15  }
0x8a: {  	v13 =	vxor.u32 @p0 $0x80000000, v13;
	v14 =	vnsel @p0 vm2, $0xC0000000, v14  }
0x8b: {  	v13 =	vnsel @p0 vm1, $0xC0000000, v13;
	(xrf0) =	vmin.scan.msk.u32 @p0 $0xffff, v14  }
0x8c: {  	(xrf0) =	vmin.scan.msk.u32 @p0 $0xffff, v13;
	_ =	sdelay $0x4  }
0x8d: {  	v13, _, _ =	vpop @p0 (xrf0)  }
0x8e: {  	v14, _, _ =	vpop @p0 (xrf0);
	(v2sf) =	vpush @p0 v13, $0xF  }
0x8f: {  	(v2sf) =	vpush @p0 v14, $0xF;
	_ =	sdelay $0xd  }
0x90: {  	s23 =	spop @p0 (v2sf)  }
0x91: {  	s23 =	sxor.u32 @p0 $0x80000000, s23;
	s24 =	spop @p0 (v2sf)  }
0x92: {  	s24 =	sxor.u32 @p0 $0x80000000, s24  }
0x93: {  	p2 =	slt.s32 @p0 s24, s23  }
0x94: {  	p2 =	por !p2, !p0  }
0x95: {  	s24 =	smov.u32 @p2 s23  }
0x96: {  	s23 =	smulhi.u32 @p0 $0x66666667, s24;
	s25 =	sshra.s32 @p0 s24, $0x1F  }
0x97: {  	s25 =	smul.u32 @p0 $0x66666667, s25;
	_ =	sdelay $0x1  }
0x98: {  	s23 =	sadd.s32 @p0 s25, s23  }
0x99: {  	s25 =	sshrl.u32 @p0 s23, $0x1F;
	s23 =	sshra.s32 @p0 s23, $0x3  }
0x9a: {  	s23 =	sadd.s32 @p0 s25, s23  }
0x9b: {  	s23 =	smul.u32 @p0 $0x14, s23;
	_ =	sdelay $0x1  }
0x9c: {  	s23 =	ssub.s32 @p0 s24, s23  }
0x9d: {  	v13 =	vmov @p0 s22;
	s24 =	sld @p0 [smem:s23+$0x0];
	_ =	sdelay $0x1  }
0x9e: {  	s22 =	sshll.u32 @p0 s23, $0x7  }
0x9f: {  	s26 =	simm.s32 @p0 $0x3FA0;
	s25 =	sadd.s32 @p0 s24, s22;
	s24 =	sadd.s32 @p0 $0x1, s24  }
0xa0: {  	v14 =	vmov @p0 s25;
	[smem:s23] =	sst @p0 s24;
	p2 =	slt.s32 @p0 s24, $0x7F;
	p3 =	sgt.s32 @p0 s24, $0x7F  }
0xa1: {  	[tilespmem:v13+s26+$0x0] =	vst.idx.msk @p0 $0x1, v14;
	p4 =	por !p2, !p0;
	p2 =	por !p3, !p0  }
0xa2: {  	s24 =	simm.s32 @p4 $0x7F  }
0xa3: {  	s22 =	sadd.s32 @p0 s24, s22  }
0xa4: {  	v13 =	vld @p0 [tilespmem:s22+$0x0];
	_ =	sdelay $0x4  }
0xa5: {  	(v2sf) =	vpush @p0 v13, $0x0;
	_ =	sdelay $0xb  }
0xa6: {  	v13 =	vmov @p0 s23;
	_ =	sdelay $0x2  }
0xa7: {  	s23 =	spop @p0 (v2sf)  }
0xa8: {  	s24 =	simm.s32 @p0 $0x3C60;
	s23 =	simm.s32 @!p2 $0xBF800000  }
0xa9: {  	v14 =	vmov @p0 s23  }
0xaa: {  	[tilespmem:v13+s24+$0x0] =	vst.idx.msk @p0 $0x1, v14  }
.Ltmp1:
0xab: {  	v14 =	vld.msk @p0 [tilespmem:s22+$0x3250 ss:$0x0], $0xffff;
	(pc) =	sbr.rel @p1 .LBB2_3-.Ltmp1, $2  }
0xac: {  	_ =	sdelay $0x2  }
0xad: {  	s23 =	simm.s32 @p0 $0x3C80  }
0xae: {  	_ =	sdelay $0x3  }
0xaf: {  	[tilespmem:v13+s23+$0x0] =	vst.idx.msk @p0 $0x1, v14;
	s21 =	simm.s32 $0x3FA0  }
0xb0: {  	v13 =	vld [tilespmem:s21+$0x0];
	_ =	sdelay $0x3  }
0xb1: {  	s22 =	simm.s32 $0x0  }
0xb2: {  	v14 =	vmov s22;
	vm1 =	vgt.s32 v13, $0x0  }
0xb3: {  	v14 =	vmul.u32 $0x5, v14;
	v15 =	vnsel vm1, $0x0, v13;
	_ =	sdelay $0x1  }
0xb4: {  	v14 =	vbroadcast v14, $0x0;
	_ =	sdelay $0x1  }
0xb5: {  	v16 =	vadd.s32 v2, v14  }
0xb6: {  	v16 =	vand.u32 $0xFFFFFFF8, v16;
	v17 =	vld.idx.msk [tilespmem:v15+s13+$0x0], $0xffff  }
0xb7: {  	v16 =	vor.u32 v4, v16;
	_ =	sdelay $0x2  }
0xb8: {  	vm1 =	vgt.s32 v13, $0xFFFFFFFF  }
0xb9: {  	v13 =	vnsel vm1, $0x0, v17  }
0xba: {  	v61 =	vadd.s32 v5, v14;
	[tilespmem:v16+s18+$0x0] =	vst.idx.msk $0xffff, v13  }
0xbb: {  	v13 =	vand.u32 $0xFFFFFFF8, v61;
	v16 =	vld.idx.msk [tilespmem:v15+s14+$0x0], $0xffff  }
0xbc: {  	v13 =	vor.u32 v6, v13;
	_ =	sdelay $0x3  }
0xbd: {  	v16 =	vnsel vm1, $0x0, v16  }
0xbe: {  	v62 =	vadd.s32 v7, v14;
	[tilespmem:v13+s18+$0x0] =	vst.idx.msk $0xffff, v16  }
0xbf: {  	v13 =	vand.u32 $0xFFFFFFF8, v62;
	v16 =	vld.idx.msk [tilespmem:v15+s15+$0x0], $0xffff  }
0xc0: {  	v13 =	vor.u32 v8, v13;
	_ =	sdelay $0x3  }
0xc1: {  	v16 =	vnsel vm1, $0x0, v16  }
0xc2: {  	v63 =	vadd.s32 v9, v14;
	[tilespmem:v13+s18+$0x0] =	vst.idx.msk $0xffff, v16  }
0xc3: {  	v13 =	vand.u32 $0xFFFFFFF8, v63;
	v16 =	vld.idx.msk [tilespmem:v15+s16+$0x0], $0xffff  }
0xc4: {  	v13 =	vor.u32 v10, v13;
	_ =	sdelay $0x3  }
0xc5: {  	v16 =	vnsel vm1, $0x0, v16  }
0xc6: {  	v14 =	vadd.s32 v11, v14;
	[tilespmem:v13+s18+$0x0] =	vst.idx.msk $0xffff, v16  }
0xc7: {  	v13 =	vand.u32 $0xFFFFFFF8, v14;
	v14 =	vld.idx.msk [tilespmem:v15+s11+$0x0], $0xffff  }
0xc8: {  	v13 =	vor.u32 v12, v13;
	_ =	sdelay $0x3  }
0xc9: {  	v15 =	vshrl.u32 v15, $0x7;
	v14 =	vnsel vm1, $0x0, v14  }
0xca: {  	s23 =	simm.s32 $0x10;
	s22 =	simm.s32 $0x3F20;
	[tilespmem:v13+s18+$0x0] =	vst.idx.msk $0xffff, v14;
	v13 =	vnsel vm1, $0xFFFFFFFF, v15  }
.LBB2_5:
0xcb: {  	p0 =	sne.s32 s23, $0x70;
	[tilespmem:s22+$0x0] =	vst v13;
	s21 =	sadd.s32 $0x10, s21;
	s22 =	sadd.s32 $0x10, s22  }
0xcc: {  	s24 =	smov.u32 s23;
	s23 =	sadd.s32 $0x10, s23;
	v13 =	vld [tilespmem:s21+$0x0];
	_ =	sdelay $0x4  }
0xcd: {  	vm1 =	vgt.s32 v13, $0x0  }
0xce: {  	v14 =	vmov s24;
	v15 =	vnsel vm1, $0x0, v13  }
0xcf: {  	v14 =	vmul.u32 $0x5, v14;
	_ =	sdelay $0x1  }
0xd0: {  	v14 =	vbroadcast v14, $0x0;
	_ =	sdelay $0x1  }
0xd1: {  	v16 =	vadd.s32 v2, v14;
	v18 =	vadd.s32 v5, v14;
	v19 =	vadd.s32 v7, v14;
	v17 =	vld.idx.msk [tilespmem:v15+s13+$0x0], $0xffff  }
0xd2: {  	v16 =	vand.u32 $0xFFFFFFF8, v16;
	v18 =	vand.u32 $0xFFFFFFF8, v18;
	v19 =	vand.u32 $0xFFFFFFF8, v19  }
0xd3: {  	v20 =	vadd.s32 v9, v14;
	v14 =	vadd.s32 v11, v14;
	v16 =	vor.u32 v4, v16  }
0xd4: {  	v20 =	vand.u32 $0xFFFFFFF8, v20;
	v14 =	vand.u32 $0xFFFFFFF8, v14;
	_ =	sdelay $0x1  }
0xd5: {  	vm1 =	vgt.s32 v13, $0xFFFFFFFF  }
0xd6: {  	v13 =	vnsel vm1, $0x0, v17  }
0xd7: {  	[tilespmem:v16+s18+$0x0] =	vst.idx.msk $0xffff, v13  }
0xd8: {  	v13 =	vld.idx.msk [tilespmem:v15+s14+$0x0], $0xffff;
	_ =	sdelay $0x1  }
0xd9: {  	v16 =	vor.u32 v6, v18;
	_ =	sdelay $0x3  }
0xda: {  	v13 =	vnsel vm1, $0x0, v13  }
0xdb: {  	[tilespmem:v16+s18+$0x0] =	vst.idx.msk $0xffff, v13  }
0xdc: {  	v13 =	vld.idx.msk [tilespmem:v15+s15+$0x0], $0xffff;
	_ =	sdelay $0x1  }
0xdd: {  	v16 =	vor.u32 v8, v19;
	_ =	sdelay $0x3  }
0xde: {  	v13 =	vnsel vm1, $0x0, v13  }
0xdf: {  	[tilespmem:v16+s18+$0x0] =	vst.idx.msk $0xffff, v13  }
0xe0: {  	v13 =	vld.idx.msk [tilespmem:v15+s16+$0x0], $0xffff;
	_ =	sdelay $0x1  }
0xe1: {  	v16 =	vor.u32 v10, v20;
	_ =	sdelay $0x3  }
0xe2: {  	v13 =	vnsel vm1, $0x0, v13  }
0xe3: {  	[tilespmem:v16+s18+$0x0] =	vst.idx.msk $0xffff, v13  }
0xe4: {  	v13 =	vld.idx.msk [tilespmem:v15+s11+$0x0], $0xffff;
	_ =	sdelay $0x1  }
0xe5: {  	v14 =	vor.u32 v12, v14  }
.Ltmp2:
0xe6: {  	(pc) =	sbr.rel @p0 .LBB2_5-.Ltmp2, $3  }
0xe7: {  	_ =	sdelay $0x1  }
0xe8: {  	v15 =	vshrl.u32 v15, $0x7;
	v13 =	vnsel vm1, $0x0, v13  }
0xe9: {  	[tilespmem:v14+s18+$0x0] =	vst.idx.msk $0xffff, v13;
	v13 =	vnsel vm1, $0xFFFFFFFF, v15  }
0xea: {  	[tilespmem:s22+$0x0] =	vst v13  }
0xeb: {  	[hbm4b:s2+s11] =	stream.linear.scatter [tilespmem:s18], [sflag:$0x1], $0x280, $0x38;
	[tilespmem:$0x4020] =	vst v63  }
0xec: {  	s20 =	sadd.s32 $0x1, s20;
	_ =	swait.ge [sflag:s12], $0x280  }
0xed: {  	p0 =	sne.s32 s20, s10;
	[sflag:s12] =	ssyncset.done $0x0  }
.Ltmp3:
0xee: {  	[sflag:s12] =	ssyncadd.s32 $0xFFFFFD80;
	(pc) =	sbr.rel @p0 .LBB2_2-.Ltmp3, $4  }
0xef: {  	[hbm4b:s3+s11] =	stream.linear.scatter [tilespmem:s19], [sflag:$0x1], $0x80, $0x38;
	[tilespmem:$0x4020] =	vst v63  }
0xf0: {  	_ =	swait.ge [sflag:s12], $0x80  }
0xf1: {  	[sflag:s12] =	ssyncset.done $0x0  }
0xf2: {  	[sflag:s12] =	ssyncadd.s32 $0xFFFFFF80  }
.LBB2_7:
0xf3: {  	_ =	sfence.sel $0x180000  }
0xf4: {  	[bflag:$0x0] =	sbarrier.arrive $0xFFFF  }
0xf5: {  	p0 =	sne.s32 s0, $0x0;
	_ =	strace $0x9000004A  }
0xf6: {  	s0 =	sadd.s32 @!p0 $0x100000, s1;
	[bflag:$0x2] =	sbarrier.arrive $0xFFFF  }
0xf7: {  	[sflag:s0] =	ssyncadd.tile.s32 @!p0 $0x1;
	_ =	shalt  }
.Lfunc_end2:
_tile_overlayer_lowered:
.L_overlay_start_2:
0xf8: {  	(tag) =	ssettag $0x2  }
0xf9: {  	s0 =	rddreg [dreg:$0x0];
	s2 =	stileid.u32  }
0xfa: {  	s1 =	rddreg [dreg:$0x1];
	p0 =	sne.s32 s2, $0x0  }
0xfb: {  	s3 =	rddreg [dreg:$0x2];
	[bflag:$0x3] =	sbarrier.arrive $0xFFFF;
	s2 =	simm.s32 @!p0 $0x1C01  }
0xfc: {  	[timem:s3], [sflag:s2] =	dma.local @!p0 [hbm:s0], s1  }
0xfd: {  	s0 =	simm.s32 @!p0 $0x1  }
0xfe: {  	_ =	swait.ge @!p0 [sflag:s0], s1  }
0xff: {  	s1 =	ssub.s32 @!p0 $0x0, s1;
	[sflag:s0] =	ssyncset.done @!p0 $0x0  }
0x100: {  	[sflag:s0] =	ssyncadd.s32 @!p0 s1  }
0x101: {  	[bflag:$0x3] =	sbarrier.arrive $0xFFFF  }
0x102: {  	_ =	shalt  }

</sc_bundles>
